<compile_context>
chip_gen: v7x
topology: tpu7x:2x2x1
jax: 0.10.2.dev20260603
libtpu: 0.0.44.dev20260713+nightly
codegen_flags: <defaults>
</compile_context>

<pallas_src>
import functools

import jax
import jax.numpy as jnp
from jax import lax
from jax.experimental import pallas as pl
from jax.experimental.pallas import tpu as pltpu
from jax.experimental.pallas import tpu_sc as plsc

NN = 10000
EE = 320000
DF = 128
NB = 64

NC, NS = 2, 16
NW = NC * NS
CHUNK = 128
CPW = 80
WIN = 40
EPW = CPW * CHUNK
EPAD = NW * EPW
ACC_ROWS = 10112
ZROWS = ACC_ROWS // NS
OROWS = NN // NS
DW = 128

RB = 2000
GRID = NN // RB



def _deg_body(dstp, ones_h, zeros_h, out, dstv, onesv, acc):
    c = lax.axis_index("c")
    s = lax.axis_index("s")
    w = c * NS + s
    pltpu.sync_copy(zeros_h, acc.at[pl.ds(s * ZROWS, ZROWS)])
    pltpu.sync_copy(dstp.at[w], dstv)
    pltpu.sync_copy(ones_h, onesv)
    plsc.subcore_barrier()

    def step(j, carry):
        pltpu.sync_copy(onesv, acc.at[dstv.at[j]], add=True)
        return carry

    lax.fori_loop(0, CPW, step, 0)
    plsc.subcore_barrier()
    pltpu.sync_copy(acc.at[pl.ds(s * ZROWS, ZROWS)],
                    out.at[c].at[pl.ds(s * ZROWS, ZROWS)])


_deg_kernel = functools.partial(
    pl.kernel,
    out_type=jax.ShapeDtypeStruct((NC, ACC_ROWS, DW), jnp.float32),
    mesh=plsc.VectorSubcoreMesh(core_axis_name="c", subcore_axis_name="s"),
    scratch_types=[
        pltpu.VMEM((CPW, CHUNK), jnp.int32),
        pltpu.VMEM((CHUNK, DW), jnp.float32),
        pltpu.VMEM_SHARED((ACC_ROWS, DW), jnp.float32),
    ],
)(_deg_body)


def _agg_body(g_h, srcp, dstp, zeros_h, out,
              srcv, dstv, buf0, buf1, gs0, gs1, ss0, ss1, acc):
    c = lax.axis_index("c")
    s = lax.axis_index("s")
    w = c * NS + s
    pltpu.sync_copy(zeros_h, acc.at[pl.ds(s * ZROWS, ZROWS)])
    plsc.subcore_barrier()

    for h in range(CPW // WIN):
        pltpu.sync_copy(srcp.at[w].at[pl.ds(h * WIN, WIN)], srcv)
        pltpu.sync_copy(dstp.at[w].at[pl.ds(h * WIN, WIN)], dstv)
        pltpu.async_copy(g_h.at[srcv.at[0]], buf0, gs0)
        pltpu.async_copy(g_h.at[srcv.at[1]], buf1, gs1)

        def step(j, carry):
            pltpu.make_async_copy(g_h.at[srcv.at[2 * j]], buf0, gs0).wait()
            pltpu.async_copy(buf0, acc.at[dstv.at[2 * j]], ss0, add=True)
            pltpu.make_async_copy(
                g_h.at[srcv.at[2 * j + 1]], buf1, gs1).wait()
            pltpu.async_copy(buf1, acc.at[dstv.at[2 * j + 1]], ss1, add=True)
            pltpu.make_async_copy(g_h.at[srcv.at[2 * j]], buf0, ss0).wait()
            pltpu.async_copy(g_h.at[srcv.at[2 * j + 2]], buf0, gs0)
            pltpu.make_async_copy(g_h.at[srcv.at[2 * j + 1]], buf1, ss1).wait()
            pltpu.async_copy(g_h.at[srcv.at[2 * j + 3]], buf1, gs1)
            return carry

        lax.fori_loop(0, WIN // 2 - 1, step, 0)
        pltpu.make_async_copy(g_h.at[srcv.at[WIN - 2]], buf0, gs0).wait()
        pltpu.async_copy(buf0, acc.at[dstv.at[WIN - 2]], ss0, add=True)
        pltpu.make_async_copy(g_h.at[srcv.at[WIN - 1]], buf1, gs1).wait()
        pltpu.async_copy(buf1, acc.at[dstv.at[WIN - 1]], ss1, add=True)
        pltpu.make_async_copy(g_h.at[srcv.at[WIN - 2]], buf0, ss0).wait()
        pltpu.make_async_copy(g_h.at[srcv.at[WIN - 1]], buf1, ss1).wait()
    plsc.subcore_barrier()
    pltpu.sync_copy(acc.at[pl.ds(s * ZROWS, ZROWS)],
                    out.at[c].at[pl.ds(s * ZROWS, ZROWS)])


_agg_kernel = functools.partial(
    pl.kernel,
    out_type=jax.ShapeDtypeStruct((NC, ACC_ROWS, DF), jnp.float32),
    mesh=plsc.VectorSubcoreMesh(core_axis_name="c", subcore_axis_name="s"),
    scratch_types=[
        pltpu.VMEM((WIN, CHUNK), jnp.int32),
        pltpu.VMEM((WIN, CHUNK), jnp.int32),
        pltpu.VMEM((CHUNK, DF), jnp.float32),
        pltpu.VMEM((CHUNK, DF), jnp.float32),
        pltpu.SemaphoreType.DMA,
        pltpu.SemaphoreType.DMA,
        pltpu.SemaphoreType.DMA,
        pltpu.SemaphoreType.DMA,
        pltpu.VMEM_SHARED((ACC_ROWS, DF), jnp.float32),
    ],
)(_agg_body)



def _tc0_body(x_ref, w_ref, pd_ref, g_ref, dinv_ref):
    deg = 1.0 + pd_ref[0, :, 0:1] + pd_ref[1, :, 0:1]
    dinvb = jnp.broadcast_to(lax.rsqrt(deg), (RB, DF))
    h = jnp.dot(x_ref[...], w_ref[...], preferred_element_type=jnp.float32)
    g_ref[...] = h * dinvb
    dinv_ref[...] = dinvb


def _tc0(x, w1, pd):
    return pl.pallas_call(
        _tc0_body,
        grid=(GRID,),
        in_specs=[
            pl.BlockSpec((RB, DF), lambda i: (i, 0)),
            pl.BlockSpec((DF, DF), lambda i: (0, 0)),
            pl.BlockSpec((NC, RB, DW), lambda i: (0, i, 0)),
        ],
        out_specs=[
            pl.BlockSpec((RB, DF), lambda i: (i, 0)),
            pl.BlockSpec((RB, DF), lambda i: (i, 0)),
        ],
        out_shape=[
            jax.ShapeDtypeStruct((NN, DF), jnp.float32),
            jax.ShapeDtypeStruct((NN, DF), jnp.float32),
        ],
    )(x, w1, pd)


def _tcmid_body(p_ref, g_ref, dinv_ref, b_ref, w_ref, out_ref):
    dinvb = dinv_ref[...]
    xr = jax.nn.relu(dinvb * (p_ref[0] + p_ref[1] + g_ref[...])
                     + b_ref[...])
    out_ref[...] = jnp.dot(xr, w_ref[...],
                           preferred_element_type=jnp.float32) * dinvb


def _tcmid(p, g, dinvb, b, w):
    return pl.pallas_call(
        _tcmid_body,
        grid=(GRID,),
        in_specs=[
            pl.BlockSpec((NC, RB, DF), lambda i: (0, i, 0)),
            pl.BlockSpec((RB, DF), lambda i: (i, 0)),
            pl.BlockSpec((RB, DF), lambda i: (i, 0)),
            pl.BlockSpec((1, DF), lambda i: (0, 0)),
            pl.BlockSpec((DF, DF), lambda i: (0, 0)),
        ],
        out_specs=pl.BlockSpec((RB, DF), lambda i: (i, 0)),
        out_shape=jax.ShapeDtypeStruct((NN, DF), jnp.float32),
    )(p, g, dinvb, b, w)


def _tclast_body(p_ref, g_ref, dinv_ref, b_ref, binfo_ref, out_ref):
    i = pl.program_id(0)
    x4 = jax.nn.relu(dinv_ref[...] * (p_ref[0] + p_ref[1] + g_ref[...])
                     + b_ref[...])
    lo = binfo_ref[0:1, :]
    up = binfo_ref[1:2, :]
    recip = 1.0 / jnp.maximum(up - lo, 1.0)
    rid = (lax.broadcasted_iota(jnp.int32, (RB, NB), 0)
           + i * RB).astype(jnp.float32)
    mt = jnp.where((rid >= lo) & (rid < up), recip,
                   jnp.zeros((RB, NB), jnp.float32))
    contrib = lax.dot_general(mt, x4, (((0,), (0,)), ((), ())),
                              preferred_element_type=jnp.float32)

    @pl.when(i == 0)
    def _():
        out_ref[...] = contrib

    @pl.when(i > 0)
    def _():
        out_ref[...] += contrib


def _tclast(p, g, dinvb, b, binfo):
    return pl.pallas_call(
        _tclast_body,
        grid=(GRID,),
        in_specs=[
            pl.BlockSpec((NC, RB, DF), lambda i: (0, i, 0)),
            pl.BlockSpec((RB, DF), lambda i: (i, 0)),
            pl.BlockSpec((RB, DF), lambda i: (i, 0)),
            pl.BlockSpec((1, DF), lambda i: (0, 0)),
            pl.BlockSpec((8, NB), lambda i: (0, 0)),
        ],
        out_specs=pl.BlockSpec((NB, DF), lambda i: (0, 0)),
        out_shape=jax.ShapeDtypeStruct((NB, DF), jnp.float32),
        compiler_params=pltpu.CompilerParams(
            dimension_semantics=("arbitrary",)),
    )(p, g, dinvb, b, binfo)



def kernel(x, edge_index, batch, W1, b1, W2, b2, W3, b3):
    src = edge_index[0]
    dst = edge_index[1]
    pad = EPAD - EE
    srcp = jnp.concatenate(
        [src, jnp.zeros((pad,), jnp.int32)]).reshape(NW, CPW, CHUNK)
    padv = NN + (jnp.arange(pad, dtype=jnp.int32) % (ACC_ROWS - NN))
    dstp = jnp.concatenate([dst, padv]).reshape(NW, CPW, CHUNK)

    zeros_f = jnp.zeros((ZROWS, DF), jnp.float32)
    zeros_d = jnp.zeros((ZROWS, DW), jnp.float32)
    ones_d = jnp.ones((CHUNK, DW), jnp.float32)

    lo = batch[:NB].astype(jnp.float32)
    up = batch[1:].astype(jnp.float32)
    binfo = jnp.concatenate(
        [lo[None], up[None], jnp.zeros((6, NB), jnp.float32)], axis=0)

    b1r = b1.reshape(1, DF)
    b2r = b2.reshape(1, DF)
    b3r = b3.reshape(1, DF)

    pd = _deg_kernel(dstp, ones_d, zeros_d)
    g1, dinvb = _tc0(x, W1, pd)
    p = _agg_kernel(g1, srcp, dstp, zeros_f)
    g2 = _tcmid(p, g1, dinvb, b1r, W2)
    p = _agg_kernel(g2, srcp, dstp, zeros_f)
    g3 = _tcmid(p, g2, dinvb, b2r, W3)
    p = _agg_kernel(g3, srcp, dstp, zeros_f)
    return _tclast(p, g3, dinvb, b3r, binfo)

# --- scband reference (transcript-rebuilt; emitter-appended) ---
"""Pipeline reference for scband-gcn-5471788335177 (READ-ONLY COPY).

The authoritative reference and input builder live on the scoring server;
editing this copy changes nothing except your own understanding.
"""

import jax, jax.numpy as jnp
import numpy as np

N = 10000
E = 320000
D_FEAT = 128
D_HID = 128
B = 64


def gcn_conv(x, edge_index, W, b):
    # PyG GCNConv: add self-loops, symmetric normalization, linear, scatter-add aggregate, bias
    src = edge_index[0]
    dst = edge_index[1]
    loop = jnp.arange(N, dtype=src.dtype)
    src = jnp.concatenate([src, loop])
    dst = jnp.concatenate([dst, loop])
    ones = jnp.ones(src.shape[0], dtype=x.dtype)
    deg = jnp.zeros((N,), dtype=x.dtype).at[dst].add(ones)
    dinv = jnp.where(deg > 0, 1.0 / jnp.sqrt(deg), 0.0)
    norm = dinv[src] * dinv[dst]
    h = x @ W
    msg = h[src] * norm[:, None]
    out = jnp.zeros_like(h).at[dst].add(msg)
    return out + b


def segment_mean_csr(x, indptr):
    # torch_scatter.segment_csr(x, indptr, reduce='mean')
    d = x.shape[1]
    csum = jnp.concatenate([jnp.zeros((1, d), dtype=x.dtype), jnp.cumsum(x, axis=0)], axis=0)
    sums = csum[indptr[1:]] - csum[indptr[:-1]]
    counts = (indptr[1:] - indptr[:-1]).astype(x.dtype)
    return sums / jnp.maximum(counts, 1.0)[:, None]


def setup_inputs(seed: int = 0):
    key = jax.random.key(seed)
    ks = jax.random.split(key, 10)
    x = jax.random.normal(ks[0], (N, D_FEAT), dtype=jnp.float32)
    edge_index = jax.random.randint(ks[1], (2, E), 0, N, dtype=jnp.int32)
    batch = jnp.sort(jax.random.randint(ks[2], (B + 1,), 0, N, dtype=jnp.int32))
    W1 = jax.random.normal(ks[3], (D_FEAT, D_HID), dtype=jnp.float32) * 0.05
    b1 = jnp.zeros((D_HID,), dtype=jnp.float32)
    W2 = jax.random.normal(ks[4], (D_HID, D_HID), dtype=jnp.float32) * 0.05
    b2 = jnp.zeros((D_HID,), dtype=jnp.float32)
    W3 = jax.random.normal(ks[5], (D_HID, D_HID), dtype=jnp.float32) * 0.05
    b3 = jnp.zeros((D_HID,), dtype=jnp.float32)
    return {"x": x, "edge_index": edge_index, "batch": batch, "W1": W1, "b1": b1, "W2": W2, "b2": b2, "W3": W3, "b3": b3}


def reference(x, edge_index, batch, W1, b1, W2, b2, W3, b3):
    h = jax.nn.relu(gcn_conv(x, edge_index, W1, b1))
    h = jax.nn.relu(gcn_conv(h, edge_index, W2, b2))
    h = jax.nn.relu(gcn_conv(h, edge_index, W3, b3))
    return segment_mean_csr(h, batch)

if __name__ == "__main__":
    import jax
    _d = setup_inputs()
    print(jax.jit(kernel)(*tuple(_d.values())))

</pallas_src>

<mosaic_0001>
#map = affine_map<(d0, d1) -> (0, 0)>
#map1 = affine_map<(d0, d1) -> (0, 0, 0)>
module attributes {stable_mosaic.version = 14 : i64} {
  func.func @_agg_body(%arg0: i32, %arg1: i32, %arg2: memref<10000x128xf32, #tpu.memory_space<hbm>>, %arg3: memref<32x80x128xi32, #tpu.memory_space<hbm>>, %arg4: memref<32x80x128xi32, #tpu.memory_space<hbm>>, %arg5: memref<632x128xf32, #tpu.memory_space<hbm>>, %arg6: memref<2x10112x128xf32, #tpu.memory_space<hbm>>, %arg7: memref<40x128xi32, #tpu.memory_space<vmem>>, %arg8: memref<40x128xi32, #tpu.memory_space<vmem>>, %arg9: memref<128x128xf32, #tpu.memory_space<vmem>>, %arg10: memref<128x128xf32, #tpu.memory_space<vmem>>, %arg11: memref<!tpu.dma_semaphore, #tpu.memory_space<semaphore_mem>>, %arg12: memref<!tpu.dma_semaphore, #tpu.memory_space<semaphore_mem>>, %arg13: memref<!tpu.dma_semaphore, #tpu.memory_space<semaphore_mem>>, %arg14: memref<!tpu.dma_semaphore, #tpu.memory_space<semaphore_mem>>, %arg15: memref<10112x128xf32, #tpu.memory_space<vmem_shared>>) attributes {dimension_semantics = [#tpu.dimension_semantics<core_parallel>, #tpu.dimension_semantics<subcore_parallel>], iteration_bounds = array<i64: 2, 16>, scalar_prefetch = 0 : i64, scratch_operands = 9 : i64, tpu.core_type = #tpu.core_type<sc_vector_subcore>, window_params = [{transform_indices = #map}, {transform_indices = #map1}, {transform_indices = #map1}, {transform_indices = #map}, {transform_indices = #map1}]} {
    %mul3A = arith.constant 16 : i32
    %mul3A_0 = arith.muli %arg0, %mul3A : i32
    %add3A = arith.addi %mul3A_0, %arg1 : i32
    %mul3A_1 = arith.constant 632 : i32
    %mul3A_2 = arith.muli %arg1, %mul3A_1 : i32
    "tpu.region"() ({
      %run_scoped3A = tpu.sem_alloc : memref<!tpu.dma_semaphore, #tpu.memory_space<semaphore_mem>>
      %dma_start3A_129 = arith.constant 0 : i32
      %dma_start3A_130 = tpu.memref_slice %arg15[%mul3A_2, %dma_start3A_129] : memref<10112x128xf32, #tpu.memory_space<vmem_shared>> -> memref<632x128xf32, #tpu.memory_space<vmem_shared>>
      tpu.enqueue_dma source(%arg5 : memref<632x128xf32, #tpu.memory_space<hbm>>) target(%dma_start3A_130 : memref<632x128xf32, #tpu.memory_space<vmem_shared>>) target_semaphore(%run_scoped3A : memref<!tpu.dma_semaphore, #tpu.memory_space<semaphore_mem>>)
      %dma_wait3A_131 = arith.constant 0 : i32
      %dma_wait3A_132 = tpu.memref_slice %arg15[%mul3A_2, %dma_wait3A_131] : memref<10112x128xf32, #tpu.memory_space<vmem_shared>> -> memref<632x128xf32, #tpu.memory_space<vmem_shared>>
      tpu.wait_dma2 semaphore(%run_scoped3A : memref<!tpu.dma_semaphore, #tpu.memory_space<semaphore_mem>>) src(%arg5 : memref<632x128xf32, #tpu.memory_space<hbm>>) dst(%dma_wait3A_132 : memref<632x128xf32, #tpu.memory_space<vmem_shared>>)
      tpu.yield
    }) : () -> ()
    %barrier3A = arith.constant 0 : index
    tpu.barrier barrier_id(%barrier3A)
    "tpu.region"() ({
      %run_scoped3A = tpu.sem_alloc : memref<!tpu.dma_semaphore, #tpu.memory_space<semaphore_mem>>
      %dma_start3A_129 = arith.constant 0 : i32
      %dma_start3A_130 = arith.constant 0 : i32
      %dma_start3A_131 = tpu.memref_slice %arg3[%add3A, %dma_start3A_129, %dma_start3A_130] : memref<32x80x128xi32, #tpu.memory_space<hbm>> -> memref<1x80x128xi32, #tpu.memory_space<hbm>>
      %dma_start3A_132 = tpu.memref_squeeze %dma_start3A_131 : memref<1x80x128xi32, #tpu.memory_space<hbm>> -> memref<80x128xi32, #tpu.memory_space<hbm>>
      %dma_start3A_133 = arith.constant 0 : i32
      %dma_start3A_134 = arith.constant 0 : i32
      %dma_start3A_135 = tpu.memref_slice %dma_start3A_132[%dma_start3A_133, %dma_start3A_134] : memref<80x128xi32, #tpu.memory_space<hbm>> -> memref<40x128xi32, #tpu.memory_space<hbm>>
      %dma_start3A_136 = arith.constant 0 : i32
      %dma_start3A_137 = arith.constant 0 : i32
      %dma_start3A_138 = tpu.memref_slice %arg3[%add3A, %dma_start3A_136, %dma_start3A_137] : memref<32x80x128xi32, #tpu.memory_space<hbm>> -> memref<1x80x128xi32, #tpu.memory_space<hbm>>
      %dma_start3A_139 = tpu.memref_squeeze %dma_start3A_138 : memref<1x80x128xi32, #tpu.memory_space<hbm>> -> memref<80x128xi32, #tpu.memory_space<hbm>>
      %dma_start3A_140 = arith.constant 0 : i32
      %dma_start3A_141 = arith.constant 0 : i32
      %dma_start3A_142 = tpu.memref_slice %dma_start3A_139[%dma_start3A_140, %dma_start3A_141] : memref<80x128xi32, #tpu.memory_space<hbm>> -> memref<40x128xi32, #tpu.memory_space<hbm>>
      tpu.enqueue_dma source(%dma_start3A_142 : memref<40x128xi32, #tpu.memory_space<hbm>>) target(%arg7 : memref<40x128xi32, #tpu.memory_space<vmem>>) target_semaphore(%run_scoped3A : memref<!tpu.dma_semaphore, #tpu.memory_space<semaphore_mem>>)
      %dma_wait3A_143 = arith.constant 0 : i32
      %dma_wait3A_144 = arith.constant 0 : i32
      %dma_wait3A_145 = tpu.memref_slice %arg3[%add3A, %dma_wait3A_143, %dma_wait3A_144] : memref<32x80x128xi32, #tpu.memory_space<hbm>> -> memref<1x80x128xi32, #tpu.memory_space<hbm>>
      %dma_wait3A_146 = tpu.memref_squeeze %dma_wait3A_145 : memref<1x80x128xi32, #tpu.memory_space<hbm>> -> memref<80x128xi32, #tpu.memory_space<hbm>>
      %dma_wait3A_147 = arith.constant 0 : i32
      %dma_wait3A_148 = arith.constant 0 : i32
      %dma_wait3A_149 = tpu.memref_slice %dma_wait3A_146[%dma_wait3A_147, %dma_wait3A_148] : memref<80x128xi32, #tpu.memory_space<hbm>> -> memref<40x128xi32, #tpu.memory_space<hbm>>
      %dma_wait3A_150 = arith.constant 0 : i32
      %dma_wait3A_151 = arith.constant 0 : i32
      %dma_wait3A_152 = tpu.memref_slice %arg3[%add3A, %dma_wait3A_150, %dma_wait3A_151] : memref<32x80x128xi32, #tpu.memory_space<hbm>> -> memref<1x80x128xi32, #tpu.memory_space<hbm>>
      %dma_wait3A_153 = tpu.memref_squeeze %dma_wait3A_152 : memref<1x80x128xi32, #tpu.memory_space<hbm>> -> memref<80x128xi32, #tpu.memory_space<hbm>>
      %dma_wait3A_154 = arith.constant 0 : i32
      %dma_wait3A_155 = arith.constant 0 : i32
      %dma_wait3A_156 = tpu.memref_slice %dma_wait3A_153[%dma_wait3A_154, %dma_wait3A_155] : memref<80x128xi32, #tpu.memory_space<hbm>> -> memref<40x128xi32, #tpu.memory_space<hbm>>
      tpu.wait_dma2 semaphore(%run_scoped3A : memref<!tpu.dma_semaphore, #tpu.memory_space<semaphore_mem>>) src(%dma_wait3A_156 : memref<40x128xi32, #tpu.memory_space<hbm>>) dst(%arg7 : memref<40x128xi32, #tpu.memory_space<vmem>>)
      tpu.yield
    }) : () -> ()
    "tpu.region"() ({
      %run_scoped3A = tpu.sem_alloc : memref<!tpu.dma_semaphore, #tpu.memory_space<semaphore_mem>>
      %dma_start3A_129 = arith.constant 0 : i32
      %dma_start3A_130 = arith.constant 0 : i32
      %dma_start3A_131 = tpu.memref_slice %arg4[%add3A, %dma_start3A_129, %dma_start3A_130] : memref<32x80x128xi32, #tpu.memory_space<hbm>> -> memref<1x80x128xi32, #tpu.memory_space<hbm>>
      %dma_start3A_132 = tpu.memref_squeeze %dma_start3A_131 : memref<1x80x128xi32, #tpu.memory_space<hbm>> -> memref<80x128xi32, #tpu.memory_space<hbm>>
      %dma_start3A_133 = arith.constant 0 : i32
      %dma_start3A_134 = arith.constant 0 : i32
      %dma_start3A_135 = tpu.memref_slice %dma_start3A_132[%dma_start3A_133, %dma_start3A_134] : memref<80x128xi32, #tpu.memory_space<hbm>> -> memref<40x128xi32, #tpu.memory_space<hbm>>
      %dma_start3A_136 = arith.constant 0 : i32
      %dma_start3A_137 = arith.constant 0 : i32
      %dma_start3A_138 = tpu.memref_slice %arg4[%add3A, %dma_start3A_136, %dma_start3A_137] : memref<32x80x128xi32, #tpu.memory_space<hbm>> -> memref<1x80x128xi32, #tpu.memory_space<hbm>>
      %dma_start3A_139 = tpu.memref_squeeze %dma_start3A_138 : memref<1x80x128xi32, #tpu.memory_space<hbm>> -> memref<80x128xi32, #tpu.memory_space<hbm>>
      %dma_start3A_140 = arith.constant 0 : i32
      %dma_start3A_141 = arith.constant 0 : i32
      %dma_start3A_142 = tpu.memref_slice %dma_start3A_139[%dma_start3A_140, %dma_start3A_141] : memref<80x128xi32, #tpu.memory_space<hbm>> -> memref<40x128xi32, #tpu.memory_space<hbm>>
      tpu.enqueue_dma source(%dma_start3A_142 : memref<40x128xi32, #tpu.memory_space<hbm>>) target(%arg8 : memref<40x128xi32, #tpu.memory_space<vmem>>) target_semaphore(%run_scoped3A : memref<!tpu.dma_semaphore, #tpu.memory_space<semaphore_mem>>)
      %dma_wait3A_143 = arith.constant 0 : i32
      %dma_wait3A_144 = arith.constant 0 : i32
      %dma_wait3A_145 = tpu.memref_slice %arg4[%add3A, %dma_wait3A_143, %dma_wait3A_144] : memref<32x80x128xi32, #tpu.memory_space<hbm>> -> memref<1x80x128xi32, #tpu.memory_space<hbm>>
      %dma_wait3A_146 = tpu.memref_squeeze %dma_wait3A_145 : memref<1x80x128xi32, #tpu.memory_space<hbm>> -> memref<80x128xi32, #tpu.memory_space<hbm>>
      %dma_wait3A_147 = arith.constant 0 : i32
      %dma_wait3A_148 = arith.constant 0 : i32
      %dma_wait3A_149 = tpu.memref_slice %dma_wait3A_146[%dma_wait3A_147, %dma_wait3A_148] : memref<80x128xi32, #tpu.memory_space<hbm>> -> memref<40x128xi32, #tpu.memory_space<hbm>>
      %dma_wait3A_150 = arith.constant 0 : i32
      %dma_wait3A_151 = arith.constant 0 : i32
      %dma_wait3A_152 = tpu.memref_slice %arg4[%add3A, %dma_wait3A_150, %dma_wait3A_151] : memref<32x80x128xi32, #tpu.memory_space<hbm>> -> memref<1x80x128xi32, #tpu.memory_space<hbm>>
      %dma_wait3A_153 = tpu.memref_squeeze %dma_wait3A_152 : memref<1x80x128xi32, #tpu.memory_space<hbm>> -> memref<80x128xi32, #tpu.memory_space<hbm>>
      %dma_wait3A_154 = arith.constant 0 : i32
      %dma_wait3A_155 = arith.constant 0 : i32
      %dma_wait3A_156 = tpu.memref_slice %dma_wait3A_153[%dma_wait3A_154, %dma_wait3A_155] : memref<80x128xi32, #tpu.memory_space<hbm>> -> memref<40x128xi32, #tpu.memory_space<hbm>>
      tpu.wait_dma2 semaphore(%run_scoped3A : memref<!tpu.dma_semaphore, #tpu.memory_space<semaphore_mem>>) src(%dma_wait3A_156 : memref<40x128xi32, #tpu.memory_space<hbm>>) dst(%arg8 : memref<40x128xi32, #tpu.memory_space<vmem>>)
      tpu.yield
    }) : () -> ()
    %dma_start3A = arith.constant 0 : i32
    %dma_start3A_3 = arith.constant 0 : i32
    %dma_start3A_4 = tpu.memref_slice %arg7[%dma_start3A, %dma_start3A_3] : memref<40x128xi32, #tpu.memory_space<vmem>> -> memref<1x128xi32, #tpu.memory_space<vmem>>
    %dma_start3A_5 = tpu.memref_squeeze %dma_start3A_4 : memref<1x128xi32, #tpu.memory_space<vmem>> -> memref<128xi32, #tpu.memory_space<vmem>>
    %dma_start3A_6 = arith.constant 0 : i32
    %dma_start3A_7 = arith.constant 0 : i32
    %dma_start3A_8 = tpu.memref_slice %arg2[%dma_start3A_6, %dma_start3A_7] : memref<10000x128xf32, #tpu.memory_space<hbm>> -> memref<10000x128xf32, #tpu.memory_space<hbm>>
    tpu.enqueue_indirect_dma source(%dma_start3A_8 : memref<10000x128xf32, #tpu.memory_space<hbm>>) target(%arg9 : memref<128x128xf32, #tpu.memory_space<vmem>>) offsets(%dma_start3A_5 : memref<128xi32, #tpu.memory_space<vmem>>) semaphore(%arg11 : memref<!tpu.dma_semaphore, #tpu.memory_space<semaphore_mem>>)
    %dma_start3A_9 = arith.constant 1 : i32
    %dma_start3A_10 = arith.constant 0 : i32
    %dma_start3A_11 = tpu.memref_slice %arg7[%dma_start3A_9, %dma_start3A_10] : memref<40x128xi32, #tpu.memory_space<vmem>> -> memref<1x128xi32, #tpu.memory_space<vmem>>
    %dma_start3A_12 = tpu.memref_squeeze %dma_start3A_11 : memref<1x128xi32, #tpu.memory_space<vmem>> -> memref<128xi32, #tpu.memory_space<vmem>>
    %dma_start3A_13 = arith.constant 0 : i32
    %dma_start3A_14 = arith.constant 0 : i32
    %dma_start3A_15 = tpu.memref_slice %arg2[%dma_start3A_13, %dma_start3A_14] : memref<10000x128xf32, #tpu.memory_space<hbm>> -> memref<10000x128xf32, #tpu.memory_space<hbm>>
    tpu.enqueue_indirect_dma source(%dma_start3A_15 : memref<10000x128xf32, #tpu.memory_space<hbm>>) target(%arg10 : memref<128x128xf32, #tpu.memory_space<vmem>>) offsets(%dma_start3A_12 : memref<128xi32, #tpu.memory_space<vmem>>) semaphore(%arg12 : memref<!tpu.dma_semaphore, #tpu.memory_space<semaphore_mem>>)
    %scan3A = arith.constant 0 : i32
    %scan3A_16 = arith.constant 0 : i32
    %scan3A_17 = arith.constant 19 : i32
    %scan3A_18 = arith.addi %scan3A_16, %scan3A_17 : i32
    %scan3A_19 = arith.constant 1 : i32
    scf.for %scan3A_129 = %scan3A_16 to %scan3A_18 step %scan3A_19  : i32 {
      %mul3A_130 = arith.constant 2 : i32
      %mul3A_131 = arith.muli %mul3A_130, %scan3A_129 : i32
      %dma_wait3A_132 = arith.constant 0 : i32
      %dma_wait3A_133 = tpu.memref_slice %arg7[%mul3A_131, %dma_wait3A_132] : memref<40x128xi32, #tpu.memory_space<vmem>> -> memref<1x128xi32, #tpu.memory_space<vmem>>
      %dma_wait3A_134 = tpu.memref_squeeze %dma_wait3A_133 : memref<1x128xi32, #tpu.memory_space<vmem>> -> memref<128xi32, #tpu.memory_space<vmem>>
      %dma_wait3A_135 = arith.constant 0 : i32
      %dma_wait3A_136 = arith.constant 0 : i32
      %dma_wait3A_137 = tpu.memref_slice %arg2[%dma_wait3A_135, %dma_wait3A_136] : memref<10000x128xf32, #tpu.memory_space<hbm>> -> memref<10000x128xf32, #tpu.memory_space<hbm>>
      tpu.wait_indirect_dma semaphore(%arg11 : memref<!tpu.dma_semaphore, #tpu.memory_space<semaphore_mem>>) src(%dma_wait3A_137 : memref<10000x128xf32, #tpu.memory_space<hbm>>) dst(%arg9 : memref<128x128xf32, #tpu.memory_space<vmem>>)
      %mul3A_138 = arith.constant 2 : i32
      %mul3A_139 = arith.muli %mul3A_138, %scan3A_129 : i32
      %dma_start3A_140 = arith.constant 0 : i32
      %dma_start3A_141 = tpu.memref_slice %arg8[%mul3A_139, %dma_start3A_140] : memref<40x128xi32, #tpu.memory_space<vmem>> -> memref<1x128xi32, #tpu.memory_space<vmem>>
      %dma_start3A_142 = tpu.memref_squeeze %dma_start3A_141 : memref<1x128xi32, #tpu.memory_space<vmem>> -> memref<128xi32, #tpu.memory_space<vmem>>
      %dma_start3A_143 = arith.constant 0 : i32
      %dma_start3A_144 = arith.constant 0 : i32
      %dma_start3A_145 = tpu.memref_slice %arg15[%dma_start3A_143, %dma_start3A_144] : memref<10112x128xf32, #tpu.memory_space<vmem_shared>> -> memref<10112x128xf32, #tpu.memory_space<vmem_shared>>
      tpu.enqueue_indirect_dma source(%arg9 : memref<128x128xf32, #tpu.memory_space<vmem>>) target(%dma_start3A_145 : memref<10112x128xf32, #tpu.memory_space<vmem_shared>>) offsets(%dma_start3A_142 : memref<128xi32, #tpu.memory_space<vmem>>) semaphore(%arg13 : memref<!tpu.dma_semaphore, #tpu.memory_space<semaphore_mem>>) {add = true}
      %mul3A_146 = arith.constant 2 : i32
      %mul3A_147 = arith.muli %mul3A_146, %scan3A_129 : i32
      %add3A_148 = arith.constant 1 : i32
      %add3A_149 = arith.addi %mul3A_147, %add3A_148 : i32
      %dma_wait3A_150 = arith.constant 0 : i32
      %dma_wait3A_151 = tpu.memref_slice %arg7[%add3A_149, %dma_wait3A_150] : memref<40x128xi32, #tpu.memory_space<vmem>> -> memref<1x128xi32, #tpu.memory_space<vmem>>
      %dma_wait3A_152 = tpu.memref_squeeze %dma_wait3A_151 : memref<1x128xi32, #tpu.memory_space<vmem>> -> memref<128xi32, #tpu.memory_space<vmem>>
      %dma_wait3A_153 = arith.constant 0 : i32
      %dma_wait3A_154 = arith.constant 0 : i32
      %dma_wait3A_155 = tpu.memref_slice %arg2[%dma_wait3A_153, %dma_wait3A_154] : memref<10000x128xf32, #tpu.memory_space<hbm>> -> memref<10000x128xf32, #tpu.memory_space<hbm>>
      tpu.wait_indirect_dma semaphore(%arg12 : memref<!tpu.dma_semaphore, #tpu.memory_space<semaphore_mem>>) src(%dma_wait3A_155 : memref<10000x128xf32, #tpu.memory_space<hbm>>) dst(%arg10 : memref<128x128xf32, #tpu.memory_space<vmem>>)
      %mul3A_156 = arith.constant 2 : i32
      %mul3A_157 = arith.muli %mul3A_156, %scan3A_129 : i32
      %add3A_158 = arith.constant 1 : i32
      %add3A_159 = arith.addi %mul3A_157, %add3A_158 : i32
      %dma_start3A_160 = arith.constant 0 : i32
      %dma_start3A_161 = tpu.memref_slice %arg8[%add3A_159, %dma_start3A_160] : memref<40x128xi32, #tpu.memory_space<vmem>> -> memref<1x128xi32, #tpu.memory_space<vmem>>
      %dma_start3A_162 = tpu.memref_squeeze %dma_start3A_161 : memref<1x128xi32, #tpu.memory_space<vmem>> -> memref<128xi32, #tpu.memory_space<vmem>>
      %dma_start3A_163 = arith.constant 0 : i32
      %dma_start3A_164 = arith.constant 0 : i32
      %dma_start3A_165 = tpu.memref_slice %arg15[%dma_start3A_163, %dma_start3A_164] : memref<10112x128xf32, #tpu.memory_space<vmem_shared>> -> memref<10112x128xf32, #tpu.memory_space<vmem_shared>>
      tpu.enqueue_indirect_dma source(%arg10 : memref<128x128xf32, #tpu.memory_space<vmem>>) target(%dma_start3A_165 : memref<10112x128xf32, #tpu.memory_space<vmem_shared>>) offsets(%dma_start3A_162 : memref<128xi32, #tpu.memory_space<vmem>>) semaphore(%arg14 : memref<!tpu.dma_semaphore, #tpu.memory_space<semaphore_mem>>) {add = true}
      %mul3A_166 = arith.constant 2 : i32
      %mul3A_167 = arith.muli %mul3A_166, %scan3A_129 : i32
      %dma_wait3A_168 = arith.constant 0 : i32
      %dma_wait3A_169 = tpu.memref_slice %arg7[%mul3A_167, %dma_wait3A_168] : memref<40x128xi32, #tpu.memory_space<vmem>> -> memref<1x128xi32, #tpu.memory_space<vmem>>
      %dma_wait3A_170 = tpu.memref_squeeze %dma_wait3A_169 : memref<1x128xi32, #tpu.memory_space<vmem>> -> memref<128xi32, #tpu.memory_space<vmem>>
      %dma_wait3A_171 = arith.constant 0 : i32
      %dma_wait3A_172 = arith.constant 0 : i32
      %dma_wait3A_173 = tpu.memref_slice %arg2[%dma_wait3A_171, %dma_wait3A_172] : memref<10000x128xf32, #tpu.memory_space<hbm>> -> memref<10000x128xf32, #tpu.memory_space<hbm>>
      tpu.wait_indirect_dma semaphore(%arg13 : memref<!tpu.dma_semaphore, #tpu.memory_space<semaphore_mem>>) src(%dma_wait3A_173 : memref<10000x128xf32, #tpu.memory_space<hbm>>) dst(%arg9 : memref<128x128xf32, #tpu.memory_space<vmem>>)
      %mul3A_174 = arith.constant 2 : i32
      %mul3A_175 = arith.muli %mul3A_174, %scan3A_129 : i32
      %add3A_176 = arith.constant 2 : i32
      %add3A_177 = arith.addi %mul3A_175, %add3A_176 : i32
      %dma_start3A_178 = arith.constant 0 : i32
      %dma_start3A_179 = tpu.memref_slice %arg7[%add3A_177, %dma_start3A_178] : memref<40x128xi32, #tpu.memory_space<vmem>> -> memref<1x128xi32, #tpu.memory_space<vmem>>
      %dma_start3A_180 = tpu.memref_squeeze %dma_start3A_179 : memref<1x128xi32, #tpu.memory_space<vmem>> -> memref<128xi32, #tpu.memory_space<vmem>>
      %dma_start3A_181 = arith.constant 0 : i32
      %dma_start3A_182 = arith.constant 0 : i32
      %dma_start3A_183 = tpu.memref_slice %arg2[%dma_start3A_181, %dma_start3A_182] : memref<10000x128xf32, #tpu.memory_space<hbm>> -> memref<10000x128xf32, #tpu.memory_space<hbm>>
      tpu.enqueue_indirect_dma source(%dma_start3A_183 : memref<10000x128xf32, #tpu.memory_space<hbm>>) target(%arg9 : memref<128x128xf32, #tpu.memory_space<vmem>>) offsets(%dma_start3A_180 : memref<128xi32, #tpu.memory_space<vmem>>) semaphore(%arg11 : memref<!tpu.dma_semaphore, #tpu.memory_space<semaphore_mem>>)
      %mul3A_184 = arith.constant 2 : i32
      %mul3A_185 = arith.muli %mul3A_184, %scan3A_129 : i32
      %add3A_186 = arith.constant 1 : i32
      %add3A_187 = arith.addi %mul3A_185, %add3A_186 : i32
      %dma_wait3A_188 = arith.constant 0 : i32
      %dma_wait3A_189 = tpu.memref_slice %arg7[%add3A_187, %dma_wait3A_188] : memref<40x128xi32, #tpu.memory_space<vmem>> -> memref<1x128xi32, #tpu.memory_space<vmem>>
      %dma_wait3A_190 = tpu.memref_squeeze %dma_wait3A_189 : memref<1x128xi32, #tpu.memory_space<vmem>> -> memref<128xi32, #tpu.memory_space<vmem>>
      %dma_wait3A_191 = arith.constant 0 : i32
      %dma_wait3A_192 = arith.constant 0 : i32
      %dma_wait3A_193 = tpu.memref_slice %arg2[%dma_wait3A_191, %dma_wait3A_192] : memref<10000x128xf32, #tpu.memory_space<hbm>> -> memref<10000x128xf32, #tpu.memory_space<hbm>>
      tpu.wait_indirect_dma semaphore(%arg14 : memref<!tpu.dma_semaphore, #tpu.memory_space<semaphore_mem>>) src(%dma_wait3A_193 : memref<10000x128xf32, #tpu.memory_space<hbm>>) dst(%arg10 : memref<128x128xf32, #tpu.memory_space<vmem>>)
      %mul3A_194 = arith.constant 2 : i32
      %mul3A_195 = arith.muli %mul3A_194, %scan3A_129 : i32
      %add3A_196 = arith.constant 3 : i32
      %add3A_197 = arith.addi %mul3A_195, %add3A_196 : i32
      %dma_start3A_198 = arith.constant 0 : i32
      %dma_start3A_199 = tpu.memref_slice %arg7[%add3A_197, %dma_start3A_198] : memref<40x128xi32, #tpu.memory_space<vmem>> -> memref<1x128xi32, #tpu.memory_space<vmem>>
      %dma_start3A_200 = tpu.memref_squeeze %dma_start3A_199 : memref<1x128xi32, #tpu.memory_space<vmem>> -> memref<128xi32, #tpu.memory_space<vmem>>
      %dma_start3A_201 = arith.constant 0 : i32
      %dma_start3A_202 = arith.constant 0 : i32
      %dma_start3A_203 = tpu.memref_slice %arg2[%dma_start3A_201, %dma_start3A_202] : memref<10000x128xf32, #tpu.memory_space<hbm>> -> memref<10000x128xf32, #tpu.memory_space<hbm>>
      tpu.enqueue_indirect_dma source(%dma_start3A_203 : memref<10000x128xf32, #tpu.memory_space<hbm>>) target(%arg10 : memref<128x128xf32, #tpu.memory_space<vmem>>) offsets(%dma_start3A_200 : memref<128xi32, #tpu.memory_space<vmem>>) semaphore(%arg12 : memref<!tpu.dma_semaphore, #tpu.memory_space<semaphore_mem>>)
    }
    %scan3A_20 = arith.constant 19 : i32
    %dma_wait3A = arith.constant 38 : i32
    %dma_wait3A_21 = arith.constant 0 : i32
    %dma_wait3A_22 = tpu.memref_slice %arg7[%dma_wait3A, %dma_wait3A_21] : memref<40x128xi32, #tpu.memory_space<vmem>> -> memref<1x128xi32, #tpu.memory_space<vmem>>
    %dma_wait3A_23 = tpu.memref_squeeze %dma_wait3A_22 : memref<1x128xi32, #tpu.memory_space<vmem>> -> memref<128xi32, #tpu.memory_space<vmem>>
    %dma_wait3A_24 = arith.constant 0 : i32
    %dma_wait3A_25 = arith.constant 0 : i32
    %dma_wait3A_26 = tpu.memref_slice %arg2[%dma_wait3A_24, %dma_wait3A_25] : memref<10000x128xf32, #tpu.memory_space<hbm>> -> memref<10000x128xf32, #tpu.memory_space<hbm>>
    tpu.wait_indirect_dma semaphore(%arg11 : memref<!tpu.dma_semaphore, #tpu.memory_space<semaphore_mem>>) src(%dma_wait3A_26 : memref<10000x128xf32, #tpu.memory_space<hbm>>) dst(%arg9 : memref<128x128xf32, #tpu.memory_space<vmem>>)
    %dma_start3A_27 = arith.constant 38 : i32
    %dma_start3A_28 = arith.constant 0 : i32
    %dma_start3A_29 = tpu.memref_slice %arg8[%dma_start3A_27, %dma_start3A_28] : memref<40x128xi32, #tpu.memory_space<vmem>> -> memref<1x128xi32, #tpu.memory_space<vmem>>
    %dma_start3A_30 = tpu.memref_squeeze %dma_start3A_29 : memref<1x128xi32, #tpu.memory_space<vmem>> -> memref<128xi32, #tpu.memory_space<vmem>>
    %dma_start3A_31 = arith.constant 0 : i32
    %dma_start3A_32 = arith.constant 0 : i32
    %dma_start3A_33 = tpu.memref_slice %arg15[%dma_start3A_31, %dma_start3A_32] : memref<10112x128xf32, #tpu.memory_space<vmem_shared>> -> memref<10112x128xf32, #tpu.memory_space<vmem_shared>>
    tpu.enqueue_indirect_dma source(%arg9 : memref<128x128xf32, #tpu.memory_space<vmem>>) target(%dma_start3A_33 : memref<10112x128xf32, #tpu.memory_space<vmem_shared>>) offsets(%dma_start3A_30 : memref<128xi32, #tpu.memory_space<vmem>>) semaphore(%arg13 : memref<!tpu.dma_semaphore, #tpu.memory_space<semaphore_mem>>) {add = true}
    %dma_wait3A_34 = arith.constant 39 : i32
    %dma_wait3A_35 = arith.constant 0 : i32
    %dma_wait3A_36 = tpu.memref_slice %arg7[%dma_wait3A_34, %dma_wait3A_35] : memref<40x128xi32, #tpu.memory_space<vmem>> -> memref<1x128xi32, #tpu.memory_space<vmem>>
    %dma_wait3A_37 = tpu.memref_squeeze %dma_wait3A_36 : memref<1x128xi32, #tpu.memory_space<vmem>> -> memref<128xi32, #tpu.memory_space<vmem>>
    %dma_wait3A_38 = arith.constant 0 : i32
    %dma_wait3A_39 = arith.constant 0 : i32
    %dma_wait3A_40 = tpu.memref_slice %arg2[%dma_wait3A_38, %dma_wait3A_39] : memref<10000x128xf32, #tpu.memory_space<hbm>> -> memref<10000x128xf32, #tpu.memory_space<hbm>>
    tpu.wait_indirect_dma semaphore(%arg12 : memref<!tpu.dma_semaphore, #tpu.memory_space<semaphore_mem>>) src(%dma_wait3A_40 : memref<10000x128xf32, #tpu.memory_space<hbm>>) dst(%arg10 : memref<128x128xf32, #tpu.memory_space<vmem>>)
    %dma_start3A_41 = arith.constant 39 : i32
    %dma_start3A_42 = arith.constant 0 : i32
    %dma_start3A_43 = tpu.memref_slice %arg8[%dma_start3A_41, %dma_start3A_42] : memref<40x128xi32, #tpu.memory_space<vmem>> -> memref<1x128xi32, #tpu.memory_space<vmem>>
    %dma_start3A_44 = tpu.memref_squeeze %dma_start3A_43 : memref<1x128xi32, #tpu.memory_space<vmem>> -> memref<128xi32, #tpu.memory_space<vmem>>
    %dma_start3A_45 = arith.constant 0 : i32
    %dma_start3A_46 = arith.constant 0 : i32
    %dma_start3A_47 = tpu.memref_slice %arg15[%dma_start3A_45, %dma_start3A_46] : memref<10112x128xf32, #tpu.memory_space<vmem_shared>> -> memref<10112x128xf32, #tpu.memory_space<vmem_shared>>
    tpu.enqueue_indirect_dma source(%arg10 : memref<128x128xf32, #tpu.memory_space<vmem>>) target(%dma_start3A_47 : memref<10112x128xf32, #tpu.memory_space<vmem_shared>>) offsets(%dma_start3A_44 : memref<128xi32, #tpu.memory_space<vmem>>) semaphore(%arg14 : memref<!tpu.dma_semaphore, #tpu.memory_space<semaphore_mem>>) {add = true}
    %dma_wait3A_48 = arith.constant 38 : i32
    %dma_wait3A_49 = arith.constant 0 : i32
    %dma_wait3A_50 = tpu.memref_slice %arg7[%dma_wait3A_48, %dma_wait3A_49] : memref<40x128xi32, #tpu.memory_space<vmem>> -> memref<1x128xi32, #tpu.memory_space<vmem>>
    %dma_wait3A_51 = tpu.memref_squeeze %dma_wait3A_50 : memref<1x128xi32, #tpu.memory_space<vmem>> -> memref<128xi32, #tpu.memory_space<vmem>>
    %dma_wait3A_52 = arith.constant 0 : i32
    %dma_wait3A_53 = arith.constant 0 : i32
    %dma_wait3A_54 = tpu.memref_slice %arg2[%dma_wait3A_52, %dma_wait3A_53] : memref<10000x128xf32, #tpu.memory_space<hbm>> -> memref<10000x128xf32, #tpu.memory_space<hbm>>
    tpu.wait_indirect_dma semaphore(%arg13 : memref<!tpu.dma_semaphore, #tpu.memory_space<semaphore_mem>>) src(%dma_wait3A_54 : memref<10000x128xf32, #tpu.memory_space<hbm>>) dst(%arg9 : memref<128x128xf32, #tpu.memory_space<vmem>>)
    %dma_wait3A_55 = arith.constant 39 : i32
    %dma_wait3A_56 = arith.constant 0 : i32
    %dma_wait3A_57 = tpu.memref_slice %arg7[%dma_wait3A_55, %dma_wait3A_56] : memref<40x128xi32, #tpu.memory_space<vmem>> -> memref<1x128xi32, #tpu.memory_space<vmem>>
    %dma_wait3A_58 = tpu.memref_squeeze %dma_wait3A_57 : memref<1x128xi32, #tpu.memory_space<vmem>> -> memref<128xi32, #tpu.memory_space<vmem>>
    %dma_wait3A_59 = arith.constant 0 : i32
    %dma_wait3A_60 = arith.constant 0 : i32
    %dma_wait3A_61 = tpu.memref_slice %arg2[%dma_wait3A_59, %dma_wait3A_60] : memref<10000x128xf32, #tpu.memory_space<hbm>> -> memref<10000x128xf32, #tpu.memory_space<hbm>>
    tpu.wait_indirect_dma semaphore(%arg14 : memref<!tpu.dma_semaphore, #tpu.memory_space<semaphore_mem>>) src(%dma_wait3A_61 : memref<10000x128xf32, #tpu.memory_space<hbm>>) dst(%arg10 : memref<128x128xf32, #tpu.memory_space<vmem>>)
    "tpu.region"() ({
      %run_scoped3A = tpu.sem_alloc : memref<!tpu.dma_semaphore, #tpu.memory_space<semaphore_mem>>
      %dma_start3A_129 = arith.constant 0 : i32
      %dma_start3A_130 = arith.constant 0 : i32
      %dma_start3A_131 = tpu.memref_slice %arg3[%add3A, %dma_start3A_129, %dma_start3A_130] : memref<32x80x128xi32, #tpu.memory_space<hbm>> -> memref<1x80x128xi32, #tpu.memory_space<hbm>>
      %dma_start3A_132 = tpu.memref_squeeze %dma_start3A_131 : memref<1x80x128xi32, #tpu.memory_space<hbm>> -> memref<80x128xi32, #tpu.memory_space<hbm>>
      %dma_start3A_133 = arith.constant 40 : i32
      %dma_start3A_134 = arith.constant 0 : i32
      %dma_start3A_135 = tpu.memref_slice %dma_start3A_132[%dma_start3A_133, %dma_start3A_134] : memref<80x128xi32, #tpu.memory_space<hbm>> -> memref<40x128xi32, #tpu.memory_space<hbm>>
      %dma_start3A_136 = arith.constant 0 : i32
      %dma_start3A_137 = arith.constant 0 : i32
      %dma_start3A_138 = tpu.memref_slice %arg3[%add3A, %dma_start3A_136, %dma_start3A_137] : memref<32x80x128xi32, #tpu.memory_space<hbm>> -> memref<1x80x128xi32, #tpu.memory_space<hbm>>
      %dma_start3A_139 = tpu.memref_squeeze %dma_start3A_138 : memref<1x80x128xi32, #tpu.memory_space<hbm>> -> memref<80x128xi32, #tpu.memory_space<hbm>>
      %dma_start3A_140 = arith.constant 40 : i32
      %dma_start3A_141 = arith.constant 0 : i32
      %dma_start3A_142 = tpu.memref_slice %dma_start3A_139[%dma_start3A_140, %dma_start3A_141] : memref<80x128xi32, #tpu.memory_space<hbm>> -> memref<40x128xi32, #tpu.memory_space<hbm>>
      tpu.enqueue_dma source(%dma_start3A_142 : memref<40x128xi32, #tpu.memory_space<hbm>>) target(%arg7 : memref<40x128xi32, #tpu.memory_space<vmem>>) target_semaphore(%run_scoped3A : memref<!tpu.dma_semaphore, #tpu.memory_space<semaphore_mem>>)
      %dma_wait3A_143 = arith.constant 0 : i32
      %dma_wait3A_144 = arith.constant 0 : i32
      %dma_wait3A_145 = tpu.memref_slice %arg3[%add3A, %dma_wait3A_143, %dma_wait3A_144] : memref<32x80x128xi32, #tpu.memory_space<hbm>> -> memref<1x80x128xi32, #tpu.memory_space<hbm>>
      %dma_wait3A_146 = tpu.memref_squeeze %dma_wait3A_145 : memref<1x80x128xi32, #tpu.memory_space<hbm>> -> memref<80x128xi32, #tpu.memory_space<hbm>>
      %dma_wait3A_147 = arith.constant 40 : i32
      %dma_wait3A_148 = arith.constant 0 : i32
      %dma_wait3A_149 = tpu.memref_slice %dma_wait3A_146[%dma_wait3A_147, %dma_wait3A_148] : memref<80x128xi32, #tpu.memory_space<hbm>> -> memref<40x128xi32, #tpu.memory_space<hbm>>
      %dma_wait3A_150 = arith.constant 0 : i32
      %dma_wait3A_151 = arith.constant 0 : i32
      %dma_wait3A_152 = tpu.memref_slice %arg3[%add3A, %dma_wait3A_150, %dma_wait3A_151] : memref<32x80x128xi32, #tpu.memory_space<hbm>> -> memref<1x80x128xi32, #tpu.memory_space<hbm>>
      %dma_wait3A_153 = tpu.memref_squeeze %dma_wait3A_152 : memref<1x80x128xi32, #tpu.memory_space<hbm>> -> memref<80x128xi32, #tpu.memory_space<hbm>>
      %dma_wait3A_154 = arith.constant 40 : i32
      %dma_wait3A_155 = arith.constant 0 : i32
      %dma_wait3A_156 = tpu.memref_slice %dma_wait3A_153[%dma_wait3A_154, %dma_wait3A_155] : memref<80x128xi32, #tpu.memory_space<hbm>> -> memref<40x128xi32, #tpu.memory_space<hbm>>
      tpu.wait_dma2 semaphore(%run_scoped3A : memref<!tpu.dma_semaphore, #tpu.memory_space<semaphore_mem>>) src(%dma_wait3A_156 : memref<40x128xi32, #tpu.memory_space<hbm>>) dst(%arg7 : memref<40x128xi32, #tpu.memory_space<vmem>>)
      tpu.yield
    }) : () -> ()
    "tpu.region"() ({
      %run_scoped3A = tpu.sem_alloc : memref<!tpu.dma_semaphore, #tpu.memory_space<semaphore_mem>>
      %dma_start3A_129 = arith.constant 0 : i32
      %dma_start3A_130 = arith.constant 0 : i32
      %dma_start3A_131 = tpu.memref_slice %arg4[%add3A, %dma_start3A_129, %dma_start3A_130] : memref<32x80x128xi32, #tpu.memory_space<hbm>> -> memref<1x80x128xi32, #tpu.memory_space<hbm>>
      %dma_start3A_132 = tpu.memref_squeeze %dma_start3A_131 : memref<1x80x128xi32, #tpu.memory_space<hbm>> -> memref<80x128xi32, #tpu.memory_space<hbm>>
      %dma_start3A_133 = arith.constant 40 : i32
      %dma_start3A_134 = arith.constant 0 : i32
      %dma_start3A_135 = tpu.memref_slice %dma_start3A_132[%dma_start3A_133, %dma_start3A_134] : memref<80x128xi32, #tpu.memory_space<hbm>> -> memref<40x128xi32, #tpu.memory_space<hbm>>
      %dma_start3A_136 = arith.constant 0 : i32
      %dma_start3A_137 = arith.constant 0 : i32
      %dma_start3A_138 = tpu.memref_slice %arg4[%add3A, %dma_start3A_136, %dma_start3A_137] : memref<32x80x128xi32, #tpu.memory_space<hbm>> -> memref<1x80x128xi32, #tpu.memory_space<hbm>>
      %dma_start3A_139 = tpu.memref_squeeze %dma_start3A_138 : memref<1x80x128xi32, #tpu.memory_space<hbm>> -> memref<80x128xi32, #tpu.memory_space<hbm>>
      %dma_start3A_140 = arith.constant 40 : i32
      %dma_start3A_141 = arith.constant 0 : i32
      %dma_start3A_142 = tpu.memref_slice %dma_start3A_139[%dma_start3A_140, %dma_start3A_141] : memref<80x128xi32, #tpu.memory_space<hbm>> -> memref<40x128xi32, #tpu.memory_space<hbm>>
      tpu.enqueue_dma source(%dma_start3A_142 : memref<40x128xi32, #tpu.memory_space<hbm>>) target(%arg8 : memref<40x128xi32, #tpu.memory_space<vmem>>) target_semaphore(%run_scoped3A : memref<!tpu.dma_semaphore, #tpu.memory_space<semaphore_mem>>)
      %dma_wait3A_143 = arith.constant 0 : i32
      %dma_wait3A_144 = arith.constant 0 : i32
      %dma_wait3A_145 = tpu.memref_slice %arg4[%add3A, %dma_wait3A_143, %dma_wait3A_144] : memref<32x80x128xi32, #tpu.memory_space<hbm>> -> memref<1x80x128xi32, #tpu.memory_space<hbm>>
      %dma_wait3A_146 = tpu.memref_squeeze %dma_wait3A_145 : memref<1x80x128xi32, #tpu.memory_space<hbm>> -> memref<80x128xi32, #tpu.memory_space<hbm>>
      %dma_wait3A_147 = arith.constant 40 : i32
      %dma_wait3A_148 = arith.constant 0 : i32
      %dma_wait3A_149 = tpu.memref_slice %dma_wait3A_146[%dma_wait3A_147, %dma_wait3A_148] : memref<80x128xi32, #tpu.memory_space<hbm>> -> memref<40x128xi32, #tpu.memory_space<hbm>>
      %dma_wait3A_150 = arith.constant 0 : i32
      %dma_wait3A_151 = arith.constant 0 : i32
      %dma_wait3A_152 = tpu.memref_slice %arg4[%add3A, %dma_wait3A_150, %dma_wait3A_151] : memref<32x80x128xi32, #tpu.memory_space<hbm>> -> memref<1x80x128xi32, #tpu.memory_space<hbm>>
      %dma_wait3A_153 = tpu.memref_squeeze %dma_wait3A_152 : memref<1x80x128xi32, #tpu.memory_space<hbm>> -> memref<80x128xi32, #tpu.memory_space<hbm>>
      %dma_wait3A_154 = arith.constant 40 : i32
      %dma_wait3A_155 = arith.constant 0 : i32
      %dma_wait3A_156 = tpu.memref_slice %dma_wait3A_153[%dma_wait3A_154, %dma_wait3A_155] : memref<80x128xi32, #tpu.memory_space<hbm>> -> memref<40x128xi32, #tpu.memory_space<hbm>>
      tpu.wait_dma2 semaphore(%run_scoped3A : memref<!tpu.dma_semaphore, #tpu.memory_space<semaphore_mem>>) src(%dma_wait3A_156 : memref<40x128xi32, #tpu.memory_space<hbm>>) dst(%arg8 : memref<40x128xi32, #tpu.memory_space<vmem>>)
      tpu.yield
    }) : () -> ()
    %dma_start3A_62 = arith.constant 0 : i32
    %dma_start3A_63 = arith.constant 0 : i32
    %dma_start3A_64 = tpu.memref_slice %arg7[%dma_start3A_62, %dma_start3A_63] : memref<40x128xi32, #tpu.memory_space<vmem>> -> memref<1x128xi32, #tpu.memory_space<vmem>>
    %dma_start3A_65 = tpu.memref_squeeze %dma_start3A_64 : memref<1x128xi32, #tpu.memory_space<vmem>> -> memref<128xi32, #tpu.memory_space<vmem>>
    %dma_start3A_66 = arith.constant 0 : i32
    %dma_start3A_67 = arith.constant 0 : i32
    %dma_start3A_68 = tpu.memref_slice %arg2[%dma_start3A_66, %dma_start3A_67] : memref<10000x128xf32, #tpu.memory_space<hbm>> -> memref<10000x128xf32, #tpu.memory_space<hbm>>
    tpu.enqueue_indirect_dma source(%dma_start3A_68 : memref<10000x128xf32, #tpu.memory_space<hbm>>) target(%arg9 : memref<128x128xf32, #tpu.memory_space<vmem>>) offsets(%dma_start3A_65 : memref<128xi32, #tpu.memory_space<vmem>>) semaphore(%arg11 : memref<!tpu.dma_semaphore, #tpu.memory_space<semaphore_mem>>)
    %dma_start3A_69 = arith.constant 1 : i32
    %dma_start3A_70 = arith.constant 0 : i32
    %dma_start3A_71 = tpu.memref_slice %arg7[%dma_start3A_69, %dma_start3A_70] : memref<40x128xi32, #tpu.memory_space<vmem>> -> memref<1x128xi32, #tpu.memory_space<vmem>>
    %dma_start3A_72 = tpu.memref_squeeze %dma_start3A_71 : memref<1x128xi32, #tpu.memory_space<vmem>> -> memref<128xi32, #tpu.memory_space<vmem>>
    %dma_start3A_73 = arith.constant 0 : i32
    %dma_start3A_74 = arith.constant 0 : i32
    %dma_start3A_75 = tpu.memref_slice %arg2[%dma_start3A_73, %dma_start3A_74] : memref<10000x128xf32, #tpu.memory_space<hbm>> -> memref<10000x128xf32, #tpu.memory_space<hbm>>
    tpu.enqueue_indirect_dma source(%dma_start3A_75 : memref<10000x128xf32, #tpu.memory_space<hbm>>) target(%arg10 : memref<128x128xf32, #tpu.memory_space<vmem>>) offsets(%dma_start3A_72 : memref<128xi32, #tpu.memory_space<vmem>>) semaphore(%arg12 : memref<!tpu.dma_semaphore, #tpu.memory_space<semaphore_mem>>)
    %scan3A_76 = arith.constant 0 : i32
    %scan3A_77 = arith.constant 0 : i32
    %scan3A_78 = arith.constant 19 : i32
    %scan3A_79 = arith.addi %scan3A_77, %scan3A_78 : i32
    %scan3A_80 = arith.constant 1 : i32
    scf.for %scan3A_129 = %scan3A_77 to %scan3A_79 step %scan3A_80  : i32 {
      %mul3A_130 = arith.constant 2 : i32
      %mul3A_131 = arith.muli %mul3A_130, %scan3A_129 : i32
      %dma_wait3A_132 = arith.constant 0 : i32
      %dma_wait3A_133 = tpu.memref_slice %arg7[%mul3A_131, %dma_wait3A_132] : memref<40x128xi32, #tpu.memory_space<vmem>> -> memref<1x128xi32, #tpu.memory_space<vmem>>
      %dma_wait3A_134 = tpu.memref_squeeze %dma_wait3A_133 : memref<1x128xi32, #tpu.memory_space<vmem>> -> memref<128xi32, #tpu.memory_space<vmem>>
      %dma_wait3A_135 = arith.constant 0 : i32
      %dma_wait3A_136 = arith.constant 0 : i32
      %dma_wait3A_137 = tpu.memref_slice %arg2[%dma_wait3A_135, %dma_wait3A_136] : memref<10000x128xf32, #tpu.memory_space<hbm>> -> memref<10000x128xf32, #tpu.memory_space<hbm>>
      tpu.wait_indirect_dma semaphore(%arg11 : memref<!tpu.dma_semaphore, #tpu.memory_space<semaphore_mem>>) src(%dma_wait3A_137 : memref<10000x128xf32, #tpu.memory_space<hbm>>) dst(%arg9 : memref<128x128xf32, #tpu.memory_space<vmem>>)
      %mul3A_138 = arith.constant 2 : i32
      %mul3A_139 = arith.muli %mul3A_138, %scan3A_129 : i32
      %dma_start3A_140 = arith.constant 0 : i32
      %dma_start3A_141 = tpu.memref_slice %arg8[%mul3A_139, %dma_start3A_140] : memref<40x128xi32, #tpu.memory_space<vmem>> -> memref<1x128xi32, #tpu.memory_space<vmem>>
      %dma_start3A_142 = tpu.memref_squeeze %dma_start3A_141 : memref<1x128xi32, #tpu.memory_space<vmem>> -> memref<128xi32, #tpu.memory_space<vmem>>
      %dma_start3A_143 = arith.constant 0 : i32
      %dma_start3A_144 = arith.constant 0 : i32
      %dma_start3A_145 = tpu.memref_slice %arg15[%dma_start3A_143, %dma_start3A_144] : memref<10112x128xf32, #tpu.memory_space<vmem_shared>> -> memref<10112x128xf32, #tpu.memory_space<vmem_shared>>
      tpu.enqueue_indirect_dma source(%arg9 : memref<128x128xf32, #tpu.memory_space<vmem>>) target(%dma_start3A_145 : memref<10112x128xf32, #tpu.memory_space<vmem_shared>>) offsets(%dma_start3A_142 : memref<128xi32, #tpu.memory_space<vmem>>) semaphore(%arg13 : memref<!tpu.dma_semaphore, #tpu.memory_space<semaphore_mem>>) {add = true}
      %mul3A_146 = arith.constant 2 : i32
      %mul3A_147 = arith.muli %mul3A_146, %scan3A_129 : i32
      %add3A_148 = arith.constant 1 : i32
      %add3A_149 = arith.addi %mul3A_147, %add3A_148 : i32
      %dma_wait3A_150 = arith.constant 0 : i32
      %dma_wait3A_151 = tpu.memref_slice %arg7[%add3A_149, %dma_wait3A_150] : memref<40x128xi32, #tpu.memory_space<vmem>> -> memref<1x128xi32, #tpu.memory_space<vmem>>
      %dma_wait3A_152 = tpu.memref_squeeze %dma_wait3A_151 : memref<1x128xi32, #tpu.memory_space<vmem>> -> memref<128xi32, #tpu.memory_space<vmem>>
      %dma_wait3A_153 = arith.constant 0 : i32
      %dma_wait3A_154 = arith.constant 0 : i32
      %dma_wait3A_155 = tpu.memref_slice %arg2[%dma_wait3A_153, %dma_wait3A_154] : memref<10000x128xf32, #tpu.memory_space<hbm>> -> memref<10000x128xf32, #tpu.memory_space<hbm>>
      tpu.wait_indirect_dma semaphore(%arg12 : memref<!tpu.dma_semaphore, #tpu.memory_space<semaphore_mem>>) src(%dma_wait3A_155 : memref<10000x128xf32, #tpu.memory_space<hbm>>) dst(%arg10 : memref<128x128xf32, #tpu.memory_space<vmem>>)
      %mul3A_156 = arith.constant 2 : i32
      %mul3A_157 = arith.muli %mul3A_156, %scan3A_129 : i32
      %add3A_158 = arith.constant 1 : i32
      %add3A_159 = arith.addi %mul3A_157, %add3A_158 : i32
      %dma_start3A_160 = arith.constant 0 : i32
      %dma_start3A_161 = tpu.memref_slice %arg8[%add3A_159, %dma_start3A_160] : memref<40x128xi32, #tpu.memory_space<vmem>> -> memref<1x128xi32, #tpu.memory_space<vmem>>
      %dma_start3A_162 = tpu.memref_squeeze %dma_start3A_161 : memref<1x128xi32, #tpu.memory_space<vmem>> -> memref<128xi32, #tpu.memory_space<vmem>>
      %dma_start3A_163 = arith.constant 0 : i32
      %dma_start3A_164 = arith.constant 0 : i32
      %dma_start3A_165 = tpu.memref_slice %arg15[%dma_start3A_163, %dma_start3A_164] : memref<10112x128xf32, #tpu.memory_space<vmem_shared>> -> memref<10112x128xf32, #tpu.memory_space<vmem_shared>>
      tpu.enqueue_indirect_dma source(%arg10 : memref<128x128xf32, #tpu.memory_space<vmem>>) target(%dma_start3A_165 : memref<10112x128xf32, #tpu.memory_space<vmem_shared>>) offsets(%dma_start3A_162 : memref<128xi32, #tpu.memory_space<vmem>>) semaphore(%arg14 : memref<!tpu.dma_semaphore, #tpu.memory_space<semaphore_mem>>) {add = true}
      %mul3A_166 = arith.constant 2 : i32
      %mul3A_167 = arith.muli %mul3A_166, %scan3A_129 : i32
      %dma_wait3A_168 = arith.constant 0 : i32
      %dma_wait3A_169 = tpu.memref_slice %arg7[%mul3A_167, %dma_wait3A_168] : memref<40x128xi32, #tpu.memory_space<vmem>> -> memref<1x128xi32, #tpu.memory_space<vmem>>
      %dma_wait3A_170 = tpu.memref_squeeze %dma_wait3A_169 : memref<1x128xi32, #tpu.memory_space<vmem>> -> memref<128xi32, #tpu.memory_space<vmem>>
      %dma_wait3A_171 = arith.constant 0 : i32
      %dma_wait3A_172 = arith.constant 0 : i32
      %dma_wait3A_173 = tpu.memref_slice %arg2[%dma_wait3A_171, %dma_wait3A_172] : memref<10000x128xf32, #tpu.memory_space<hbm>> -> memref<10000x128xf32, #tpu.memory_space<hbm>>
      tpu.wait_indirect_dma semaphore(%arg13 : memref<!tpu.dma_semaphore, #tpu.memory_space<semaphore_mem>>) src(%dma_wait3A_173 : memref<10000x128xf32, #tpu.memory_space<hbm>>) dst(%arg9 : memref<128x128xf32, #tpu.memory_space<vmem>>)
      %mul3A_174 = arith.constant 2 : i32
      %mul3A_175 = arith.muli %mul3A_174, %scan3A_129 : i32
      %add3A_176 = arith.constant 2 : i32
      %add3A_177 = arith.addi %mul3A_175, %add3A_176 : i32
      %dma_start3A_178 = arith.constant 0 : i32
      %dma_start3A_179 = tpu.memref_slice %arg7[%add3A_177, %dma_start3A_178] : memref<40x128xi32, #tpu.memory_space<vmem>> -> memref<1x128xi32, #tpu.memory_space<vmem>>
      %dma_start3A_180 = tpu.memref_squeeze %dma_start3A_179 : memref<1x128xi32, #tpu.memory_space<vmem>> -> memref<128xi32, #tpu.memory_space<vmem>>
      %dma_start3A_181 = arith.constant 0 : i32
      %dma_start3A_182 = arith.constant 0 : i32
      %dma_start3A_183 = tpu.memref_slice %arg2[%dma_start3A_181, %dma_start3A_182] : memref<10000x128xf32, #tpu.memory_space<hbm>> -> memref<10000x128xf32, #tpu.memory_space<hbm>>
      tpu.enqueue_indirect_dma source(%dma_start3A_183 : memref<10000x128xf32, #tpu.memory_space<hbm>>) target(%arg9 : memref<128x128xf32, #tpu.memory_space<vmem>>) offsets(%dma_start3A_180 : memref<128xi32, #tpu.memory_space<vmem>>) semaphore(%arg11 : memref<!tpu.dma_semaphore, #tpu.memory_space<semaphore_mem>>)
      %mul3A_184 = arith.constant 2 : i32
      %mul3A_185 = arith.muli %mul3A_184, %scan3A_129 : i32
      %add3A_186 = arith.constant 1 : i32
      %add3A_187 = arith.addi %mul3A_185, %add3A_186 : i32
      %dma_wait3A_188 = arith.constant 0 : i32
      %dma_wait3A_189 = tpu.memref_slice %arg7[%add3A_187, %dma_wait3A_188] : memref<40x128xi32, #tpu.memory_space<vmem>> -> memref<1x128xi32, #tpu.memory_space<vmem>>
      %dma_wait3A_190 = tpu.memref_squeeze %dma_wait3A_189 : memref<1x128xi32, #tpu.memory_space<vmem>> -> memref<128xi32, #tpu.memory_space<vmem>>
      %dma_wait3A_191 = arith.constant 0 : i32
      %dma_wait3A_192 = arith.constant 0 : i32
      %dma_wait3A_193 = tpu.memref_slice %arg2[%dma_wait3A_191, %dma_wait3A_192] : memref<10000x128xf32, #tpu.memory_space<hbm>> -> memref<10000x128xf32, #tpu.memory_space<hbm>>
      tpu.wait_indirect_dma semaphore(%arg14 : memref<!tpu.dma_semaphore, #tpu.memory_space<semaphore_mem>>) src(%dma_wait3A_193 : memref<10000x128xf32, #tpu.memory_space<hbm>>) dst(%arg10 : memref<128x128xf32, #tpu.memory_space<vmem>>)
      %mul3A_194 = arith.constant 2 : i32
      %mul3A_195 = arith.muli %mul3A_194, %scan3A_129 : i32
      %add3A_196 = arith.constant 3 : i32
      %add3A_197 = arith.addi %mul3A_195, %add3A_196 : i32
      %dma_start3A_198 = arith.constant 0 : i32
      %dma_start3A_199 = tpu.memref_slice %arg7[%add3A_197, %dma_start3A_198] : memref<40x128xi32, #tpu.memory_space<vmem>> -> memref<1x128xi32, #tpu.memory_space<vmem>>
      %dma_start3A_200 = tpu.memref_squeeze %dma_start3A_199 : memref<1x128xi32, #tpu.memory_space<vmem>> -> memref<128xi32, #tpu.memory_space<vmem>>
      %dma_start3A_201 = arith.constant 0 : i32
      %dma_start3A_202 = arith.constant 0 : i32
      %dma_start3A_203 = tpu.memref_slice %arg2[%dma_start3A_201, %dma_start3A_202] : memref<10000x128xf32, #tpu.memory_space<hbm>> -> memref<10000x128xf32, #tpu.memory_space<hbm>>
      tpu.enqueue_indirect_dma source(%dma_start3A_203 : memref<10000x128xf32, #tpu.memory_space<hbm>>) target(%arg10 : memref<128x128xf32, #tpu.memory_space<vmem>>) offsets(%dma_start3A_200 : memref<128xi32, #tpu.memory_space<vmem>>) semaphore(%arg12 : memref<!tpu.dma_semaphore, #tpu.memory_space<semaphore_mem>>)
    }
    %scan3A_81 = arith.constant 19 : i32
    %dma_wait3A_82 = arith.constant 38 : i32
    %dma_wait3A_83 = arith.constant 0 : i32
    %dma_wait3A_84 = tpu.memref_slice %arg7[%dma_wait3A_82, %dma_wait3A_83] : memref<40x128xi32, #tpu.memory_space<vmem>> -> memref<1x128xi32, #tpu.memory_space<vmem>>
    %dma_wait3A_85 = tpu.memref_squeeze %dma_wait3A_84 : memref<1x128xi32, #tpu.memory_space<vmem>> -> memref<128xi32, #tpu.memory_space<vmem>>
    %dma_wait3A_86 = arith.constant 0 : i32
    %dma_wait3A_87 = arith.constant 0 : i32
    %dma_wait3A_88 = tpu.memref_slice %arg2[%dma_wait3A_86, %dma_wait3A_87] : memref<10000x128xf32, #tpu.memory_space<hbm>> -> memref<10000x128xf32, #tpu.memory_space<hbm>>
    tpu.wait_indirect_dma semaphore(%arg11 : memref<!tpu.dma_semaphore, #tpu.memory_space<semaphore_mem>>) src(%dma_wait3A_88 : memref<10000x128xf32, #tpu.memory_space<hbm>>) dst(%arg9 : memref<128x128xf32, #tpu.memory_space<vmem>>)
    %dma_start3A_89 = arith.constant 38 : i32
    %dma_start3A_90 = arith.constant 0 : i32
    %dma_start3A_91 = tpu.memref_slice %arg8[%dma_start3A_89, %dma_start3A_90] : memref<40x128xi32, #tpu.memory_space<vmem>> -> memref<1x128xi32, #tpu.memory_space<vmem>>
    %dma_start3A_92 = tpu.memref_squeeze %dma_start3A_91 : memref<1x128xi32, #tpu.memory_space<vmem>> -> memref<128xi32, #tpu.memory_space<vmem>>
    %dma_start3A_93 = arith.constant 0 : i32
    %dma_start3A_94 = arith.constant 0 : i32
    %dma_start3A_95 = tpu.memref_slice %arg15[%dma_start3A_93, %dma_start3A_94] : memref<10112x128xf32, #tpu.memory_space<vmem_shared>> -> memref<10112x128xf32, #tpu.memory_space<vmem_shared>>
    tpu.enqueue_indirect_dma source(%arg9 : memref<128x128xf32, #tpu.memory_space<vmem>>) target(%dma_start3A_95 : memref<10112x128xf32, #tpu.memory_space<vmem_shared>>) offsets(%dma_start3A_92 : memref<128xi32, #tpu.memory_space<vmem>>) semaphore(%arg13 : memref<!tpu.dma_semaphore, #tpu.memory_space<semaphore_mem>>) {add = true}
    %dma_wait3A_96 = arith.constant 39 : i32
    %dma_wait3A_97 = arith.constant 0 : i32
    %dma_wait3A_98 = tpu.memref_slice %arg7[%dma_wait3A_96, %dma_wait3A_97] : memref<40x128xi32, #tpu.memory_space<vmem>> -> memref<1x128xi32, #tpu.memory_space<vmem>>
    %dma_wait3A_99 = tpu.memref_squeeze %dma_wait3A_98 : memref<1x128xi32, #tpu.memory_space<vmem>> -> memref<128xi32, #tpu.memory_space<vmem>>
    %dma_wait3A_100 = arith.constant 0 : i32
    %dma_wait3A_101 = arith.constant 0 : i32
    %dma_wait3A_102 = tpu.memref_slice %arg2[%dma_wait3A_100, %dma_wait3A_101] : memref<10000x128xf32, #tpu.memory_space<hbm>> -> memref<10000x128xf32, #tpu.memory_space<hbm>>
    tpu.wait_indirect_dma semaphore(%arg12 : memref<!tpu.dma_semaphore, #tpu.memory_space<semaphore_mem>>) src(%dma_wait3A_102 : memref<10000x128xf32, #tpu.memory_space<hbm>>) dst(%arg10 : memref<128x128xf32, #tpu.memory_space<vmem>>)
    %dma_start3A_103 = arith.constant 39 : i32
    %dma_start3A_104 = arith.constant 0 : i32
    %dma_start3A_105 = tpu.memref_slice %arg8[%dma_start3A_103, %dma_start3A_104] : memref<40x128xi32, #tpu.memory_space<vmem>> -> memref<1x128xi32, #tpu.memory_space<vmem>>
    %dma_start3A_106 = tpu.memref_squeeze %dma_start3A_105 : memref<1x128xi32, #tpu.memory_space<vmem>> -> memref<128xi32, #tpu.memory_space<vmem>>
    %dma_start3A_107 = arith.constant 0 : i32
    %dma_start3A_108 = arith.constant 0 : i32
    %dma_start3A_109 = tpu.memref_slice %arg15[%dma_start3A_107, %dma_start3A_108] : memref<10112x128xf32, #tpu.memory_space<vmem_shared>> -> memref<10112x128xf32, #tpu.memory_space<vmem_shared>>
    tpu.enqueue_indirect_dma source(%arg10 : memref<128x128xf32, #tpu.memory_space<vmem>>) target(%dma_start3A_109 : memref<10112x128xf32, #tpu.memory_space<vmem_shared>>) offsets(%dma_start3A_106 : memref<128xi32, #tpu.memory_space<vmem>>) semaphore(%arg14 : memref<!tpu.dma_semaphore, #tpu.memory_space<semaphore_mem>>) {add = true}
    %dma_wait3A_110 = arith.constant 38 : i32
    %dma_wait3A_111 = arith.constant 0 : i32
    %dma_wait3A_112 = tpu.memref_slice %arg7[%dma_wait3A_110, %dma_wait3A_111] : memref<40x128xi32, #tpu.memory_space<vmem>> -> memref<1x128xi32, #tpu.memory_space<vmem>>
    %dma_wait3A_113 = tpu.memref_squeeze %dma_wait3A_112 : memref<1x128xi32, #tpu.memory_space<vmem>> -> memref<128xi32, #tpu.memory_space<vmem>>
    %dma_wait3A_114 = arith.constant 0 : i32
    %dma_wait3A_115 = arith.constant 0 : i32
    %dma_wait3A_116 = tpu.memref_slice %arg2[%dma_wait3A_114, %dma_wait3A_115] : memref<10000x128xf32, #tpu.memory_space<hbm>> -> memref<10000x128xf32, #tpu.memory_space<hbm>>
    tpu.wait_indirect_dma semaphore(%arg13 : memref<!tpu.dma_semaphore, #tpu.memory_space<semaphore_mem>>) src(%dma_wait3A_116 : memref<10000x128xf32, #tpu.memory_space<hbm>>) dst(%arg9 : memref<128x128xf32, #tpu.memory_space<vmem>>)
    %dma_wait3A_117 = arith.constant 39 : i32
    %dma_wait3A_118 = arith.constant 0 : i32
    %dma_wait3A_119 = tpu.memref_slice %arg7[%dma_wait3A_117, %dma_wait3A_118] : memref<40x128xi32, #tpu.memory_space<vmem>> -> memref<1x128xi32, #tpu.memory_space<vmem>>
    %dma_wait3A_120 = tpu.memref_squeeze %dma_wait3A_119 : memref<1x128xi32, #tpu.memory_space<vmem>> -> memref<128xi32, #tpu.memory_space<vmem>>
    %dma_wait3A_121 = arith.constant 0 : i32
    %dma_wait3A_122 = arith.constant 0 : i32
    %dma_wait3A_123 = tpu.memref_slice %arg2[%dma_wait3A_121, %dma_wait3A_122] : memref<10000x128xf32, #tpu.memory_space<hbm>> -> memref<10000x128xf32, #tpu.memory_space<hbm>>
    tpu.wait_indirect_dma semaphore(%arg14 : memref<!tpu.dma_semaphore, #tpu.memory_space<semaphore_mem>>) src(%dma_wait3A_123 : memref<10000x128xf32, #tpu.memory_space<hbm>>) dst(%arg10 : memref<128x128xf32, #tpu.memory_space<vmem>>)
    %barrier3A_124 = arith.constant 0 : index
    tpu.barrier barrier_id(%barrier3A_124)
    %mul3A_125 = arith.constant 632 : i32
    %mul3A_126 = arith.muli %arg1, %mul3A_125 : i32
    %mul3A_127 = arith.constant 632 : i32
    %mul3A_128 = arith.muli %arg1, %mul3A_127 : i32
    "tpu.region"() ({
      %run_scoped3A = tpu.sem_alloc : memref<!tpu.dma_semaphore, #tpu.memory_space<semaphore_mem>>
      %dma_start3A_129 = arith.constant 0 : i32
      %dma_start3A_130 = arith.constant 0 : i32
      %dma_start3A_131 = tpu.memref_slice %arg6[%arg0, %dma_start3A_129, %dma_start3A_130] : memref<2x10112x128xf32, #tpu.memory_space<hbm>> -> memref<1x10112x128xf32, #tpu.memory_space<hbm>>
      %dma_start3A_132 = tpu.memref_squeeze %dma_start3A_131 : memref<1x10112x128xf32, #tpu.memory_space<hbm>> -> memref<10112x128xf32, #tpu.memory_space<hbm>>
      %dma_start3A_133 = arith.constant 0 : i32
      %dma_start3A_134 = tpu.memref_slice %dma_start3A_132[%mul3A_128, %dma_start3A_133] : memref<10112x128xf32, #tpu.memory_space<hbm>> -> memref<632x128xf32, #tpu.memory_space<hbm>>
      %dma_start3A_135 = arith.constant 0 : i32
      %dma_start3A_136 = tpu.memref_slice %arg15[%mul3A_126, %dma_start3A_135] : memref<10112x128xf32, #tpu.memory_space<vmem_shared>> -> memref<632x128xf32, #tpu.memory_space<vmem_shared>>
      tpu.enqueue_dma source(%dma_start3A_136 : memref<632x128xf32, #tpu.memory_space<vmem_shared>>) target(%dma_start3A_134 : memref<632x128xf32, #tpu.memory_space<hbm>>) target_semaphore(%run_scoped3A : memref<!tpu.dma_semaphore, #tpu.memory_space<semaphore_mem>>)
      %dma_wait3A_137 = arith.constant 0 : i32
      %dma_wait3A_138 = arith.constant 0 : i32
      %dma_wait3A_139 = tpu.memref_slice %arg6[%arg0, %dma_wait3A_137, %dma_wait3A_138] : memref<2x10112x128xf32, #tpu.memory_space<hbm>> -> memref<1x10112x128xf32, #tpu.memory_space<hbm>>
      %dma_wait3A_140 = tpu.memref_squeeze %dma_wait3A_139 : memref<1x10112x128xf32, #tpu.memory_space<hbm>> -> memref<10112x128xf32, #tpu.memory_space<hbm>>
      %dma_wait3A_141 = arith.constant 0 : i32
      %dma_wait3A_142 = tpu.memref_slice %dma_wait3A_140[%mul3A_128, %dma_wait3A_141] : memref<10112x128xf32, #tpu.memory_space<hbm>> -> memref<632x128xf32, #tpu.memory_space<hbm>>
      %dma_wait3A_143 = arith.constant 0 : i32
      %dma_wait3A_144 = tpu.memref_slice %arg15[%mul3A_126, %dma_wait3A_143] : memref<10112x128xf32, #tpu.memory_space<vmem_shared>> -> memref<632x128xf32, #tpu.memory_space<vmem_shared>>
      tpu.wait_dma2 semaphore(%run_scoped3A : memref<!tpu.dma_semaphore, #tpu.memory_space<semaphore_mem>>) src(%dma_wait3A_144 : memref<632x128xf32, #tpu.memory_space<vmem_shared>>) dst(%dma_wait3A_142 : memref<632x128xf32, #tpu.memory_space<hbm>>)
      tpu.yield
    }) : () -> ()
    return
  }
}

#map = affine_map<(d0, d1) -> (0, 0, 0)>
#map1 = affine_map<(d0, d1) -> (0, 0)>
module attributes {stable_mosaic.version = 14 : i64} {
  func.func @_deg_body(%arg0: i32, %arg1: i32, %arg2: memref<32x80x128xi32, #tpu.memory_space<hbm>>, %arg3: memref<128x128xf32, #tpu.memory_space<hbm>>, %arg4: memref<632x128xf32, #tpu.memory_space<hbm>>, %arg5: memref<2x10112x128xf32, #tpu.memory_space<hbm>>, %arg6: memref<80x128xi32, #tpu.memory_space<vmem>>, %arg7: memref<128x128xf32, #tpu.memory_space<vmem>>, %arg8: memref<10112x128xf32, #tpu.memory_space<vmem_shared>>) attributes {dimension_semantics = [#tpu.dimension_semantics<core_parallel>, #tpu.dimension_semantics<subcore_parallel>], iteration_bounds = array<i64: 2, 16>, scalar_prefetch = 0 : i64, scratch_operands = 3 : i64, tpu.core_type = #tpu.core_type<sc_vector_subcore>, window_params = [{transform_indices = #map}, {transform_indices = #map1}, {transform_indices = #map1}, {transform_indices = #map}]} {
    %mul3A = arith.constant 16 : i32
    %mul3A_0 = arith.muli %arg0, %mul3A : i32
    %add3A = arith.addi %mul3A_0, %arg1 : i32
    %mul3A_1 = arith.constant 632 : i32
    %mul3A_2 = arith.muli %arg1, %mul3A_1 : i32
    "tpu.region"() ({
      %run_scoped3A = tpu.sem_alloc : memref<!tpu.dma_semaphore, #tpu.memory_space<semaphore_mem>>
      %dma_start3A = arith.constant 0 : i32
      %dma_start3A_13 = tpu.memref_slice %arg8[%mul3A_2, %dma_start3A] : memref<10112x128xf32, #tpu.memory_space<vmem_shared>> -> memref<632x128xf32, #tpu.memory_space<vmem_shared>>
      tpu.enqueue_dma source(%arg4 : memref<632x128xf32, #tpu.memory_space<hbm>>) target(%dma_start3A_13 : memref<632x128xf32, #tpu.memory_space<vmem_shared>>) target_semaphore(%run_scoped3A : memref<!tpu.dma_semaphore, #tpu.memory_space<semaphore_mem>>)
      %dma_wait3A = arith.constant 0 : i32
      %dma_wait3A_14 = tpu.memref_slice %arg8[%mul3A_2, %dma_wait3A] : memref<10112x128xf32, #tpu.memory_space<vmem_shared>> -> memref<632x128xf32, #tpu.memory_space<vmem_shared>>
      tpu.wait_dma2 semaphore(%run_scoped3A : memref<!tpu.dma_semaphore, #tpu.memory_space<semaphore_mem>>) src(%arg4 : memref<632x128xf32, #tpu.memory_space<hbm>>) dst(%dma_wait3A_14 : memref<632x128xf32, #tpu.memory_space<vmem_shared>>)
      tpu.yield
    }) : () -> ()
    "tpu.region"() ({
      %run_scoped3A = tpu.sem_alloc : memref<!tpu.dma_semaphore, #tpu.memory_space<semaphore_mem>>
      %dma_start3A = arith.constant 0 : i32
      %dma_start3A_13 = arith.constant 0 : i32
      %dma_start3A_14 = tpu.memref_slice %arg2[%add3A, %dma_start3A, %dma_start3A_13] : memref<32x80x128xi32, #tpu.memory_space<hbm>> -> memref<1x80x128xi32, #tpu.memory_space<hbm>>
      %dma_start3A_15 = tpu.memref_squeeze %dma_start3A_14 : memref<1x80x128xi32, #tpu.memory_space<hbm>> -> memref<80x128xi32, #tpu.memory_space<hbm>>
      %dma_start3A_16 = arith.constant 0 : i32
      %dma_start3A_17 = arith.constant 0 : i32
      %dma_start3A_18 = tpu.memref_slice %arg2[%add3A, %dma_start3A_16, %dma_start3A_17] : memref<32x80x128xi32, #tpu.memory_space<hbm>> -> memref<1x80x128xi32, #tpu.memory_space<hbm>>
      %dma_start3A_19 = tpu.memref_squeeze %dma_start3A_18 : memref<1x80x128xi32, #tpu.memory_space<hbm>> -> memref<80x128xi32, #tpu.memory_space<hbm>>
      tpu.enqueue_dma source(%dma_start3A_19 : memref<80x128xi32, #tpu.memory_space<hbm>>) target(%arg6 : memref<80x128xi32, #tpu.memory_space<vmem>>) target_semaphore(%run_scoped3A : memref<!tpu.dma_semaphore, #tpu.memory_space<semaphore_mem>>)
      %dma_wait3A = arith.constant 0 : i32
      %dma_wait3A_20 = arith.constant 0 : i32
      %dma_wait3A_21 = tpu.memref_slice %arg2[%add3A, %dma_wait3A, %dma_wait3A_20] : memref<32x80x128xi32, #tpu.memory_space<hbm>> -> memref<1x80x128xi32, #tpu.memory_space<hbm>>
      %dma_wait3A_22 = tpu.memref_squeeze %dma_wait3A_21 : memref<1x80x128xi32, #tpu.memory_space<hbm>> -> memref<80x128xi32, #tpu.memory_space<hbm>>
      %dma_wait3A_23 = arith.constant 0 : i32
      %dma_wait3A_24 = arith.constant 0 : i32
      %dma_wait3A_25 = tpu.memref_slice %arg2[%add3A, %dma_wait3A_23, %dma_wait3A_24] : memref<32x80x128xi32, #tpu.memory_space<hbm>> -> memref<1x80x128xi32, #tpu.memory_space<hbm>>
      %dma_wait3A_26 = tpu.memref_squeeze %dma_wait3A_25 : memref<1x80x128xi32, #tpu.memory_space<hbm>> -> memref<80x128xi32, #tpu.memory_space<hbm>>
      tpu.wait_dma2 semaphore(%run_scoped3A : memref<!tpu.dma_semaphore, #tpu.memory_space<semaphore_mem>>) src(%dma_wait3A_26 : memref<80x128xi32, #tpu.memory_space<hbm>>) dst(%arg6 : memref<80x128xi32, #tpu.memory_space<vmem>>)
      tpu.yield
    }) : () -> ()
    "tpu.region"() ({
      %run_scoped3A = tpu.sem_alloc : memref<!tpu.dma_semaphore, #tpu.memory_space<semaphore_mem>>
      tpu.enqueue_dma source(%arg3 : memref<128x128xf32, #tpu.memory_space<hbm>>) target(%arg7 : memref<128x128xf32, #tpu.memory_space<vmem>>) target_semaphore(%run_scoped3A : memref<!tpu.dma_semaphore, #tpu.memory_space<semaphore_mem>>)
      tpu.wait_dma2 semaphore(%run_scoped3A : memref<!tpu.dma_semaphore, #tpu.memory_space<semaphore_mem>>) src(%arg3 : memref<128x128xf32, #tpu.memory_space<hbm>>) dst(%arg7 : memref<128x128xf32, #tpu.memory_space<vmem>>)
      tpu.yield
    }) : () -> ()
    %barrier3A = arith.constant 0 : index
    tpu.barrier barrier_id(%barrier3A)
    %scan3A = arith.constant 0 : i32
    %scan3A_3 = arith.constant 0 : i32
    %scan3A_4 = arith.constant 80 : i32
    %scan3A_5 = arith.addi %scan3A_3, %scan3A_4 : i32
    %scan3A_6 = arith.constant 1 : i32
    scf.for %scan3A_13 = %scan3A_3 to %scan3A_5 step %scan3A_6  : i32 {
      "tpu.region"() ({
        %run_scoped3A = tpu.sem_alloc : memref<!tpu.dma_semaphore, #tpu.memory_space<semaphore_mem>>
        %dma_start3A = arith.constant 0 : i32
        %dma_start3A_14 = tpu.memref_slice %arg6[%scan3A_13, %dma_start3A] : memref<80x128xi32, #tpu.memory_space<vmem>> -> memref<1x128xi32, #tpu.memory_space<vmem>>
        %dma_start3A_15 = tpu.memref_squeeze %dma_start3A_14 : memref<1x128xi32, #tpu.memory_space<vmem>> -> memref<128xi32, #tpu.memory_space<vmem>>
        %dma_start3A_16 = arith.constant 0 : i32
        %dma_start3A_17 = arith.constant 0 : i32
        %dma_start3A_18 = tpu.memref_slice %arg8[%dma_start3A_16, %dma_start3A_17] : memref<10112x128xf32, #tpu.memory_space<vmem_shared>> -> memref<10112x128xf32, #tpu.memory_space<vmem_shared>>
        tpu.enqueue_indirect_dma source(%arg7 : memref<128x128xf32, #tpu.memory_space<vmem>>) target(%dma_start3A_18 : memref<10112x128xf32, #tpu.memory_space<vmem_shared>>) offsets(%dma_start3A_15 : memref<128xi32, #tpu.memory_space<vmem>>) semaphore(%run_scoped3A : memref<!tpu.dma_semaphore, #tpu.memory_space<semaphore_mem>>) {add = true}
        %dma_wait3A = arith.constant 0 : i32
        %dma_wait3A_19 = tpu.memref_slice %arg6[%scan3A_13, %dma_wait3A] : memref<80x128xi32, #tpu.memory_space<vmem>> -> memref<1x128xi32, #tpu.memory_space<vmem>>
        %dma_wait3A_20 = tpu.memref_squeeze %dma_wait3A_19 : memref<1x128xi32, #tpu.memory_space<vmem>> -> memref<128xi32, #tpu.memory_space<vmem>>
        %dma_wait3A_21 = arith.constant 0 : i32
        %dma_wait3A_22 = arith.constant 0 : i32
        %dma_wait3A_23 = tpu.memref_slice %arg8[%dma_wait3A_21, %dma_wait3A_22] : memref<10112x128xf32, #tpu.memory_space<vmem_shared>> -> memref<10112x128xf32, #tpu.memory_space<vmem_shared>>
        tpu.wait_indirect_dma semaphore(%run_scoped3A : memref<!tpu.dma_semaphore, #tpu.memory_space<semaphore_mem>>) src(%arg7 : memref<128x128xf32, #tpu.memory_space<vmem>>) dst(%dma_wait3A_23 : memref<10112x128xf32, #tpu.memory_space<vmem_shared>>)
        tpu.yield
      }) : () -> ()
    }
    %scan3A_7 = arith.constant 80 : i32
    %barrier3A_8 = arith.constant 0 : index
    tpu.barrier barrier_id(%barrier3A_8)
    %mul3A_9 = arith.constant 632 : i32
    %mul3A_10 = arith.muli %arg1, %mul3A_9 : i32
    %mul3A_11 = arith.constant 632 : i32
    %mul3A_12 = arith.muli %arg1, %mul3A_11 : i32
    "tpu.region"() ({
      %run_scoped3A = tpu.sem_alloc : memref<!tpu.dma_semaphore, #tpu.memory_space<semaphore_mem>>
      %dma_start3A = arith.constant 0 : i32
      %dma_start3A_13 = arith.constant 0 : i32
      %dma_start3A_14 = tpu.memref_slice %arg5[%arg0, %dma_start3A, %dma_start3A_13] : memref<2x10112x128xf32, #tpu.memory_space<hbm>> -> memref<1x10112x128xf32, #tpu.memory_space<hbm>>
      %dma_start3A_15 = tpu.memref_squeeze %dma_start3A_14 : memref<1x10112x128xf32, #tpu.memory_space<hbm>> -> memref<10112x128xf32, #tpu.memory_space<hbm>>
      %dma_start3A_16 = arith.constant 0 : i32
      %dma_start3A_17 = tpu.memref_slice %dma_start3A_15[%mul3A_12, %dma_start3A_16] : memref<10112x128xf32, #tpu.memory_space<hbm>> -> memref<632x128xf32, #tpu.memory_space<hbm>>
      %dma_start3A_18 = arith.constant 0 : i32
      %dma_start3A_19 = tpu.memref_slice %arg8[%mul3A_10, %dma_start3A_18] : memref<10112x128xf32, #tpu.memory_space<vmem_shared>> -> memref<632x128xf32, #tpu.memory_space<vmem_shared>>
      tpu.enqueue_dma source(%dma_start3A_19 : memref<632x128xf32, #tpu.memory_space<vmem_shared>>) target(%dma_start3A_17 : memref<632x128xf32, #tpu.memory_space<hbm>>) target_semaphore(%run_scoped3A : memref<!tpu.dma_semaphore, #tpu.memory_space<semaphore_mem>>)
      %dma_wait3A = arith.constant 0 : i32
      %dma_wait3A_20 = arith.constant 0 : i32
      %dma_wait3A_21 = tpu.memref_slice %arg5[%arg0, %dma_wait3A, %dma_wait3A_20] : memref<2x10112x128xf32, #tpu.memory_space<hbm>> -> memref<1x10112x128xf32, #tpu.memory_space<hbm>>
      %dma_wait3A_22 = tpu.memref_squeeze %dma_wait3A_21 : memref<1x10112x128xf32, #tpu.memory_space<hbm>> -> memref<10112x128xf32, #tpu.memory_space<hbm>>
      %dma_wait3A_23 = arith.constant 0 : i32
      %dma_wait3A_24 = tpu.memref_slice %dma_wait3A_22[%mul3A_12, %dma_wait3A_23] : memref<10112x128xf32, #tpu.memory_space<hbm>> -> memref<632x128xf32, #tpu.memory_space<hbm>>
      %dma_wait3A_25 = arith.constant 0 : i32
      %dma_wait3A_26 = tpu.memref_slice %arg8[%mul3A_10, %dma_wait3A_25] : memref<10112x128xf32, #tpu.memory_space<vmem_shared>> -> memref<632x128xf32, #tpu.memory_space<vmem_shared>>
      tpu.wait_dma2 semaphore(%run_scoped3A : memref<!tpu.dma_semaphore, #tpu.memory_space<semaphore_mem>>) src(%dma_wait3A_26 : memref<632x128xf32, #tpu.memory_space<vmem_shared>>) dst(%dma_wait3A_24 : memref<632x128xf32, #tpu.memory_space<hbm>>)
      tpu.yield
    }) : () -> ()
    return
  }
}

#map = affine_map<(d0, d1) -> (0, 0)>
#map1 = affine_map<(d0, d1) -> (0, 0, 0)>
module attributes {stable_mosaic.version = 14 : i64} {
  func.func @_agg_body(%arg0: i32, %arg1: i32, %arg2: memref<10000x128xf32, #tpu.memory_space<hbm>>, %arg3: memref<32x80x128xi32, #tpu.memory_space<hbm>>, %arg4: memref<32x80x128xi32, #tpu.memory_space<hbm>>, %arg5: memref<632x128xf32, #tpu.memory_space<hbm>>, %arg6: memref<2x10112x128xf32, #tpu.memory_space<hbm>>, %arg7: memref<40x128xi32, #tpu.memory_space<vmem>>, %arg8: memref<40x128xi32, #tpu.memory_space<vmem>>, %arg9: memref<128x128xf32, #tpu.memory_space<vmem>>, %arg10: memref<128x128xf32, #tpu.memory_space<vmem>>, %arg11: memref<!tpu.dma_semaphore, #tpu.memory_space<semaphore_mem>>, %arg12: memref<!tpu.dma_semaphore, #tpu.memory_space<semaphore_mem>>, %arg13: memref<!tpu.dma_semaphore, #tpu.memory_space<semaphore_mem>>, %arg14: memref<!tpu.dma_semaphore, #tpu.memory_space<semaphore_mem>>, %arg15: memref<10112x128xf32, #tpu.memory_space<vmem_shared>>) attributes {dimension_semantics = [#tpu.dimension_semantics<core_parallel>, #tpu.dimension_semantics<subcore_parallel>], iteration_bounds = array<i64: 2, 16>, scalar_prefetch = 0 : i64, scratch_operands = 9 : i64, tpu.core_type = #tpu.core_type<sc_vector_subcore>, window_params = [{transform_indices = #map}, {transform_indices = #map1}, {transform_indices = #map1}, {transform_indices = #map}, {transform_indices = #map1}]} {
    %mul3A = arith.constant 16 : i32
    %mul3A_0 = arith.muli %arg0, %mul3A : i32
    %add3A = arith.addi %mul3A_0, %arg1 : i32
    %mul3A_1 = arith.constant 632 : i32
    %mul3A_2 = arith.muli %arg1, %mul3A_1 : i32
    "tpu.region"() ({
      %run_scoped3A = tpu.sem_alloc : memref<!tpu.dma_semaphore, #tpu.memory_space<semaphore_mem>>
      %dma_start3A_129 = arith.constant 0 : i32
      %dma_start3A_130 = tpu.memref_slice %arg15[%mul3A_2, %dma_start3A_129] : memref<10112x128xf32, #tpu.memory_space<vmem_shared>> -> memref<632x128xf32, #tpu.memory_space<vmem_shared>>
      tpu.enqueue_dma source(%arg5 : memref<632x128xf32, #tpu.memory_space<hbm>>) target(%dma_start3A_130 : memref<632x128xf32, #tpu.memory_space<vmem_shared>>) target_semaphore(%run_scoped3A : memref<!tpu.dma_semaphore, #tpu.memory_space<semaphore_mem>>)
      %dma_wait3A_131 = arith.constant 0 : i32
      %dma_wait3A_132 = tpu.memref_slice %arg15[%mul3A_2, %dma_wait3A_131] : memref<10112x128xf32, #tpu.memory_space<vmem_shared>> -> memref<632x128xf32, #tpu.memory_space<vmem_shared>>
      tpu.wait_dma2 semaphore(%run_scoped3A : memref<!tpu.dma_semaphore, #tpu.memory_space<semaphore_mem>>) src(%arg5 : memref<632x128xf32, #tpu.memory_space<hbm>>) dst(%dma_wait3A_132 : memref<632x128xf32, #tpu.memory_space<vmem_shared>>)
      tpu.yield
    }) : () -> ()
    %barrier3A = arith.constant 0 : index
    tpu.barrier barrier_id(%barrier3A)
    "tpu.region"() ({
      %run_scoped3A = tpu.sem_alloc : memref<!tpu.dma_semaphore, #tpu.memory_space<semaphore_mem>>
      %dma_start3A_129 = arith.constant 0 : i32
      %dma_start3A_130 = arith.constant 0 : i32
      %dma_start3A_131 = tpu.memref_slice %arg3[%add3A, %dma_start3A_129, %dma_start3A_130] : memref<32x80x128xi32, #tpu.memory_space<hbm>> -> memref<1x80x128xi32, #tpu.memory_space<hbm>>
      %dma_start3A_132 = tpu.memref_squeeze %dma_start3A_131 : memref<1x80x128xi32, #tpu.memory_space<hbm>> -> memref<80x128xi32, #tpu.memory_space<hbm>>
      %dma_start3A_133 = arith.constant 0 : i32
      %dma_start3A_134 = arith.constant 0 : i32
      %dma_start3A_135 = tpu.memref_slice %dma_start3A_132[%dma_start3A_133, %dma_start3A_134] : memref<80x128xi32, #tpu.memory_space<hbm>> -> memref<40x128xi32, #tpu.memory_space<hbm>>
      %dma_start3A_136 = arith.constant 0 : i32
      %dma_start3A_137 = arith.constant 0 : i32
      %dma_start3A_138 = tpu.memref_slice %arg3[%add3A, %dma_start3A_136, %dma_start3A_137] : memref<32x80x128xi32, #tpu.memory_space<hbm>> -> memref<1x80x128xi32, #tpu.memory_space<hbm>>
      %dma_start3A_139 = tpu.memref_squeeze %dma_start3A_138 : memref<1x80x128xi32, #tpu.memory_space<hbm>> -> memref<80x128xi32, #tpu.memory_space<hbm>>
      %dma_start3A_140 = arith.constant 0 : i32
      %dma_start3A_141 = arith.constant 0 : i32
      %dma_start3A_142 = tpu.memref_slice %dma_start3A_139[%dma_start3A_140, %dma_start3A_141] : memref<80x128xi32, #tpu.memory_space<hbm>> -> memref<40x128xi32, #tpu.memory_space<hbm>>
      tpu.enqueue_dma source(%dma_start3A_142 : memref<40x128xi32, #tpu.memory_space<hbm>>) target(%arg7 : memref<40x128xi32, #tpu.memory_space<vmem>>) target_semaphore(%run_scoped3A : memref<!tpu.dma_semaphore, #tpu.memory_space<semaphore_mem>>)
      %dma_wait3A_143 = arith.constant 0 : i32
      %dma_wait3A_144 = arith.constant 0 : i32
      %dma_wait3A_145 = tpu.memref_slice %arg3[%add3A, %dma_wait3A_143, %dma_wait3A_144] : memref<32x80x128xi32, #tpu.memory_space<hbm>> -> memref<1x80x128xi32, #tpu.memory_space<hbm>>
      %dma_wait3A_146 = tpu.memref_squeeze %dma_wait3A_145 : memref<1x80x128xi32, #tpu.memory_space<hbm>> -> memref<80x128xi32, #tpu.memory_space<hbm>>
      %dma_wait3A_147 = arith.constant 0 : i32
      %dma_wait3A_148 = arith.constant 0 : i32
      %dma_wait3A_149 = tpu.memref_slice %dma_wait3A_146[%dma_wait3A_147, %dma_wait3A_148] : memref<80x128xi32, #tpu.memory_space<hbm>> -> memref<40x128xi32, #tpu.memory_space<hbm>>
      %dma_wait3A_150 = arith.constant 0 : i32
      %dma_wait3A_151 = arith.constant 0 : i32
      %dma_wait3A_152 = tpu.memref_slice %arg3[%add3A, %dma_wait3A_150, %dma_wait3A_151] : memref<32x80x128xi32, #tpu.memory_space<hbm>> -> memref<1x80x128xi32, #tpu.memory_space<hbm>>
      %dma_wait3A_153 = tpu.memref_squeeze %dma_wait3A_152 : memref<1x80x128xi32, #tpu.memory_space<hbm>> -> memref<80x128xi32, #tpu.memory_space<hbm>>
      %dma_wait3A_154 = arith.constant 0 : i32
      %dma_wait3A_155 = arith.constant 0 : i32
      %dma_wait3A_156 = tpu.memref_slice %dma_wait3A_153[%dma_wait3A_154, %dma_wait3A_155] : memref<80x128xi32, #tpu.memory_space<hbm>> -> memref<40x128xi32, #tpu.memory_space<hbm>>
      tpu.wait_dma2 semaphore(%run_scoped3A : memref<!tpu.dma_semaphore, #tpu.memory_space<semaphore_mem>>) src(%dma_wait3A_156 : memref<40x128xi32, #tpu.memory_space<hbm>>) dst(%arg7 : memref<40x128xi32, #tpu.memory_space<vmem>>)
      tpu.yield
    }) : () -> ()
    "tpu.region"() ({
      %run_scoped3A = tpu.sem_alloc : memref<!tpu.dma_semaphore, #tpu.memory_space<semaphore_mem>>
      %dma_start3A_129 = arith.constant 0 : i32
      %dma_start3A_130 = arith.constant 0 : i32
      %dma_start3A_131 = tpu.memref_slice %arg4[%add3A, %dma_start3A_129, %dma_start3A_130] : memref<32x80x128xi32, #tpu.memory_space<hbm>> -> memref<1x80x128xi32, #tpu.memory_space<hbm>>
      %dma_start3A_132 = tpu.memref_squeeze %dma_start3A_131 : memref<1x80x128xi32, #tpu.memory_space<hbm>> -> memref<80x128xi32, #tpu.memory_space<hbm>>
      %dma_start3A_133 = arith.constant 0 : i32
      %dma_start3A_134 = arith.constant 0 : i32
      %dma_start3A_135 = tpu.memref_slice %dma_start3A_132[%dma_start3A_133, %dma_start3A_134] : memref<80x128xi32, #tpu.memory_space<hbm>> -> memref<40x128xi32, #tpu.memory_space<hbm>>
      %dma_start3A_136 = arith.constant 0 : i32
      %dma_start3A_137 = arith.constant 0 : i32
      %dma_start3A_138 = tpu.memref_slice %arg4[%add3A, %dma_start3A_136, %dma_start3A_137] : memref<32x80x128xi32, #tpu.memory_space<hbm>> -> memref<1x80x128xi32, #tpu.memory_space<hbm>>
      %dma_start3A_139 = tpu.memref_squeeze %dma_start3A_138 : memref<1x80x128xi32, #tpu.memory_space<hbm>> -> memref<80x128xi32, #tpu.memory_space<hbm>>
      %dma_start3A_140 = arith.constant 0 : i32
      %dma_start3A_141 = arith.constant 0 : i32
      %dma_start3A_142 = tpu.memref_slice %dma_start3A_139[%dma_start3A_140, %dma_start3A_141] : memref<80x128xi32, #tpu.memory_space<hbm>> -> memref<40x128xi32, #tpu.memory_space<hbm>>
      tpu.enqueue_dma source(%dma_start3A_142 : memref<40x128xi32, #tpu.memory_space<hbm>>) target(%arg8 : memref<40x128xi32, #tpu.memory_space<vmem>>) target_semaphore(%run_scoped3A : memref<!tpu.dma_semaphore, #tpu.memory_space<semaphore_mem>>)
      %dma_wait3A_143 = arith.constant 0 : i32
      %dma_wait3A_144 = arith.constant 0 : i32
      %dma_wait3A_145 = tpu.memref_slice %arg4[%add3A, %dma_wait3A_143, %dma_wait3A_144] : memref<32x80x128xi32, #tpu.memory_space<hbm>> -> memref<1x80x128xi32, #tpu.memory_space<hbm>>
      %dma_wait3A_146 = tpu.memref_squeeze %dma_wait3A_145 : memref<1x80x128xi32, #tpu.memory_space<hbm>> -> memref<80x128xi32, #tpu.memory_space<hbm>>
      %dma_wait3A_147 = arith.constant 0 : i32
      %dma_wait3A_148 = arith.constant 0 : i32
      %dma_wait3A_149 = tpu.memref_slice %dma_wait3A_146[%dma_wait3A_147, %dma_wait3A_148] : memref<80x128xi32, #tpu.memory_space<hbm>> -> memref<40x128xi32, #tpu.memory_space<hbm>>
      %dma_wait3A_150 = arith.constant 0 : i32
      %dma_wait3A_151 = arith.constant 0 : i32
      %dma_wait3A_152 = tpu.memref_slice %arg4[%add3A, %dma_wait3A_150, %dma_wait3A_151] : memref<32x80x128xi32, #tpu.memory_space<hbm>> -> memref<1x80x128xi32, #tpu.memory_space<hbm>>
      %dma_wait3A_153 = tpu.memref_squeeze %dma_wait3A_152 : memref<1x80x128xi32, #tpu.memory_space<hbm>> -> memref<80x128xi32, #tpu.memory_space<hbm>>
      %dma_wait3A_154 = arith.constant 0 : i32
      %dma_wait3A_155 = arith.constant 0 : i32
      %dma_wait3A_156 = tpu.memref_slice %dma_wait3A_153[%dma_wait3A_154, %dma_wait3A_155] : memref<80x128xi32, #tpu.memory_space<hbm>> -> memref<40x128xi32, #tpu.memory_space<hbm>>
      tpu.wait_dma2 semaphore(%run_scoped3A : memref<!tpu.dma_semaphore, #tpu.memory_space<semaphore_mem>>) src(%dma_wait3A_156 : memref<40x128xi32, #tpu.memory_space<hbm>>) dst(%arg8 : memref<40x128xi32, #tpu.memory_space<vmem>>)
      tpu.yield
    }) : () -> ()
    %dma_start3A = arith.constant 0 : i32
    %dma_start3A_3 = arith.constant 0 : i32
    %dma_start3A_4 = tpu.memref_slice %arg7[%dma_start3A, %dma_start3A_3] : memref<40x128xi32, #tpu.memory_space<vmem>> -> memref<1x128xi32, #tpu.memory_space<vmem>>
    %dma_start3A_5 = tpu.memref_squeeze %dma_start3A_4 : memref<1x128xi32, #tpu.memory_space<vmem>> -> memref<128xi32, #tpu.memory_space<vmem>>
    %dma_start3A_6 = arith.constant 0 : i32
    %dma_start3A_7 = arith.constant 0 : i32
    %dma_start3A_8 = tpu.memref_slice %arg2[%dma_start3A_6, %dma_start3A_7] : memref<10000x128xf32, #tpu.memory_space<hbm>> -> memref<10000x128xf32, #tpu.memory_space<hbm>>
    tpu.enqueue_indirect_dma source(%dma_start3A_8 : memref<10000x128xf32, #tpu.memory_space<hbm>>) target(%arg9 : memref<128x128xf32, #tpu.memory_space<vmem>>) offsets(%dma_start3A_5 : memref<128xi32, #tpu.memory_space<vmem>>) semaphore(%arg11 : memref<!tpu.dma_semaphore, #tpu.memory_space<semaphore_mem>>)
    %dma_start3A_9 = arith.constant 1 : i32
    %dma_start3A_10 = arith.constant 0 : i32
    %dma_start3A_11 = tpu.memref_slice %arg7[%dma_start3A_9, %dma_start3A_10] : memref<40x128xi32, #tpu.memory_space<vmem>> -> memref<1x128xi32, #tpu.memory_space<vmem>>
    %dma_start3A_12 = tpu.memref_squeeze %dma_start3A_11 : memref<1x128xi32, #tpu.memory_space<vmem>> -> memref<128xi32, #tpu.memory_space<vmem>>
    %dma_start3A_13 = arith.constant 0 : i32
    %dma_start3A_14 = arith.constant 0 : i32
    %dma_start3A_15 = tpu.memref_slice %arg2[%dma_start3A_13, %dma_start3A_14] : memref<10000x128xf32, #tpu.memory_space<hbm>> -> memref<10000x128xf32, #tpu.memory_space<hbm>>
    tpu.enqueue_indirect_dma source(%dma_start3A_15 : memref<10000x128xf32, #tpu.memory_space<hbm>>) target(%arg10 : memref<128x128xf32, #tpu.memory_space<vmem>>) offsets(%dma_start3A_12 : memref<128xi32, #tpu.memory_space<vmem>>) semaphore(%arg12 : memref<!tpu.dma_semaphore, #tpu.memory_space<semaphore_mem>>)
    %scan3A = arith.constant 0 : i32
    %scan3A_16 = arith.constant 0 : i32
    %scan3A_17 = arith.constant 19 : i32
    %scan3A_18 = arith.addi %scan3A_16, %scan3A_17 : i32
    %scan3A_19 = arith.constant 1 : i32
    scf.for %scan3A_129 = %scan3A_16 to %scan3A_18 step %scan3A_19  : i32 {
      %mul3A_130 = arith.constant 2 : i32
      %mul3A_131 = arith.muli %mul3A_130, %scan3A_129 : i32
      %dma_wait3A_132 = arith.constant 0 : i32
      %dma_wait3A_133 = tpu.memref_slice %arg7[%mul3A_131, %dma_wait3A_132] : memref<40x128xi32, #tpu.memory_space<vmem>> -> memref<1x128xi32, #tpu.memory_space<vmem>>
      %dma_wait3A_134 = tpu.memref_squeeze %dma_wait3A_133 : memref<1x128xi32, #tpu.memory_space<vmem>> -> memref<128xi32, #tpu.memory_space<vmem>>
      %dma_wait3A_135 = arith.constant 0 : i32
      %dma_wait3A_136 = arith.constant 0 : i32
      %dma_wait3A_137 = tpu.memref_slice %arg2[%dma_wait3A_135, %dma_wait3A_136] : memref<10000x128xf32, #tpu.memory_space<hbm>> -> memref<10000x128xf32, #tpu.memory_space<hbm>>
      tpu.wait_indirect_dma semaphore(%arg11 : memref<!tpu.dma_semaphore, #tpu.memory_space<semaphore_mem>>) src(%dma_wait3A_137 : memref<10000x128xf32, #tpu.memory_space<hbm>>) dst(%arg9 : memref<128x128xf32, #tpu.memory_space<vmem>>)
      %mul3A_138 = arith.constant 2 : i32
      %mul3A_139 = arith.muli %mul3A_138, %scan3A_129 : i32
      %dma_start3A_140 = arith.constant 0 : i32
      %dma_start3A_141 = tpu.memref_slice %arg8[%mul3A_139, %dma_start3A_140] : memref<40x128xi32, #tpu.memory_space<vmem>> -> memref<1x128xi32, #tpu.memory_space<vmem>>
      %dma_start3A_142 = tpu.memref_squeeze %dma_start3A_141 : memref<1x128xi32, #tpu.memory_space<vmem>> -> memref<128xi32, #tpu.memory_space<vmem>>
      %dma_start3A_143 = arith.constant 0 : i32
      %dma_start3A_144 = arith.constant 0 : i32
      %dma_start3A_145 = tpu.memref_slice %arg15[%dma_start3A_143, %dma_start3A_144] : memref<10112x128xf32, #tpu.memory_space<vmem_shared>> -> memref<10112x128xf32, #tpu.memory_space<vmem_shared>>
      tpu.enqueue_indirect_dma source(%arg9 : memref<128x128xf32, #tpu.memory_space<vmem>>) target(%dma_start3A_145 : memref<10112x128xf32, #tpu.memory_space<vmem_shared>>) offsets(%dma_start3A_142 : memref<128xi32, #tpu.memory_space<vmem>>) semaphore(%arg13 : memref<!tpu.dma_semaphore, #tpu.memory_space<semaphore_mem>>) {add = true}
      %mul3A_146 = arith.constant 2 : i32
      %mul3A_147 = arith.muli %mul3A_146, %scan3A_129 : i32
      %add3A_148 = arith.constant 1 : i32
      %add3A_149 = arith.addi %mul3A_147, %add3A_148 : i32
      %dma_wait3A_150 = arith.constant 0 : i32
      %dma_wait3A_151 = tpu.memref_slice %arg7[%add3A_149, %dma_wait3A_150] : memref<40x128xi32, #tpu.memory_space<vmem>> -> memref<1x128xi32, #tpu.memory_space<vmem>>
      %dma_wait3A_152 = tpu.memref_squeeze %dma_wait3A_151 : memref<1x128xi32, #tpu.memory_space<vmem>> -> memref<128xi32, #tpu.memory_space<vmem>>
      %dma_wait3A_153 = arith.constant 0 : i32
      %dma_wait3A_154 = arith.constant 0 : i32
      %dma_wait3A_155 = tpu.memref_slice %arg2[%dma_wait3A_153, %dma_wait3A_154] : memref<10000x128xf32, #tpu.memory_space<hbm>> -> memref<10000x128xf32, #tpu.memory_space<hbm>>
      tpu.wait_indirect_dma semaphore(%arg12 : memref<!tpu.dma_semaphore, #tpu.memory_space<semaphore_mem>>) src(%dma_wait3A_155 : memref<10000x128xf32, #tpu.memory_space<hbm>>) dst(%arg10 : memref<128x128xf32, #tpu.memory_space<vmem>>)
      %mul3A_156 = arith.constant 2 : i32
      %mul3A_157 = arith.muli %mul3A_156, %scan3A_129 : i32
      %add3A_158 = arith.constant 1 : i32
      %add3A_159 = arith.addi %mul3A_157, %add3A_158 : i32
      %dma_start3A_160 = arith.constant 0 : i32
      %dma_start3A_161 = tpu.memref_slice %arg8[%add3A_159, %dma_start3A_160] : memref<40x128xi32, #tpu.memory_space<vmem>> -> memref<1x128xi32, #tpu.memory_space<vmem>>
      %dma_start3A_162 = tpu.memref_squeeze %dma_start3A_161 : memref<1x128xi32, #tpu.memory_space<vmem>> -> memref<128xi32, #tpu.memory_space<vmem>>
      %dma_start3A_163 = arith.constant 0 : i32
      %dma_start3A_164 = arith.constant 0 : i32
      %dma_start3A_165 = tpu.memref_slice %arg15[%dma_start3A_163, %dma_start3A_164] : memref<10112x128xf32, #tpu.memory_space<vmem_shared>> -> memref<10112x128xf32, #tpu.memory_space<vmem_shared>>
      tpu.enqueue_indirect_dma source(%arg10 : memref<128x128xf32, #tpu.memory_space<vmem>>) target(%dma_start3A_165 : memref<10112x128xf32, #tpu.memory_space<vmem_shared>>) offsets(%dma_start3A_162 : memref<128xi32, #tpu.memory_space<vmem>>) semaphore(%arg14 : memref<!tpu.dma_semaphore, #tpu.memory_space<semaphore_mem>>) {add = true}
      %mul3A_166 = arith.constant 2 : i32
      %mul3A_167 = arith.muli %mul3A_166, %scan3A_129 : i32
      %dma_wait3A_168 = arith.constant 0 : i32
      %dma_wait3A_169 = tpu.memref_slice %arg7[%mul3A_167, %dma_wait3A_168] : memref<40x128xi32, #tpu.memory_space<vmem>> -> memref<1x128xi32, #tpu.memory_space<vmem>>
      %dma_wait3A_170 = tpu.memref_squeeze %dma_wait3A_169 : memref<1x128xi32, #tpu.memory_space<vmem>> -> memref<128xi32, #tpu.memory_space<vmem>>
      %dma_wait3A_171 = arith.constant 0 : i32
      %dma_wait3A_172 = arith.constant 0 : i32
      %dma_wait3A_173 = tpu.memref_slice %arg2[%dma_wait3A_171, %dma_wait3A_172] : memref<10000x128xf32, #tpu.memory_space<hbm>> -> memref<10000x128xf32, #tpu.memory_space<hbm>>
      tpu.wait_indirect_dma semaphore(%arg13 : memref<!tpu.dma_semaphore, #tpu.memory_space<semaphore_mem>>) src(%dma_wait3A_173 : memref<10000x128xf32, #tpu.memory_space<hbm>>) dst(%arg9 : memref<128x128xf32, #tpu.memory_space<vmem>>)
      %mul3A_174 = arith.constant 2 : i32
      %mul3A_175 = arith.muli %mul3A_174, %scan3A_129 : i32
      %add3A_176 = arith.constant 2 : i32
      %add3A_177 = arith.addi %mul3A_175, %add3A_176 : i32
      %dma_start3A_178 = arith.constant 0 : i32
      %dma_start3A_179 = tpu.memref_slice %arg7[%add3A_177, %dma_start3A_178] : memref<40x128xi32, #tpu.memory_space<vmem>> -> memref<1x128xi32, #tpu.memory_space<vmem>>
      %dma_start3A_180 = tpu.memref_squeeze %dma_start3A_179 : memref<1x128xi32, #tpu.memory_space<vmem>> -> memref<128xi32, #tpu.memory_space<vmem>>
      %dma_start3A_181 = arith.constant 0 : i32
      %dma_start3A_182 = arith.constant 0 : i32
      %dma_start3A_183 = tpu.memref_slice %arg2[%dma_start3A_181, %dma_start3A_182] : memref<10000x128xf32, #tpu.memory_space<hbm>> -> memref<10000x128xf32, #tpu.memory_space<hbm>>
      tpu.enqueue_indirect_dma source(%dma_start3A_183 : memref<10000x128xf32, #tpu.memory_space<hbm>>) target(%arg9 : memref<128x128xf32, #tpu.memory_space<vmem>>) offsets(%dma_start3A_180 : memref<128xi32, #tpu.memory_space<vmem>>) semaphore(%arg11 : memref<!tpu.dma_semaphore, #tpu.memory_space<semaphore_mem>>)
      %mul3A_184 = arith.constant 2 : i32
      %mul3A_185 = arith.muli %mul3A_184, %scan3A_129 : i32
      %add3A_186 = arith.constant 1 : i32
      %add3A_187 = arith.addi %mul3A_185, %add3A_186 : i32
      %dma_wait3A_188 = arith.constant 0 : i32
      %dma_wait3A_189 = tpu.memref_slice %arg7[%add3A_187, %dma_wait3A_188] : memref<40x128xi32, #tpu.memory_space<vmem>> -> memref<1x128xi32, #tpu.memory_space<vmem>>
      %dma_wait3A_190 = tpu.memref_squeeze %dma_wait3A_189 : memref<1x128xi32, #tpu.memory_space<vmem>> -> memref<128xi32, #tpu.memory_space<vmem>>
      %dma_wait3A_191 = arith.constant 0 : i32
      %dma_wait3A_192 = arith.constant 0 : i32
      %dma_wait3A_193 = tpu.memref_slice %arg2[%dma_wait3A_191, %dma_wait3A_192] : memref<10000x128xf32, #tpu.memory_space<hbm>> -> memref<10000x128xf32, #tpu.memory_space<hbm>>
      tpu.wait_indirect_dma semaphore(%arg14 : memref<!tpu.dma_semaphore, #tpu.memory_space<semaphore_mem>>) src(%dma_wait3A_193 : memref<10000x128xf32, #tpu.memory_space<hbm>>) dst(%arg10 : memref<128x128xf32, #tpu.memory_space<vmem>>)
      %mul3A_194 = arith.constant 2 : i32
      %mul3A_195 = arith.muli %mul3A_194, %scan3A_129 : i32
      %add3A_196 = arith.constant 3 : i32
      %add3A_197 = arith.addi %mul3A_195, %add3A_196 : i32
      %dma_start3A_198 = arith.constant 0 : i32
      %dma_start3A_199 = tpu.memref_slice %arg7[%add3A_197, %dma_start3A_198] : memref<40x128xi32, #tpu.memory_space<vmem>> -> memref<1x128xi32, #tpu.memory_space<vmem>>
      %dma_start3A_200 = tpu.memref_squeeze %dma_start3A_199 : memref<1x128xi32, #tpu.memory_space<vmem>> -> memref<128xi32, #tpu.memory_space<vmem>>
      %dma_start3A_201 = arith.constant 0 : i32
      %dma_start3A_202 = arith.constant 0 : i32
      %dma_start3A_203 = tpu.memref_slice %arg2[%dma_start3A_201, %dma_start3A_202] : memref<10000x128xf32, #tpu.memory_space<hbm>> -> memref<10000x128xf32, #tpu.memory_space<hbm>>
      tpu.enqueue_indirect_dma source(%dma_start3A_203 : memref<10000x128xf32, #tpu.memory_space<hbm>>) target(%arg10 : memref<128x128xf32, #tpu.memory_space<vmem>>) offsets(%dma_start3A_200 : memref<128xi32, #tpu.memory_space<vmem>>) semaphore(%arg12 : memref<!tpu.dma_semaphore, #tpu.memory_space<semaphore_mem>>)
    }
    %scan3A_20 = arith.constant 19 : i32
    %dma_wait3A = arith.constant 38 : i32
    %dma_wait3A_21 = arith.constant 0 : i32
    %dma_wait3A_22 = tpu.memref_slice %arg7[%dma_wait3A, %dma_wait3A_21] : memref<40x128xi32, #tpu.memory_space<vmem>> -> memref<1x128xi32, #tpu.memory_space<vmem>>
    %dma_wait3A_23 = tpu.memref_squeeze %dma_wait3A_22 : memref<1x128xi32, #tpu.memory_space<vmem>> -> memref<128xi32, #tpu.memory_space<vmem>>
    %dma_wait3A_24 = arith.constant 0 : i32
    %dma_wait3A_25 = arith.constant 0 : i32
    %dma_wait3A_26 = tpu.memref_slice %arg2[%dma_wait3A_24, %dma_wait3A_25] : memref<10000x128xf32, #tpu.memory_space<hbm>> -> memref<10000x128xf32, #tpu.memory_space<hbm>>
    tpu.wait_indirect_dma semaphore(%arg11 : memref<!tpu.dma_semaphore, #tpu.memory_space<semaphore_mem>>) src(%dma_wait3A_26 : memref<10000x128xf32, #tpu.memory_space<hbm>>) dst(%arg9 : memref<128x128xf32, #tpu.memory_space<vmem>>)
    %dma_start3A_27 = arith.constant 38 : i32
    %dma_start3A_28 = arith.constant 0 : i32
    %dma_start3A_29 = tpu.memref_slice %arg8[%dma_start3A_27, %dma_start3A_28] : memref<40x128xi32, #tpu.memory_space<vmem>> -> memref<1x128xi32, #tpu.memory_space<vmem>>
    %dma_start3A_30 = tpu.memref_squeeze %dma_start3A_29 : memref<1x128xi32, #tpu.memory_space<vmem>> -> memref<128xi32, #tpu.memory_space<vmem>>
    %dma_start3A_31 = arith.constant 0 : i32
    %dma_start3A_32 = arith.constant 0 : i32
    %dma_start3A_33 = tpu.memref_slice %arg15[%dma_start3A_31, %dma_start3A_32] : memref<10112x128xf32, #tpu.memory_space<vmem_shared>> -> memref<10112x128xf32, #tpu.memory_space<vmem_shared>>
    tpu.enqueue_indirect_dma source(%arg9 : memref<128x128xf32, #tpu.memory_space<vmem>>) target(%dma_start3A_33 : memref<10112x128xf32, #tpu.memory_space<vmem_shared>>) offsets(%dma_start3A_30 : memref<128xi32, #tpu.memory_space<vmem>>) semaphore(%arg13 : memref<!tpu.dma_semaphore, #tpu.memory_space<semaphore_mem>>) {add = true}
    %dma_wait3A_34 = arith.constant 39 : i32
    %dma_wait3A_35 = arith.constant 0 : i32
    %dma_wait3A_36 = tpu.memref_slice %arg7[%dma_wait3A_34, %dma_wait3A_35] : memref<40x128xi32, #tpu.memory_space<vmem>> -> memref<1x128xi32, #tpu.memory_space<vmem>>
    %dma_wait3A_37 = tpu.memref_squeeze %dma_wait3A_36 : memref<1x128xi32, #tpu.memory_space<vmem>> -> memref<128xi32, #tpu.memory_space<vmem>>
    %dma_wait3A_38 = arith.constant 0 : i32
    %dma_wait3A_39 = arith.constant 0 : i32
    %dma_wait3A_40 = tpu.memref_slice %arg2[%dma_wait3A_38, %dma_wait3A_39] : memref<10000x128xf32, #tpu.memory_space<hbm>> -> memref<10000x128xf32, #tpu.memory_space<hbm>>
    tpu.wait_indirect_dma semaphore(%arg12 : memref<!tpu.dma_semaphore, #tpu.memory_space<semaphore_mem>>) src(%dma_wait3A_40 : memref<10000x128xf32, #tpu.memory_space<hbm>>) dst(%arg10 : memref<128x128xf32, #tpu.memory_space<vmem>>)
    %dma_start3A_41 = arith.constant 39 : i32
    %dma_start3A_42 = arith.constant 0 : i32
    %dma_start3A_43 = tpu.memref_slice %arg8[%dma_start3A_41, %dma_start3A_42] : memref<40x128xi32, #tpu.memory_space<vmem>> -> memref<1x128xi32, #tpu.memory_space<vmem>>
    %dma_start3A_44 = tpu.memref_squeeze %dma_start3A_43 : memref<1x128xi32, #tpu.memory_space<vmem>> -> memref<128xi32, #tpu.memory_space<vmem>>
    %dma_start3A_45 = arith.constant 0 : i32
    %dma_start3A_46 = arith.constant 0 : i32
    %dma_start3A_47 = tpu.memref_slice %arg15[%dma_start3A_45, %dma_start3A_46] : memref<10112x128xf32, #tpu.memory_space<vmem_shared>> -> memref<10112x128xf32, #tpu.memory_space<vmem_shared>>
    tpu.enqueue_indirect_dma source(%arg10 : memref<128x128xf32, #tpu.memory_space<vmem>>) target(%dma_start3A_47 : memref<10112x128xf32, #tpu.memory_space<vmem_shared>>) offsets(%dma_start3A_44 : memref<128xi32, #tpu.memory_space<vmem>>) semaphore(%arg14 : memref<!tpu.dma_semaphore, #tpu.memory_space<semaphore_mem>>) {add = true}
    %dma_wait3A_48 = arith.constant 38 : i32
    %dma_wait3A_49 = arith.constant 0 : i32
    %dma_wait3A_50 = tpu.memref_slice %arg7[%dma_wait3A_48, %dma_wait3A_49] : memref<40x128xi32, #tpu.memory_space<vmem>> -> memref<1x128xi32, #tpu.memory_space<vmem>>
    %dma_wait3A_51 = tpu.memref_squeeze %dma_wait3A_50 : memref<1x128xi32, #tpu.memory_space<vmem>> -> memref<128xi32, #tpu.memory_space<vmem>>
    %dma_wait3A_52 = arith.constant 0 : i32
    %dma_wait3A_53 = arith.constant 0 : i32
    %dma_wait3A_54 = tpu.memref_slice %arg2[%dma_wait3A_52, %dma_wait3A_53] : memref<10000x128xf32, #tpu.memory_space<hbm>> -> memref<10000x128xf32, #tpu.memory_space<hbm>>
    tpu.wait_indirect_dma semaphore(%arg13 : memref<!tpu.dma_semaphore, #tpu.memory_space<semaphore_mem>>) src(%dma_wait3A_54 : memref<10000x128xf32, #tpu.memory_space<hbm>>) dst(%arg9 : memref<128x128xf32, #tpu.memory_space<vmem>>)
    %dma_wait3A_55 = arith.constant 39 : i32
    %dma_wait3A_56 = arith.constant 0 : i32
    %dma_wait3A_57 = tpu.memref_slice %arg7[%dma_wait3A_55, %dma_wait3A_56] : memref<40x128xi32, #tpu.memory_space<vmem>> -> memref<1x128xi32, #tpu.memory_space<vmem>>
    %dma_wait3A_58 = tpu.memref_squeeze %dma_wait3A_57 : memref<1x128xi32, #tpu.memory_space<vmem>> -> memref<128xi32, #tpu.memory_space<vmem>>
    %dma_wait3A_59 = arith.constant 0 : i32
    %dma_wait3A_60 = arith.constant 0 : i32
    %dma_wait3A_61 = tpu.memref_slice %arg2[%dma_wait3A_59, %dma_wait3A_60] : memref<10000x128xf32, #tpu.memory_space<hbm>> -> memref<10000x128xf32, #tpu.memory_space<hbm>>
    tpu.wait_indirect_dma semaphore(%arg14 : memref<!tpu.dma_semaphore, #tpu.memory_space<semaphore_mem>>) src(%dma_wait3A_61 : memref<10000x128xf32, #tpu.memory_space<hbm>>) dst(%arg10 : memref<128x128xf32, #tpu.memory_space<vmem>>)
    "tpu.region"() ({
      %run_scoped3A = tpu.sem_alloc : memref<!tpu.dma_semaphore, #tpu.memory_space<semaphore_mem>>
      %dma_start3A_129 = arith.constant 0 : i32
      %dma_start3A_130 = arith.constant 0 : i32
      %dma_start3A_131 = tpu.memref_slice %arg3[%add3A, %dma_start3A_129, %dma_start3A_130] : memref<32x80x128xi32, #tpu.memory_space<hbm>> -> memref<1x80x128xi32, #tpu.memory_space<hbm>>
      %dma_start3A_132 = tpu.memref_squeeze %dma_start3A_131 : memref<1x80x128xi32, #tpu.memory_space<hbm>> -> memref<80x128xi32, #tpu.memory_space<hbm>>
      %dma_start3A_133 = arith.constant 40 : i32
      %dma_start3A_134 = arith.constant 0 : i32
      %dma_start3A_135 = tpu.memref_slice %dma_start3A_132[%dma_start3A_133, %dma_start3A_134] : memref<80x128xi32, #tpu.memory_space<hbm>> -> memref<40x128xi32, #tpu.memory_space<hbm>>
      %dma_start3A_136 = arith.constant 0 : i32
      %dma_start3A_137 = arith.constant 0 : i32
      %dma_start3A_138 = tpu.memref_slice %arg3[%add3A, %dma_start3A_136, %dma_start3A_137] : memref<32x80x128xi32, #tpu.memory_space<hbm>> -> memref<1x80x128xi32, #tpu.memory_space<hbm>>
      %dma_start3A_139 = tpu.memref_squeeze %dma_start3A_138 : memref<1x80x128xi32, #tpu.memory_space<hbm>> -> memref<80x128xi32, #tpu.memory_space<hbm>>
      %dma_start3A_140 = arith.constant 40 : i32
      %dma_start3A_141 = arith.constant 0 : i32
      %dma_start3A_142 = tpu.memref_slice %dma_start3A_139[%dma_start3A_140, %dma_start3A_141] : memref<80x128xi32, #tpu.memory_space<hbm>> -> memref<40x128xi32, #tpu.memory_space<hbm>>
      tpu.enqueue_dma source(%dma_start3A_142 : memref<40x128xi32, #tpu.memory_space<hbm>>) target(%arg7 : memref<40x128xi32, #tpu.memory_space<vmem>>) target_semaphore(%run_scoped3A : memref<!tpu.dma_semaphore, #tpu.memory_space<semaphore_mem>>)
      %dma_wait3A_143 = arith.constant 0 : i32
      %dma_wait3A_144 = arith.constant 0 : i32
      %dma_wait3A_145 = tpu.memref_slice %arg3[%add3A, %dma_wait3A_143, %dma_wait3A_144] : memref<32x80x128xi32, #tpu.memory_space<hbm>> -> memref<1x80x128xi32, #tpu.memory_space<hbm>>
      %dma_wait3A_146 = tpu.memref_squeeze %dma_wait3A_145 : memref<1x80x128xi32, #tpu.memory_space<hbm>> -> memref<80x128xi32, #tpu.memory_space<hbm>>
      %dma_wait3A_147 = arith.constant 40 : i32
      %dma_wait3A_148 = arith.constant 0 : i32
      %dma_wait3A_149 = tpu.memref_slice %dma_wait3A_146[%dma_wait3A_147, %dma_wait3A_148] : memref<80x128xi32, #tpu.memory_space<hbm>> -> memref<40x128xi32, #tpu.memory_space<hbm>>
      %dma_wait3A_150 = arith.constant 0 : i32
      %dma_wait3A_151 = arith.constant 0 : i32
      %dma_wait3A_152 = tpu.memref_slice %arg3[%add3A, %dma_wait3A_150, %dma_wait3A_151] : memref<32x80x128xi32, #tpu.memory_space<hbm>> -> memref<1x80x128xi32, #tpu.memory_space<hbm>>
      %dma_wait3A_153 = tpu.memref_squeeze %dma_wait3A_152 : memref<1x80x128xi32, #tpu.memory_space<hbm>> -> memref<80x128xi32, #tpu.memory_space<hbm>>
      %dma_wait3A_154 = arith.constant 40 : i32
      %dma_wait3A_155 = arith.constant 0 : i32
      %dma_wait3A_156 = tpu.memref_slice %dma_wait3A_153[%dma_wait3A_154, %dma_wait3A_155] : memref<80x128xi32, #tpu.memory_space<hbm>> -> memref<40x128xi32, #tpu.memory_space<hbm>>
      tpu.wait_dma2 semaphore(%run_scoped3A : memref<!tpu.dma_semaphore, #tpu.memory_space<semaphore_mem>>) src(%dma_wait3A_156 : memref<40x128xi32, #tpu.memory_space<hbm>>) dst(%arg7 : memref<40x128xi32, #tpu.memory_space<vmem>>)
      tpu.yield
    }) : () -> ()
    "tpu.region"() ({
      %run_scoped3A = tpu.sem_alloc : memref<!tpu.dma_semaphore, #tpu.memory_space<semaphore_mem>>
      %dma_start3A_129 = arith.constant 0 : i32
      %dma_start3A_130 = arith.constant 0 : i32
      %dma_start3A_131 = tpu.memref_slice %arg4[%add3A, %dma_start3A_129, %dma_start3A_130] : memref<32x80x128xi32, #tpu.memory_space<hbm>> -> memref<1x80x128xi32, #tpu.memory_space<hbm>>
      %dma_start3A_132 = tpu.memref_squeeze %dma_start3A_131 : memref<1x80x128xi32, #tpu.memory_space<hbm>> -> memref<80x128xi32, #tpu.memory_space<hbm>>
      %dma_start3A_133 = arith.constant 40 : i32
      %dma_start3A_134 = arith.constant 0 : i32
      %dma_start3A_135 = tpu.memref_slice %dma_start3A_132[%dma_start3A_133, %dma_start3A_134] : memref<80x128xi32, #tpu.memory_space<hbm>> -> memref<40x128xi32, #tpu.memory_space<hbm>>
      %dma_start3A_136 = arith.constant 0 : i32
      %dma_start3A_137 = arith.constant 0 : i32
      %dma_start3A_138 = tpu.memref_slice %arg4[%add3A, %dma_start3A_136, %dma_start3A_137] : memref<32x80x128xi32, #tpu.memory_space<hbm>> -> memref<1x80x128xi32, #tpu.memory_space<hbm>>
      %dma_start3A_139 = tpu.memref_squeeze %dma_start3A_138 : memref<1x80x128xi32, #tpu.memory_space<hbm>> -> memref<80x128xi32, #tpu.memory_space<hbm>>
      %dma_start3A_140 = arith.constant 40 : i32
      %dma_start3A_141 = arith.constant 0 : i32
      %dma_start3A_142 = tpu.memref_slice %dma_start3A_139[%dma_start3A_140, %dma_start3A_141] : memref<80x128xi32, #tpu.memory_space<hbm>> -> memref<40x128xi32, #tpu.memory_space<hbm>>
      tpu.enqueue_dma source(%dma_start3A_142 : memref<40x128xi32, #tpu.memory_space<hbm>>) target(%arg8 : memref<40x128xi32, #tpu.memory_space<vmem>>) target_semaphore(%run_scoped3A : memref<!tpu.dma_semaphore, #tpu.memory_space<semaphore_mem>>)
      %dma_wait3A_143 = arith.constant 0 : i32
      %dma_wait3A_144 = arith.constant 0 : i32
      %dma_wait3A_145 = tpu.memref_slice %arg4[%add3A, %dma_wait3A_143, %dma_wait3A_144] : memref<32x80x128xi32, #tpu.memory_space<hbm>> -> memref<1x80x128xi32, #tpu.memory_space<hbm>>
      %dma_wait3A_146 = tpu.memref_squeeze %dma_wait3A_145 : memref<1x80x128xi32, #tpu.memory_space<hbm>> -> memref<80x128xi32, #tpu.memory_space<hbm>>
      %dma_wait3A_147 = arith.constant 40 : i32
      %dma_wait3A_148 = arith.constant 0 : i32
      %dma_wait3A_149 = tpu.memref_slice %dma_wait3A_146[%dma_wait3A_147, %dma_wait3A_148] : memref<80x128xi32, #tpu.memory_space<hbm>> -> memref<40x128xi32, #tpu.memory_space<hbm>>
      %dma_wait3A_150 = arith.constant 0 : i32
      %dma_wait3A_151 = arith.constant 0 : i32
      %dma_wait3A_152 = tpu.memref_slice %arg4[%add3A, %dma_wait3A_150, %dma_wait3A_151] : memref<32x80x128xi32, #tpu.memory_space<hbm>> -> memref<1x80x128xi32, #tpu.memory_space<hbm>>
      %dma_wait3A_153 = tpu.memref_squeeze %dma_wait3A_152 : memref<1x80x128xi32, #tpu.memory_space<hbm>> -> memref<80x128xi32, #tpu.memory_space<hbm>>
      %dma_wait3A_154 = arith.constant 40 : i32
      %dma_wait3A_155 = arith.constant 0 : i32
      %dma_wait3A_156 = tpu.memref_slice %dma_wait3A_153[%dma_wait3A_154, %dma_wait3A_155] : memref<80x128xi32, #tpu.memory_space<hbm>> -> memref<40x128xi32, #tpu.memory_space<hbm>>
      tpu.wait_dma2 semaphore(%run_scoped3A : memref<!tpu.dma_semaphore, #tpu.memory_space<semaphore_mem>>) src(%dma_wait3A_156 : memref<40x128xi32, #tpu.memory_space<hbm>>) dst(%arg8 : memref<40x128xi32, #tpu.memory_space<vmem>>)
      tpu.yield
    }) : () -> ()
    %dma_start3A_62 = arith.constant 0 : i32
    %dma_start3A_63 = arith.constant 0 : i32
    %dma_start3A_64 = tpu.memref_slice %arg7[%dma_start3A_62, %dma_start3A_63] : memref<40x128xi32, #tpu.memory_space<vmem>> -> memref<1x128xi32, #tpu.memory_space<vmem>>
    %dma_start3A_65 = tpu.memref_squeeze %dma_start3A_64 : memref<1x128xi32, #tpu.memory_space<vmem>> -> memref<128xi32, #tpu.memory_space<vmem>>
    %dma_start3A_66 = arith.constant 0 : i32
    %dma_start3A_67 = arith.constant 0 : i32
    %dma_start3A_68 = tpu.memref_slice %arg2[%dma_start3A_66, %dma_start3A_67] : memref<10000x128xf32, #tpu.memory_space<hbm>> -> memref<10000x128xf32, #tpu.memory_space<hbm>>
    tpu.enqueue_indirect_dma source(%dma_start3A_68 : memref<10000x128xf32, #tpu.memory_space<hbm>>) target(%arg9 : memref<128x128xf32, #tpu.memory_space<vmem>>) offsets(%dma_start3A_65 : memref<128xi32, #tpu.memory_space<vmem>>) semaphore(%arg11 : memref<!tpu.dma_semaphore, #tpu.memory_space<semaphore_mem>>)
    %dma_start3A_69 = arith.constant 1 : i32
    %dma_start3A_70 = arith.constant 0 : i32
    %dma_start3A_71 = tpu.memref_slice %arg7[%dma_start3A_69, %dma_start3A_70] : memref<40x128xi32, #tpu.memory_space<vmem>> -> memref<1x128xi32, #tpu.memory_space<vmem>>
    %dma_start3A_72 = tpu.memref_squeeze %dma_start3A_71 : memref<1x128xi32, #tpu.memory_space<vmem>> -> memref<128xi32, #tpu.memory_space<vmem>>
    %dma_start3A_73 = arith.constant 0 : i32
    %dma_start3A_74 = arith.constant 0 : i32
    %dma_start3A_75 = tpu.memref_slice %arg2[%dma_start3A_73, %dma_start3A_74] : memref<10000x128xf32, #tpu.memory_space<hbm>> -> memref<10000x128xf32, #tpu.memory_space<hbm>>
    tpu.enqueue_indirect_dma source(%dma_start3A_75 : memref<10000x128xf32, #tpu.memory_space<hbm>>) target(%arg10 : memref<128x128xf32, #tpu.memory_space<vmem>>) offsets(%dma_start3A_72 : memref<128xi32, #tpu.memory_space<vmem>>) semaphore(%arg12 : memref<!tpu.dma_semaphore, #tpu.memory_space<semaphore_mem>>)
    %scan3A_76 = arith.constant 0 : i32
    %scan3A_77 = arith.constant 0 : i32
    %scan3A_78 = arith.constant 19 : i32
    %scan3A_79 = arith.addi %scan3A_77, %scan3A_78 : i32
    %scan3A_80 = arith.constant 1 : i32
    scf.for %scan3A_129 = %scan3A_77 to %scan3A_79 step %scan3A_80  : i32 {
      %mul3A_130 = arith.constant 2 : i32
      %mul3A_131 = arith.muli %mul3A_130, %scan3A_129 : i32
      %dma_wait3A_132 = arith.constant 0 : i32
      %dma_wait3A_133 = tpu.memref_slice %arg7[%mul3A_131, %dma_wait3A_132] : memref<40x128xi32, #tpu.memory_space<vmem>> -> memref<1x128xi32, #tpu.memory_space<vmem>>
      %dma_wait3A_134 = tpu.memref_squeeze %dma_wait3A_133 : memref<1x128xi32, #tpu.memory_space<vmem>> -> memref<128xi32, #tpu.memory_space<vmem>>
      %dma_wait3A_135 = arith.constant 0 : i32
      %dma_wait3A_136 = arith.constant 0 : i32
      %dma_wait3A_137 = tpu.memref_slice %arg2[%dma_wait3A_135, %dma_wait3A_136] : memref<10000x128xf32, #tpu.memory_space<hbm>> -> memref<10000x128xf32, #tpu.memory_space<hbm>>
      tpu.wait_indirect_dma semaphore(%arg11 : memref<!tpu.dma_semaphore, #tpu.memory_space<semaphore_mem>>) src(%dma_wait3A_137 : memref<10000x128xf32, #tpu.memory_space<hbm>>) dst(%arg9 : memref<128x128xf32, #tpu.memory_space<vmem>>)
      %mul3A_138 = arith.constant 2 : i32
      %mul3A_139 = arith.muli %mul3A_138, %scan3A_129 : i32
      %dma_start3A_140 = arith.constant 0 : i32
      %dma_start3A_141 = tpu.memref_slice %arg8[%mul3A_139, %dma_start3A_140] : memref<40x128xi32, #tpu.memory_space<vmem>> -> memref<1x128xi32, #tpu.memory_space<vmem>>
      %dma_start3A_142 = tpu.memref_squeeze %dma_start3A_141 : memref<1x128xi32, #tpu.memory_space<vmem>> -> memref<128xi32, #tpu.memory_space<vmem>>
      %dma_start3A_143 = arith.constant 0 : i32
      %dma_start3A_144 = arith.constant 0 : i32
      %dma_start3A_145 = tpu.memref_slice %arg15[%dma_start3A_143, %dma_start3A_144] : memref<10112x128xf32, #tpu.memory_space<vmem_shared>> -> memref<10112x128xf32, #tpu.memory_space<vmem_shared>>
      tpu.enqueue_indirect_dma source(%arg9 : memref<128x128xf32, #tpu.memory_space<vmem>>) target(%dma_start3A_145 : memref<10112x128xf32, #tpu.memory_space<vmem_shared>>) offsets(%dma_start3A_142 : memref<128xi32, #tpu.memory_space<vmem>>) semaphore(%arg13 : memref<!tpu.dma_semaphore, #tpu.memory_space<semaphore_mem>>) {add = true}
      %mul3A_146 = arith.constant 2 : i32
      %mul3A_147 = arith.muli %mul3A_146, %scan3A_129 : i32
      %add3A_148 = arith.constant 1 : i32
      %add3A_149 = arith.addi %mul3A_147, %add3A_148 : i32
      %dma_wait3A_150 = arith.constant 0 : i32
      %dma_wait3A_151 = tpu.memref_slice %arg7[%add3A_149, %dma_wait3A_150] : memref<40x128xi32, #tpu.memory_space<vmem>> -> memref<1x128xi32, #tpu.memory_space<vmem>>
      %dma_wait3A_152 = tpu.memref_squeeze %dma_wait3A_151 : memref<1x128xi32, #tpu.memory_space<vmem>> -> memref<128xi32, #tpu.memory_space<vmem>>
      %dma_wait3A_153 = arith.constant 0 : i32
      %dma_wait3A_154 = arith.constant 0 : i32
      %dma_wait3A_155 = tpu.memref_slice %arg2[%dma_wait3A_153, %dma_wait3A_154] : memref<10000x128xf32, #tpu.memory_space<hbm>> -> memref<10000x128xf32, #tpu.memory_space<hbm>>
      tpu.wait_indirect_dma semaphore(%arg12 : memref<!tpu.dma_semaphore, #tpu.memory_space<semaphore_mem>>) src(%dma_wait3A_155 : memref<10000x128xf32, #tpu.memory_space<hbm>>) dst(%arg10 : memref<128x128xf32, #tpu.memory_space<vmem>>)
      %mul3A_156 = arith.constant 2 : i32
      %mul3A_157 = arith.muli %mul3A_156, %scan3A_129 : i32
      %add3A_158 = arith.constant 1 : i32
      %add3A_159 = arith.addi %mul3A_157, %add3A_158 : i32
      %dma_start3A_160 = arith.constant 0 : i32
      %dma_start3A_161 = tpu.memref_slice %arg8[%add3A_159, %dma_start3A_160] : memref<40x128xi32, #tpu.memory_space<vmem>> -> memref<1x128xi32, #tpu.memory_space<vmem>>
      %dma_start3A_162 = tpu.memref_squeeze %dma_start3A_161 : memref<1x128xi32, #tpu.memory_space<vmem>> -> memref<128xi32, #tpu.memory_space<vmem>>
      %dma_start3A_163 = arith.constant 0 : i32
      %dma_start3A_164 = arith.constant 0 : i32
      %dma_start3A_165 = tpu.memref_slice %arg15[%dma_start3A_163, %dma_start3A_164] : memref<10112x128xf32, #tpu.memory_space<vmem_shared>> -> memref<10112x128xf32, #tpu.memory_space<vmem_shared>>
      tpu.enqueue_indirect_dma source(%arg10 : memref<128x128xf32, #tpu.memory_space<vmem>>) target(%dma_start3A_165 : memref<10112x128xf32, #tpu.memory_space<vmem_shared>>) offsets(%dma_start3A_162 : memref<128xi32, #tpu.memory_space<vmem>>) semaphore(%arg14 : memref<!tpu.dma_semaphore, #tpu.memory_space<semaphore_mem>>) {add = true}
      %mul3A_166 = arith.constant 2 : i32
      %mul3A_167 = arith.muli %mul3A_166, %scan3A_129 : i32
      %dma_wait3A_168 = arith.constant 0 : i32
      %dma_wait3A_169 = tpu.memref_slice %arg7[%mul3A_167, %dma_wait3A_168] : memref<40x128xi32, #tpu.memory_space<vmem>> -> memref<1x128xi32, #tpu.memory_space<vmem>>
      %dma_wait3A_170 = tpu.memref_squeeze %dma_wait3A_169 : memref<1x128xi32, #tpu.memory_space<vmem>> -> memref<128xi32, #tpu.memory_space<vmem>>
      %dma_wait3A_171 = arith.constant 0 : i32
      %dma_wait3A_172 = arith.constant 0 : i32
      %dma_wait3A_173 = tpu.memref_slice %arg2[%dma_wait3A_171, %dma_wait3A_172] : memref<10000x128xf32, #tpu.memory_space<hbm>> -> memref<10000x128xf32, #tpu.memory_space<hbm>>
      tpu.wait_indirect_dma semaphore(%arg13 : memref<!tpu.dma_semaphore, #tpu.memory_space<semaphore_mem>>) src(%dma_wait3A_173 : memref<10000x128xf32, #tpu.memory_space<hbm>>) dst(%arg9 : memref<128x128xf32, #tpu.memory_space<vmem>>)
      %mul3A_174 = arith.constant 2 : i32
      %mul3A_175 = arith.muli %mul3A_174, %scan3A_129 : i32
      %add3A_176 = arith.constant 2 : i32
      %add3A_177 = arith.addi %mul3A_175, %add3A_176 : i32
      %dma_start3A_178 = arith.constant 0 : i32
      %dma_start3A_179 = tpu.memref_slice %arg7[%add3A_177, %dma_start3A_178] : memref<40x128xi32, #tpu.memory_space<vmem>> -> memref<1x128xi32, #tpu.memory_space<vmem>>
      %dma_start3A_180 = tpu.memref_squeeze %dma_start3A_179 : memref<1x128xi32, #tpu.memory_space<vmem>> -> memref<128xi32, #tpu.memory_space<vmem>>
      %dma_start3A_181 = arith.constant 0 : i32
      %dma_start3A_182 = arith.constant 0 : i32
      %dma_start3A_183 = tpu.memref_slice %arg2[%dma_start3A_181, %dma_start3A_182] : memref<10000x128xf32, #tpu.memory_space<hbm>> -> memref<10000x128xf32, #tpu.memory_space<hbm>>
      tpu.enqueue_indirect_dma source(%dma_start3A_183 : memref<10000x128xf32, #tpu.memory_space<hbm>>) target(%arg9 : memref<128x128xf32, #tpu.memory_space<vmem>>) offsets(%dma_start3A_180 : memref<128xi32, #tpu.memory_space<vmem>>) semaphore(%arg11 : memref<!tpu.dma_semaphore, #tpu.memory_space<semaphore_mem>>)
      %mul3A_184 = arith.constant 2 : i32
      %mul3A_185 = arith.muli %mul3A_184, %scan3A_129 : i32
      %add3A_186 = arith.constant 1 : i32
      %add3A_187 = arith.addi %mul3A_185, %add3A_186 : i32
      %dma_wait3A_188 = arith.constant 0 : i32
      %dma_wait3A_189 = tpu.memref_slice %arg7[%add3A_187, %dma_wait3A_188] : memref<40x128xi32, #tpu.memory_space<vmem>> -> memref<1x128xi32, #tpu.memory_space<vmem>>
      %dma_wait3A_190 = tpu.memref_squeeze %dma_wait3A_189 : memref<1x128xi32, #tpu.memory_space<vmem>> -> memref<128xi32, #tpu.memory_space<vmem>>
      %dma_wait3A_191 = arith.constant 0 : i32
      %dma_wait3A_192 = arith.constant 0 : i32
      %dma_wait3A_193 = tpu.memref_slice %arg2[%dma_wait3A_191, %dma_wait3A_192] : memref<10000x128xf32, #tpu.memory_space<hbm>> -> memref<10000x128xf32, #tpu.memory_space<hbm>>
      tpu.wait_indirect_dma semaphore(%arg14 : memref<!tpu.dma_semaphore, #tpu.memory_space<semaphore_mem>>) src(%dma_wait3A_193 : memref<10000x128xf32, #tpu.memory_space<hbm>>) dst(%arg10 : memref<128x128xf32, #tpu.memory_space<vmem>>)
      %mul3A_194 = arith.constant 2 : i32
      %mul3A_195 = arith.muli %mul3A_194, %scan3A_129 : i32
      %add3A_196 = arith.constant 3 : i32
      %add3A_197 = arith.addi %mul3A_195, %add3A_196 : i32
      %dma_start3A_198 = arith.constant 0 : i32
      %dma_start3A_199 = tpu.memref_slice %arg7[%add3A_197, %dma_start3A_198] : memref<40x128xi32, #tpu.memory_space<vmem>> -> memref<1x128xi32, #tpu.memory_space<vmem>>
      %dma_start3A_200 = tpu.memref_squeeze %dma_start3A_199 : memref<1x128xi32, #tpu.memory_space<vmem>> -> memref<128xi32, #tpu.memory_space<vmem>>
      %dma_start3A_201 = arith.constant 0 : i32
      %dma_start3A_202 = arith.constant 0 : i32
      %dma_start3A_203 = tpu.memref_slice %arg2[%dma_start3A_201, %dma_start3A_202] : memref<10000x128xf32, #tpu.memory_space<hbm>> -> memref<10000x128xf32, #tpu.memory_space<hbm>>
      tpu.enqueue_indirect_dma source(%dma_start3A_203 : memref<10000x128xf32, #tpu.memory_space<hbm>>) target(%arg10 : memref<128x128xf32, #tpu.memory_space<vmem>>) offsets(%dma_start3A_200 : memref<128xi32, #tpu.memory_space<vmem>>) semaphore(%arg12 : memref<!tpu.dma_semaphore, #tpu.memory_space<semaphore_mem>>)
    }
    %scan3A_81 = arith.constant 19 : i32
    %dma_wait3A_82 = arith.constant 38 : i32
    %dma_wait3A_83 = arith.constant 0 : i32
    %dma_wait3A_84 = tpu.memref_slice %arg7[%dma_wait3A_82, %dma_wait3A_83] : memref<40x128xi32, #tpu.memory_space<vmem>> -> memref<1x128xi32, #tpu.memory_space<vmem>>
    %dma_wait3A_85 = tpu.memref_squeeze %dma_wait3A_84 : memref<1x128xi32, #tpu.memory_space<vmem>> -> memref<128xi32, #tpu.memory_space<vmem>>
    %dma_wait3A_86 = arith.constant 0 : i32
    %dma_wait3A_87 = arith.constant 0 : i32
    %dma_wait3A_88 = tpu.memref_slice %arg2[%dma_wait3A_86, %dma_wait3A_87] : memref<10000x128xf32, #tpu.memory_space<hbm>> -> memref<10000x128xf32, #tpu.memory_space<hbm>>
    tpu.wait_indirect_dma semaphore(%arg11 : memref<!tpu.dma_semaphore, #tpu.memory_space<semaphore_mem>>) src(%dma_wait3A_88 : memref<10000x128xf32, #tpu.memory_space<hbm>>) dst(%arg9 : memref<128x128xf32, #tpu.memory_space<vmem>>)
    %dma_start3A_89 = arith.constant 38 : i32
    %dma_start3A_90 = arith.constant 0 : i32
    %dma_start3A_91 = tpu.memref_slice %arg8[%dma_start3A_89, %dma_start3A_90] : memref<40x128xi32, #tpu.memory_space<vmem>> -> memref<1x128xi32, #tpu.memory_space<vmem>>
    %dma_start3A_92 = tpu.memref_squeeze %dma_start3A_91 : memref<1x128xi32, #tpu.memory_space<vmem>> -> memref<128xi32, #tpu.memory_space<vmem>>
    %dma_start3A_93 = arith.constant 0 : i32
    %dma_start3A_94 = arith.constant 0 : i32
    %dma_start3A_95 = tpu.memref_slice %arg15[%dma_start3A_93, %dma_start3A_94] : memref<10112x128xf32, #tpu.memory_space<vmem_shared>> -> memref<10112x128xf32, #tpu.memory_space<vmem_shared>>
    tpu.enqueue_indirect_dma source(%arg9 : memref<128x128xf32, #tpu.memory_space<vmem>>) target(%dma_start3A_95 : memref<10112x128xf32, #tpu.memory_space<vmem_shared>>) offsets(%dma_start3A_92 : memref<128xi32, #tpu.memory_space<vmem>>) semaphore(%arg13 : memref<!tpu.dma_semaphore, #tpu.memory_space<semaphore_mem>>) {add = true}
    %dma_wait3A_96 = arith.constant 39 : i32
    %dma_wait3A_97 = arith.constant 0 : i32
    %dma_wait3A_98 = tpu.memref_slice %arg7[%dma_wait3A_96, %dma_wait3A_97] : memref<40x128xi32, #tpu.memory_space<vmem>> -> memref<1x128xi32, #tpu.memory_space<vmem>>
    %dma_wait3A_99 = tpu.memref_squeeze %dma_wait3A_98 : memref<1x128xi32, #tpu.memory_space<vmem>> -> memref<128xi32, #tpu.memory_space<vmem>>
    %dma_wait3A_100 = arith.constant 0 : i32
    %dma_wait3A_101 = arith.constant 0 : i32
    %dma_wait3A_102 = tpu.memref_slice %arg2[%dma_wait3A_100, %dma_wait3A_101] : memref<10000x128xf32, #tpu.memory_space<hbm>> -> memref<10000x128xf32, #tpu.memory_space<hbm>>
    tpu.wait_indirect_dma semaphore(%arg12 : memref<!tpu.dma_semaphore, #tpu.memory_space<semaphore_mem>>) src(%dma_wait3A_102 : memref<10000x128xf32, #tpu.memory_space<hbm>>) dst(%arg10 : memref<128x128xf32, #tpu.memory_space<vmem>>)
    %dma_start3A_103 = arith.constant 39 : i32
    %dma_start3A_104 = arith.constant 0 : i32
    %dma_start3A_105 = tpu.memref_slice %arg8[%dma_start3A_103, %dma_start3A_104] : memref<40x128xi32, #tpu.memory_space<vmem>> -> memref<1x128xi32, #tpu.memory_space<vmem>>
    %dma_start3A_106 = tpu.memref_squeeze %dma_start3A_105 : memref<1x128xi32, #tpu.memory_space<vmem>> -> memref<128xi32, #tpu.memory_space<vmem>>
    %dma_start3A_107 = arith.constant 0 : i32
    %dma_start3A_108 = arith.constant 0 : i32
    %dma_start3A_109 = tpu.memref_slice %arg15[%dma_start3A_107, %dma_start3A_108] : memref<10112x128xf32, #tpu.memory_space<vmem_shared>> -> memref<10112x128xf32, #tpu.memory_space<vmem_shared>>
    tpu.enqueue_indirect_dma source(%arg10 : memref<128x128xf32, #tpu.memory_space<vmem>>) target(%dma_start3A_109 : memref<10112x128xf32, #tpu.memory_space<vmem_shared>>) offsets(%dma_start3A_106 : memref<128xi32, #tpu.memory_space<vmem>>) semaphore(%arg14 : memref<!tpu.dma_semaphore, #tpu.memory_space<semaphore_mem>>) {add = true}
    %dma_wait3A_110 = arith.constant 38 : i32
    %dma_wait3A_111 = arith.constant 0 : i32
    %dma_wait3A_112 = tpu.memref_slice %arg7[%dma_wait3A_110, %dma_wait3A_111] : memref<40x128xi32, #tpu.memory_space<vmem>> -> memref<1x128xi32, #tpu.memory_space<vmem>>
    %dma_wait3A_113 = tpu.memref_squeeze %dma_wait3A_112 : memref<1x128xi32, #tpu.memory_space<vmem>> -> memref<128xi32, #tpu.memory_space<vmem>>
    %dma_wait3A_114 = arith.constant 0 : i32
    %dma_wait3A_115 = arith.constant 0 : i32
    %dma_wait3A_116 = tpu.memref_slice %arg2[%dma_wait3A_114, %dma_wait3A_115] : memref<10000x128xf32, #tpu.memory_space<hbm>> -> memref<10000x128xf32, #tpu.memory_space<hbm>>
    tpu.wait_indirect_dma semaphore(%arg13 : memref<!tpu.dma_semaphore, #tpu.memory_space<semaphore_mem>>) src(%dma_wait3A_116 : memref<10000x128xf32, #tpu.memory_space<hbm>>) dst(%arg9 : memref<128x128xf32, #tpu.memory_space<vmem>>)
    %dma_wait3A_117 = arith.constant 39 : i32
    %dma_wait3A_118 = arith.constant 0 : i32
    %dma_wait3A_119 = tpu.memref_slice %arg7[%dma_wait3A_117, %dma_wait3A_118] : memref<40x128xi32, #tpu.memory_space<vmem>> -> memref<1x128xi32, #tpu.memory_space<vmem>>
    %dma_wait3A_120 = tpu.memref_squeeze %dma_wait3A_119 : memref<1x128xi32, #tpu.memory_space<vmem>> -> memref<128xi32, #tpu.memory_space<vmem>>
    %dma_wait3A_121 = arith.constant 0 : i32
    %dma_wait3A_122 = arith.constant 0 : i32
    %dma_wait3A_123 = tpu.memref_slice %arg2[%dma_wait3A_121, %dma_wait3A_122] : memref<10000x128xf32, #tpu.memory_space<hbm>> -> memref<10000x128xf32, #tpu.memory_space<hbm>>
    tpu.wait_indirect_dma semaphore(%arg14 : memref<!tpu.dma_semaphore, #tpu.memory_space<semaphore_mem>>) src(%dma_wait3A_123 : memref<10000x128xf32, #tpu.memory_space<hbm>>) dst(%arg10 : memref<128x128xf32, #tpu.memory_space<vmem>>)
    %barrier3A_124 = arith.constant 0 : index
    tpu.barrier barrier_id(%barrier3A_124)
    %mul3A_125 = arith.constant 632 : i32
    %mul3A_126 = arith.muli %arg1, %mul3A_125 : i32
    %mul3A_127 = arith.constant 632 : i32
    %mul3A_128 = arith.muli %arg1, %mul3A_127 : i32
    "tpu.region"() ({
      %run_scoped3A = tpu.sem_alloc : memref<!tpu.dma_semaphore, #tpu.memory_space<semaphore_mem>>
      %dma_start3A_129 = arith.constant 0 : i32
      %dma_start3A_130 = arith.constant 0 : i32
      %dma_start3A_131 = tpu.memref_slice %arg6[%arg0, %dma_start3A_129, %dma_start3A_130] : memref<2x10112x128xf32, #tpu.memory_space<hbm>> -> memref<1x10112x128xf32, #tpu.memory_space<hbm>>
      %dma_start3A_132 = tpu.memref_squeeze %dma_start3A_131 : memref<1x10112x128xf32, #tpu.memory_space<hbm>> -> memref<10112x128xf32, #tpu.memory_space<hbm>>
      %dma_start3A_133 = arith.constant 0 : i32
      %dma_start3A_134 = tpu.memref_slice %dma_start3A_132[%mul3A_128, %dma_start3A_133] : memref<10112x128xf32, #tpu.memory_space<hbm>> -> memref<632x128xf32, #tpu.memory_space<hbm>>
      %dma_start3A_135 = arith.constant 0 : i32
      %dma_start3A_136 = tpu.memref_slice %arg15[%mul3A_126, %dma_start3A_135] : memref<10112x128xf32, #tpu.memory_space<vmem_shared>> -> memref<632x128xf32, #tpu.memory_space<vmem_shared>>
      tpu.enqueue_dma source(%dma_start3A_136 : memref<632x128xf32, #tpu.memory_space<vmem_shared>>) target(%dma_start3A_134 : memref<632x128xf32, #tpu.memory_space<hbm>>) target_semaphore(%run_scoped3A : memref<!tpu.dma_semaphore, #tpu.memory_space<semaphore_mem>>)
      %dma_wait3A_137 = arith.constant 0 : i32
      %dma_wait3A_138 = arith.constant 0 : i32
      %dma_wait3A_139 = tpu.memref_slice %arg6[%arg0, %dma_wait3A_137, %dma_wait3A_138] : memref<2x10112x128xf32, #tpu.memory_space<hbm>> -> memref<1x10112x128xf32, #tpu.memory_space<hbm>>
      %dma_wait3A_140 = tpu.memref_squeeze %dma_wait3A_139 : memref<1x10112x128xf32, #tpu.memory_space<hbm>> -> memref<10112x128xf32, #tpu.memory_space<hbm>>
      %dma_wait3A_141 = arith.constant 0 : i32
      %dma_wait3A_142 = tpu.memref_slice %dma_wait3A_140[%mul3A_128, %dma_wait3A_141] : memref<10112x128xf32, #tpu.memory_space<hbm>> -> memref<632x128xf32, #tpu.memory_space<hbm>>
      %dma_wait3A_143 = arith.constant 0 : i32
      %dma_wait3A_144 = tpu.memref_slice %arg15[%mul3A_126, %dma_wait3A_143] : memref<10112x128xf32, #tpu.memory_space<vmem_shared>> -> memref<632x128xf32, #tpu.memory_space<vmem_shared>>
      tpu.wait_dma2 semaphore(%run_scoped3A : memref<!tpu.dma_semaphore, #tpu.memory_space<semaphore_mem>>) src(%dma_wait3A_144 : memref<632x128xf32, #tpu.memory_space<vmem_shared>>) dst(%dma_wait3A_142 : memref<632x128xf32, #tpu.memory_space<hbm>>)
      tpu.yield
    }) : () -> ()
    return
  }
}

#map = affine_map<(d0, d1) -> (0, 0)>
#map1 = affine_map<(d0, d1) -> (0, 0, 0)>
module attributes {stable_mosaic.version = 14 : i64} {
  func.func @_agg_body(%arg0: i32, %arg1: i32, %arg2: memref<10000x128xf32, #tpu.memory_space<hbm>>, %arg3: memref<32x80x128xi32, #tpu.memory_space<hbm>>, %arg4: memref<32x80x128xi32, #tpu.memory_space<hbm>>, %arg5: memref<632x128xf32, #tpu.memory_space<hbm>>, %arg6: memref<2x10112x128xf32, #tpu.memory_space<hbm>>, %arg7: memref<40x128xi32, #tpu.memory_space<vmem>>, %arg8: memref<40x128xi32, #tpu.memory_space<vmem>>, %arg9: memref<128x128xf32, #tpu.memory_space<vmem>>, %arg10: memref<128x128xf32, #tpu.memory_space<vmem>>, %arg11: memref<!tpu.dma_semaphore, #tpu.memory_space<semaphore_mem>>, %arg12: memref<!tpu.dma_semaphore, #tpu.memory_space<semaphore_mem>>, %arg13: memref<!tpu.dma_semaphore, #tpu.memory_space<semaphore_mem>>, %arg14: memref<!tpu.dma_semaphore, #tpu.memory_space<semaphore_mem>>, %arg15: memref<10112x128xf32, #tpu.memory_space<vmem_shared>>) attributes {dimension_semantics = [#tpu.dimension_semantics<core_parallel>, #tpu.dimension_semantics<subcore_parallel>], iteration_bounds = array<i64: 2, 16>, scalar_prefetch = 0 : i64, scratch_operands = 9 : i64, tpu.core_type = #tpu.core_type<sc_vector_subcore>, window_params = [{transform_indices = #map}, {transform_indices = #map1}, {transform_indices = #map1}, {transform_indices = #map}, {transform_indices = #map1}]} {
    %mul3A = arith.constant 16 : i32
    %mul3A_0 = arith.muli %arg0, %mul3A : i32
    %add3A = arith.addi %mul3A_0, %arg1 : i32
    %mul3A_1 = arith.constant 632 : i32
    %mul3A_2 = arith.muli %arg1, %mul3A_1 : i32
    "tpu.region"() ({
      %run_scoped3A = tpu.sem_alloc : memref<!tpu.dma_semaphore, #tpu.memory_space<semaphore_mem>>
      %dma_start3A_129 = arith.constant 0 : i32
      %dma_start3A_130 = tpu.memref_slice %arg15[%mul3A_2, %dma_start3A_129] : memref<10112x128xf32, #tpu.memory_space<vmem_shared>> -> memref<632x128xf32, #tpu.memory_space<vmem_shared>>
      tpu.enqueue_dma source(%arg5 : memref<632x128xf32, #tpu.memory_space<hbm>>) target(%dma_start3A_130 : memref<632x128xf32, #tpu.memory_space<vmem_shared>>) target_semaphore(%run_scoped3A : memref<!tpu.dma_semaphore, #tpu.memory_space<semaphore_mem>>)
      %dma_wait3A_131 = arith.constant 0 : i32
      %dma_wait3A_132 = tpu.memref_slice %arg15[%mul3A_2, %dma_wait3A_131] : memref<10112x128xf32, #tpu.memory_space<vmem_shared>> -> memref<632x128xf32, #tpu.memory_space<vmem_shared>>
      tpu.wait_dma2 semaphore(%run_scoped3A : memref<!tpu.dma_semaphore, #tpu.memory_space<semaphore_mem>>) src(%arg5 : memref<632x128xf32, #tpu.memory_space<hbm>>) dst(%dma_wait3A_132 : memref<632x128xf32, #tpu.memory_space<vmem_shared>>)
      tpu.yield
    }) : () -> ()
    %barrier3A = arith.constant 0 : index
    tpu.barrier barrier_id(%barrier3A)
    "tpu.region"() ({
      %run_scoped3A = tpu.sem_alloc : memref<!tpu.dma_semaphore, #tpu.memory_space<semaphore_mem>>
      %dma_start3A_129 = arith.constant 0 : i32
      %dma_start3A_130 = arith.constant 0 : i32
      %dma_start3A_131 = tpu.memref_slice %arg3[%add3A, %dma_start3A_129, %dma_start3A_130] : memref<32x80x128xi32, #tpu.memory_space<hbm>> -> memref<1x80x128xi32, #tpu.memory_space<hbm>>
      %dma_start3A_132 = tpu.memref_squeeze %dma_start3A_131 : memref<1x80x128xi32, #tpu.memory_space<hbm>> -> memref<80x128xi32, #tpu.memory_space<hbm>>
      %dma_start3A_133 = arith.constant 0 : i32
      %dma_start3A_134 = arith.constant 0 : i32
      %dma_start3A_135 = tpu.memref_slice %dma_start3A_132[%dma_start3A_133, %dma_start3A_134] : memref<80x128xi32, #tpu.memory_space<hbm>> -> memref<40x128xi32, #tpu.memory_space<hbm>>
      %dma_start3A_136 = arith.constant 0 : i32
      %dma_start3A_137 = arith.constant 0 : i32
      %dma_start3A_138 = tpu.memref_slice %arg3[%add3A, %dma_start3A_136, %dma_start3A_137] : memref<32x80x128xi32, #tpu.memory_space<hbm>> -> memref<1x80x128xi32, #tpu.memory_space<hbm>>
      %dma_start3A_139 = tpu.memref_squeeze %dma_start3A_138 : memref<1x80x128xi32, #tpu.memory_space<hbm>> -> memref<80x128xi32, #tpu.memory_space<hbm>>
      %dma_start3A_140 = arith.constant 0 : i32
      %dma_start3A_141 = arith.constant 0 : i32
      %dma_start3A_142 = tpu.memref_slice %dma_start3A_139[%dma_start3A_140, %dma_start3A_141] : memref<80x128xi32, #tpu.memory_space<hbm>> -> memref<40x128xi32, #tpu.memory_space<hbm>>
      tpu.enqueue_dma source(%dma_start3A_142 : memref<40x128xi32, #tpu.memory_space<hbm>>) target(%arg7 : memref<40x128xi32, #tpu.memory_space<vmem>>) target_semaphore(%run_scoped3A : memref<!tpu.dma_semaphore, #tpu.memory_space<semaphore_mem>>)
      %dma_wait3A_143 = arith.constant 0 : i32
      %dma_wait3A_144 = arith.constant 0 : i32
      %dma_wait3A_145 = tpu.memref_slice %arg3[%add3A, %dma_wait3A_143, %dma_wait3A_144] : memref<32x80x128xi32, #tpu.memory_space<hbm>> -> memref<1x80x128xi32, #tpu.memory_space<hbm>>
      %dma_wait3A_146 = tpu.memref_squeeze %dma_wait3A_145 : memref<1x80x128xi32, #tpu.memory_space<hbm>> -> memref<80x128xi32, #tpu.memory_space<hbm>>
      %dma_wait3A_147 = arith.constant 0 : i32
      %dma_wait3A_148 = arith.constant 0 : i32
      %dma_wait3A_149 = tpu.memref_slice %dma_wait3A_146[%dma_wait3A_147, %dma_wait3A_148] : memref<80x128xi32, #tpu.memory_space<hbm>> -> memref<40x128xi32, #tpu.memory_space<hbm>>
      %dma_wait3A_150 = arith.constant 0 : i32
      %dma_wait3A_151 = arith.constant 0 : i32
      %dma_wait3A_152 = tpu.memref_slice %arg3[%add3A, %dma_wait3A_150, %dma_wait3A_151] : memref<32x80x128xi32, #tpu.memory_space<hbm>> -> memref<1x80x128xi32, #tpu.memory_space<hbm>>
      %dma_wait3A_153 = tpu.memref_squeeze %dma_wait3A_152 : memref<1x80x128xi32, #tpu.memory_space<hbm>> -> memref<80x128xi32, #tpu.memory_space<hbm>>
      %dma_wait3A_154 = arith.constant 0 : i32
      %dma_wait3A_155 = arith.constant 0 : i32
      %dma_wait3A_156 = tpu.memref_slice %dma_wait3A_153[%dma_wait3A_154, %dma_wait3A_155] : memref<80x128xi32, #tpu.memory_space<hbm>> -> memref<40x128xi32, #tpu.memory_space<hbm>>
      tpu.wait_dma2 semaphore(%run_scoped3A : memref<!tpu.dma_semaphore, #tpu.memory_space<semaphore_mem>>) src(%dma_wait3A_156 : memref<40x128xi32, #tpu.memory_space<hbm>>) dst(%arg7 : memref<40x128xi32, #tpu.memory_space<vmem>>)
      tpu.yield
    }) : () -> ()
    "tpu.region"() ({
      %run_scoped3A = tpu.sem_alloc : memref<!tpu.dma_semaphore, #tpu.memory_space<semaphore_mem>>
      %dma_start3A_129 = arith.constant 0 : i32
      %dma_start3A_130 = arith.constant 0 : i32
      %dma_start3A_131 = tpu.memref_slice %arg4[%add3A, %dma_start3A_129, %dma_start3A_130] : memref<32x80x128xi32, #tpu.memory_space<hbm>> -> memref<1x80x128xi32, #tpu.memory_space<hbm>>
      %dma_start3A_132 = tpu.memref_squeeze %dma_start3A_131 : memref<1x80x128xi32, #tpu.memory_space<hbm>> -> memref<80x128xi32, #tpu.memory_space<hbm>>
      %dma_start3A_133 = arith.constant 0 : i32
      %dma_start3A_134 = arith.constant 0 : i32
      %dma_start3A_135 = tpu.memref_slice %dma_start3A_132[%dma_start3A_133, %dma_start3A_134] : memref<80x128xi32, #tpu.memory_space<hbm>> -> memref<40x128xi32, #tpu.memory_space<hbm>>
      %dma_start3A_136 = arith.constant 0 : i32
      %dma_start3A_137 = arith.constant 0 : i32
      %dma_start3A_138 = tpu.memref_slice %arg4[%add3A, %dma_start3A_136, %dma_start3A_137] : memref<32x80x128xi32, #tpu.memory_space<hbm>> -> memref<1x80x128xi32, #tpu.memory_space<hbm>>
      %dma_start3A_139 = tpu.memref_squeeze %dma_start3A_138 : memref<1x80x128xi32, #tpu.memory_space<hbm>> -> memref<80x128xi32, #tpu.memory_space<hbm>>
      %dma_start3A_140 = arith.constant 0 : i32
      %dma_start3A_141 = arith.constant 0 : i32
      %dma_start3A_142 = tpu.memref_slice %dma_start3A_139[%dma_start3A_140, %dma_start3A_141] : memref<80x128xi32, #tpu.memory_space<hbm>> -> memref<40x128xi32, #tpu.memory_space<hbm>>
      tpu.enqueue_dma source(%dma_start3A_142 : memref<40x128xi32, #tpu.memory_space<hbm>>) target(%arg8 : memref<40x128xi32, #tpu.memory_space<vmem>>) target_semaphore(%run_scoped3A : memref<!tpu.dma_semaphore, #tpu.memory_space<semaphore_mem>>)
      %dma_wait3A_143 = arith.constant 0 : i32
      %dma_wait3A_144 = arith.constant 0 : i32
      %dma_wait3A_145 = tpu.memref_slice %arg4[%add3A, %dma_wait3A_143, %dma_wait3A_144] : memref<32x80x128xi32, #tpu.memory_space<hbm>> -> memref<1x80x128xi32, #tpu.memory_space<hbm>>
      %dma_wait3A_146 = tpu.memref_squeeze %dma_wait3A_145 : memref<1x80x128xi32, #tpu.memory_space<hbm>> -> memref<80x128xi32, #tpu.memory_space<hbm>>
      %dma_wait3A_147 = arith.constant 0 : i32
      %dma_wait3A_148 = arith.constant 0 : i32
      %dma_wait3A_149 = tpu.memref_slice %dma_wait3A_146[%dma_wait3A_147, %dma_wait3A_148] : memref<80x128xi32, #tpu.memory_space<hbm>> -> memref<40x128xi32, #tpu.memory_space<hbm>>
      %dma_wait3A_150 = arith.constant 0 : i32
      %dma_wait3A_151 = arith.constant 0 : i32
      %dma_wait3A_152 = tpu.memref_slice %arg4[%add3A, %dma_wait3A_150, %dma_wait3A_151] : memref<32x80x128xi32, #tpu.memory_space<hbm>> -> memref<1x80x128xi32, #tpu.memory_space<hbm>>
      %dma_wait3A_153 = tpu.memref_squeeze %dma_wait3A_152 : memref<1x80x128xi32, #tpu.memory_space<hbm>> -> memref<80x128xi32, #tpu.memory_space<hbm>>
      %dma_wait3A_154 = arith.constant 0 : i32
      %dma_wait3A_155 = arith.constant 0 : i32
      %dma_wait3A_156 = tpu.memref_slice %dma_wait3A_153[%dma_wait3A_154, %dma_wait3A_155] : memref<80x128xi32, #tpu.memory_space<hbm>> -> memref<40x128xi32, #tpu.memory_space<hbm>>
      tpu.wait_dma2 semaphore(%run_scoped3A : memref<!tpu.dma_semaphore, #tpu.memory_space<semaphore_mem>>) src(%dma_wait3A_156 : memref<40x128xi32, #tpu.memory_space<hbm>>) dst(%arg8 : memref<40x128xi32, #tpu.memory_space<vmem>>)
      tpu.yield
    }) : () -> ()
    %dma_start3A = arith.constant 0 : i32
    %dma_start3A_3 = arith.constant 0 : i32
    %dma_start3A_4 = tpu.memref_slice %arg7[%dma_start3A, %dma_start3A_3] : memref<40x128xi32, #tpu.memory_space<vmem>> -> memref<1x128xi32, #tpu.memory_space<vmem>>
    %dma_start3A_5 = tpu.memref_squeeze %dma_start3A_4 : memref<1x128xi32, #tpu.memory_space<vmem>> -> memref<128xi32, #tpu.memory_space<vmem>>
    %dma_start3A_6 = arith.constant 0 : i32
    %dma_start3A_7 = arith.constant 0 : i32
    %dma_start3A_8 = tpu.memref_slice %arg2[%dma_start3A_6, %dma_start3A_7] : memref<10000x128xf32, #tpu.memory_space<hbm>> -> memref<10000x128xf32, #tpu.memory_space<hbm>>
    tpu.enqueue_indirect_dma source(%dma_start3A_8 : memref<10000x128xf32, #tpu.memory_space<hbm>>) target(%arg9 : memref<128x128xf32, #tpu.memory_space<vmem>>) offsets(%dma_start3A_5 : memref<128xi32, #tpu.memory_space<vmem>>) semaphore(%arg11 : memref<!tpu.dma_semaphore, #tpu.memory_space<semaphore_mem>>)
    %dma_start3A_9 = arith.constant 1 : i32
    %dma_start3A_10 = arith.constant 0 : i32
    %dma_start3A_11 = tpu.memref_slice %arg7[%dma_start3A_9, %dma_start3A_10] : memref<40x128xi32, #tpu.memory_space<vmem>> -> memref<1x128xi32, #tpu.memory_space<vmem>>
    %dma_start3A_12 = tpu.memref_squeeze %dma_start3A_11 : memref<1x128xi32, #tpu.memory_space<vmem>> -> memref<128xi32, #tpu.memory_space<vmem>>
    %dma_start3A_13 = arith.constant 0 : i32
    %dma_start3A_14 = arith.constant 0 : i32
    %dma_start3A_15 = tpu.memref_slice %arg2[%dma_start3A_13, %dma_start3A_14] : memref<10000x128xf32, #tpu.memory_space<hbm>> -> memref<10000x128xf32, #tpu.memory_space<hbm>>
    tpu.enqueue_indirect_dma source(%dma_start3A_15 : memref<10000x128xf32, #tpu.memory_space<hbm>>) target(%arg10 : memref<128x128xf32, #tpu.memory_space<vmem>>) offsets(%dma_start3A_12 : memref<128xi32, #tpu.memory_space<vmem>>) semaphore(%arg12 : memref<!tpu.dma_semaphore, #tpu.memory_space<semaphore_mem>>)
    %scan3A = arith.constant 0 : i32
    %scan3A_16 = arith.constant 0 : i32
    %scan3A_17 = arith.constant 19 : i32
    %scan3A_18 = arith.addi %scan3A_16, %scan3A_17 : i32
    %scan3A_19 = arith.constant 1 : i32
    scf.for %scan3A_129 = %scan3A_16 to %scan3A_18 step %scan3A_19  : i32 {
      %mul3A_130 = arith.constant 2 : i32
      %mul3A_131 = arith.muli %mul3A_130, %scan3A_129 : i32
      %dma_wait3A_132 = arith.constant 0 : i32
      %dma_wait3A_133 = tpu.memref_slice %arg7[%mul3A_131, %dma_wait3A_132] : memref<40x128xi32, #tpu.memory_space<vmem>> -> memref<1x128xi32, #tpu.memory_space<vmem>>
      %dma_wait3A_134 = tpu.memref_squeeze %dma_wait3A_133 : memref<1x128xi32, #tpu.memory_space<vmem>> -> memref<128xi32, #tpu.memory_space<vmem>>
      %dma_wait3A_135 = arith.constant 0 : i32
      %dma_wait3A_136 = arith.constant 0 : i32
      %dma_wait3A_137 = tpu.memref_slice %arg2[%dma_wait3A_135, %dma_wait3A_136] : memref<10000x128xf32, #tpu.memory_space<hbm>> -> memref<10000x128xf32, #tpu.memory_space<hbm>>
      tpu.wait_indirect_dma semaphore(%arg11 : memref<!tpu.dma_semaphore, #tpu.memory_space<semaphore_mem>>) src(%dma_wait3A_137 : memref<10000x128xf32, #tpu.memory_space<hbm>>) dst(%arg9 : memref<128x128xf32, #tpu.memory_space<vmem>>)
      %mul3A_138 = arith.constant 2 : i32
      %mul3A_139 = arith.muli %mul3A_138, %scan3A_129 : i32
      %dma_start3A_140 = arith.constant 0 : i32
      %dma_start3A_141 = tpu.memref_slice %arg8[%mul3A_139, %dma_start3A_140] : memref<40x128xi32, #tpu.memory_space<vmem>> -> memref<1x128xi32, #tpu.memory_space<vmem>>
      %dma_start3A_142 = tpu.memref_squeeze %dma_start3A_141 : memref<1x128xi32, #tpu.memory_space<vmem>> -> memref<128xi32, #tpu.memory_space<vmem>>
      %dma_start3A_143 = arith.constant 0 : i32
      %dma_start3A_144 = arith.constant 0 : i32
      %dma_start3A_145 = tpu.memref_slice %arg15[%dma_start3A_143, %dma_start3A_144] : memref<10112x128xf32, #tpu.memory_space<vmem_shared>> -> memref<10112x128xf32, #tpu.memory_space<vmem_shared>>
      tpu.enqueue_indirect_dma source(%arg9 : memref<128x128xf32, #tpu.memory_space<vmem>>) target(%dma_start3A_145 : memref<10112x128xf32, #tpu.memory_space<vmem_shared>>) offsets(%dma_start3A_142 : memref<128xi32, #tpu.memory_space<vmem>>) semaphore(%arg13 : memref<!tpu.dma_semaphore, #tpu.memory_space<semaphore_mem>>) {add = true}
      %mul3A_146 = arith.constant 2 : i32
      %mul3A_147 = arith.muli %mul3A_146, %scan3A_129 : i32
      %add3A_148 = arith.constant 1 : i32
      %add3A_149 = arith.addi %mul3A_147, %add3A_148 : i32
      %dma_wait3A_150 = arith.constant 0 : i32
      %dma_wait3A_151 = tpu.memref_slice %arg7[%add3A_149, %dma_wait3A_150] : memref<40x128xi32, #tpu.memory_space<vmem>> -> memref<1x128xi32, #tpu.memory_space<vmem>>
      %dma_wait3A_152 = tpu.memref_squeeze %dma_wait3A_151 : memref<1x128xi32, #tpu.memory_space<vmem>> -> memref<128xi32, #tpu.memory_space<vmem>>
      %dma_wait3A_153 = arith.constant 0 : i32
      %dma_wait3A_154 = arith.constant 0 : i32
      %dma_wait3A_155 = tpu.memref_slice %arg2[%dma_wait3A_153, %dma_wait3A_154] : memref<10000x128xf32, #tpu.memory_space<hbm>> -> memref<10000x128xf32, #tpu.memory_space<hbm>>
      tpu.wait_indirect_dma semaphore(%arg12 : memref<!tpu.dma_semaphore, #tpu.memory_space<semaphore_mem>>) src(%dma_wait3A_155 : memref<10000x128xf32, #tpu.memory_space<hbm>>) dst(%arg10 : memref<128x128xf32, #tpu.memory_space<vmem>>)
      %mul3A_156 = arith.constant 2 : i32
      %mul3A_157 = arith.muli %mul3A_156, %scan3A_129 : i32
      %add3A_158 = arith.constant 1 : i32
      %add3A_159 = arith.addi %mul3A_157, %add3A_158 : i32
      %dma_start3A_160 = arith.constant 0 : i32
      %dma_start3A_161 = tpu.memref_slice %arg8[%add3A_159, %dma_start3A_160] : memref<40x128xi32, #tpu.memory_space<vmem>> -> memref<1x128xi32, #tpu.memory_space<vmem>>
      %dma_start3A_162 = tpu.memref_squeeze %dma_start3A_161 : memref<1x128xi32, #tpu.memory_space<vmem>> -> memref<128xi32, #tpu.memory_space<vmem>>
      %dma_start3A_163 = arith.constant 0 : i32
      %dma_start3A_164 = arith.constant 0 : i32
      %dma_start3A_165 = tpu.memref_slice %arg15[%dma_start3A_163, %dma_start3A_164] : memref<10112x128xf32, #tpu.memory_space<vmem_shared>> -> memref<10112x128xf32, #tpu.memory_space<vmem_shared>>
      tpu.enqueue_indirect_dma source(%arg10 : memref<128x128xf32, #tpu.memory_space<vmem>>) target(%dma_start3A_165 : memref<10112x128xf32, #tpu.memory_space<vmem_shared>>) offsets(%dma_start3A_162 : memref<128xi32, #tpu.memory_space<vmem>>) semaphore(%arg14 : memref<!tpu.dma_semaphore, #tpu.memory_space<semaphore_mem>>) {add = true}
      %mul3A_166 = arith.constant 2 : i32
      %mul3A_167 = arith.muli %mul3A_166, %scan3A_129 : i32
      %dma_wait3A_168 = arith.constant 0 : i32
      %dma_wait3A_169 = tpu.memref_slice %arg7[%mul3A_167, %dma_wait3A_168] : memref<40x128xi32, #tpu.memory_space<vmem>> -> memref<1x128xi32, #tpu.memory_space<vmem>>
      %dma_wait3A_170 = tpu.memref_squeeze %dma_wait3A_169 : memref<1x128xi32, #tpu.memory_space<vmem>> -> memref<128xi32, #tpu.memory_space<vmem>>
      %dma_wait3A_171 = arith.constant 0 : i32
      %dma_wait3A_172 = arith.constant 0 : i32
      %dma_wait3A_173 = tpu.memref_slice %arg2[%dma_wait3A_171, %dma_wait3A_172] : memref<10000x128xf32, #tpu.memory_space<hbm>> -> memref<10000x128xf32, #tpu.memory_space<hbm>>
      tpu.wait_indirect_dma semaphore(%arg13 : memref<!tpu.dma_semaphore, #tpu.memory_space<semaphore_mem>>) src(%dma_wait3A_173 : memref<10000x128xf32, #tpu.memory_space<hbm>>) dst(%arg9 : memref<128x128xf32, #tpu.memory_space<vmem>>)
      %mul3A_174 = arith.constant 2 : i32
      %mul3A_175 = arith.muli %mul3A_174, %scan3A_129 : i32
      %add3A_176 = arith.constant 2 : i32
      %add3A_177 = arith.addi %mul3A_175, %add3A_176 : i32
      %dma_start3A_178 = arith.constant 0 : i32
      %dma_start3A_179 = tpu.memref_slice %arg7[%add3A_177, %dma_start3A_178] : memref<40x128xi32, #tpu.memory_space<vmem>> -> memref<1x128xi32, #tpu.memory_space<vmem>>
      %dma_start3A_180 = tpu.memref_squeeze %dma_start3A_179 : memref<1x128xi32, #tpu.memory_space<vmem>> -> memref<128xi32, #tpu.memory_space<vmem>>
      %dma_start3A_181 = arith.constant 0 : i32
      %dma_start3A_182 = arith.constant 0 : i32
      %dma_start3A_183 = tpu.memref_slice %arg2[%dma_start3A_181, %dma_start3A_182] : memref<10000x128xf32, #tpu.memory_space<hbm>> -> memref<10000x128xf32, #tpu.memory_space<hbm>>
      tpu.enqueue_indirect_dma source(%dma_start3A_183 : memref<10000x128xf32, #tpu.memory_space<hbm>>) target(%arg9 : memref<128x128xf32, #tpu.memory_space<vmem>>) offsets(%dma_start3A_180 : memref<128xi32, #tpu.memory_space<vmem>>) semaphore(%arg11 : memref<!tpu.dma_semaphore, #tpu.memory_space<semaphore_mem>>)
      %mul3A_184 = arith.constant 2 : i32
      %mul3A_185 = arith.muli %mul3A_184, %scan3A_129 : i32
      %add3A_186 = arith.constant 1 : i32
      %add3A_187 = arith.addi %mul3A_185, %add3A_186 : i32
      %dma_wait3A_188 = arith.constant 0 : i32
      %dma_wait3A_189 = tpu.memref_slice %arg7[%add3A_187, %dma_wait3A_188] : memref<40x128xi32, #tpu.memory_space<vmem>> -> memref<1x128xi32, #tpu.memory_space<vmem>>
      %dma_wait3A_190 = tpu.memref_squeeze %dma_wait3A_189 : memref<1x128xi32, #tpu.memory_space<vmem>> -> memref<128xi32, #tpu.memory_space<vmem>>
      %dma_wait3A_191 = arith.constant 0 : i32
      %dma_wait3A_192 = arith.constant 0 : i32
      %dma_wait3A_193 = tpu.memref_slice %arg2[%dma_wait3A_191, %dma_wait3A_192] : memref<10000x128xf32, #tpu.memory_space<hbm>> -> memref<10000x128xf32, #tpu.memory_space<hbm>>
      tpu.wait_indirect_dma semaphore(%arg14 : memref<!tpu.dma_semaphore, #tpu.memory_space<semaphore_mem>>) src(%dma_wait3A_193 : memref<10000x128xf32, #tpu.memory_space<hbm>>) dst(%arg10 : memref<128x128xf32, #tpu.memory_space<vmem>>)
      %mul3A_194 = arith.constant 2 : i32
      %mul3A_195 = arith.muli %mul3A_194, %scan3A_129 : i32
      %add3A_196 = arith.constant 3 : i32
      %add3A_197 = arith.addi %mul3A_195, %add3A_196 : i32
      %dma_start3A_198 = arith.constant 0 : i32
      %dma_start3A_199 = tpu.memref_slice %arg7[%add3A_197, %dma_start3A_198] : memref<40x128xi32, #tpu.memory_space<vmem>> -> memref<1x128xi32, #tpu.memory_space<vmem>>
      %dma_start3A_200 = tpu.memref_squeeze %dma_start3A_199 : memref<1x128xi32, #tpu.memory_space<vmem>> -> memref<128xi32, #tpu.memory_space<vmem>>
      %dma_start3A_201 = arith.constant 0 : i32
      %dma_start3A_202 = arith.constant 0 : i32
      %dma_start3A_203 = tpu.memref_slice %arg2[%dma_start3A_201, %dma_start3A_202] : memref<10000x128xf32, #tpu.memory_space<hbm>> -> memref<10000x128xf32, #tpu.memory_space<hbm>>
      tpu.enqueue_indirect_dma source(%dma_start3A_203 : memref<10000x128xf32, #tpu.memory_space<hbm>>) target(%arg10 : memref<128x128xf32, #tpu.memory_space<vmem>>) offsets(%dma_start3A_200 : memref<128xi32, #tpu.memory_space<vmem>>) semaphore(%arg12 : memref<!tpu.dma_semaphore, #tpu.memory_space<semaphore_mem>>)
    }
    %scan3A_20 = arith.constant 19 : i32
    %dma_wait3A = arith.constant 38 : i32
    %dma_wait3A_21 = arith.constant 0 : i32
    %dma_wait3A_22 = tpu.memref_slice %arg7[%dma_wait3A, %dma_wait3A_21] : memref<40x128xi32, #tpu.memory_space<vmem>> -> memref<1x128xi32, #tpu.memory_space<vmem>>
    %dma_wait3A_23 = tpu.memref_squeeze %dma_wait3A_22 : memref<1x128xi32, #tpu.memory_space<vmem>> -> memref<128xi32, #tpu.memory_space<vmem>>
    %dma_wait3A_24 = arith.constant 0 : i32
    %dma_wait3A_25 = arith.constant 0 : i32
    %dma_wait3A_26 = tpu.memref_slice %arg2[%dma_wait3A_24, %dma_wait3A_25] : memref<10000x128xf32, #tpu.memory_space<hbm>> -> memref<10000x128xf32, #tpu.memory_space<hbm>>
    tpu.wait_indirect_dma semaphore(%arg11 : memref<!tpu.dma_semaphore, #tpu.memory_space<semaphore_mem>>) src(%dma_wait3A_26 : memref<10000x128xf32, #tpu.memory_space<hbm>>) dst(%arg9 : memref<128x128xf32, #tpu.memory_space<vmem>>)
    %dma_start3A_27 = arith.constant 38 : i32
    %dma_start3A_28 = arith.constant 0 : i32
    %dma_start3A_29 = tpu.memref_slice %arg8[%dma_start3A_27, %dma_start3A_28] : memref<40x128xi32, #tpu.memory_space<vmem>> -> memref<1x128xi32, #tpu.memory_space<vmem>>
    %dma_start3A_30 = tpu.memref_squeeze %dma_start3A_29 : memref<1x128xi32, #tpu.memory_space<vmem>> -> memref<128xi32, #tpu.memory_space<vmem>>
    %dma_start3A_31 = arith.constant 0 : i32
    %dma_start3A_32 = arith.constant 0 : i32
    %dma_start3A_33 = tpu.memref_slice %arg15[%dma_start3A_31, %dma_start3A_32] : memref<10112x128xf32, #tpu.memory_space<vmem_shared>> -> memref<10112x128xf32, #tpu.memory_space<vmem_shared>>
    tpu.enqueue_indirect_dma source(%arg9 : memref<128x128xf32, #tpu.memory_space<vmem>>) target(%dma_start3A_33 : memref<10112x128xf32, #tpu.memory_space<vmem_shared>>) offsets(%dma_start3A_30 : memref<128xi32, #tpu.memory_space<vmem>>) semaphore(%arg13 : memref<!tpu.dma_semaphore, #tpu.memory_space<semaphore_mem>>) {add = true}
    %dma_wait3A_34 = arith.constant 39 : i32
    %dma_wait3A_35 = arith.constant 0 : i32
    %dma_wait3A_36 = tpu.memref_slice %arg7[%dma_wait3A_34, %dma_wait3A_35] : memref<40x128xi32, #tpu.memory_space<vmem>> -> memref<1x128xi32, #tpu.memory_space<vmem>>
    %dma_wait3A_37 = tpu.memref_squeeze %dma_wait3A_36 : memref<1x128xi32, #tpu.memory_space<vmem>> -> memref<128xi32, #tpu.memory_space<vmem>>
    %dma_wait3A_38 = arith.constant 0 : i32
    %dma_wait3A_39 = arith.constant 0 : i32
    %dma_wait3A_40 = tpu.memref_slice %arg2[%dma_wait3A_38, %dma_wait3A_39] : memref<10000x128xf32, #tpu.memory_space<hbm>> -> memref<10000x128xf32, #tpu.memory_space<hbm>>
    tpu.wait_indirect_dma semaphore(%arg12 : memref<!tpu.dma_semaphore, #tpu.memory_space<semaphore_mem>>) src(%dma_wait3A_40 : memref<10000x128xf32, #tpu.memory_space<hbm>>) dst(%arg10 : memref<128x128xf32, #tpu.memory_space<vmem>>)
    %dma_start3A_41 = arith.constant 39 : i32
    %dma_start3A_42 = arith.constant 0 : i32
    %dma_start3A_43 = tpu.memref_slice %arg8[%dma_start3A_41, %dma_start3A_42] : memref<40x128xi32, #tpu.memory_space<vmem>> -> memref<1x128xi32, #tpu.memory_space<vmem>>
    %dma_start3A_44 = tpu.memref_squeeze %dma_start3A_43 : memref<1x128xi32, #tpu.memory_space<vmem>> -> memref<128xi32, #tpu.memory_space<vmem>>
    %dma_start3A_45 = arith.constant 0 : i32
    %dma_start3A_46 = arith.constant 0 : i32
    %dma_start3A_47 = tpu.memref_slice %arg15[%dma_start3A_45, %dma_start3A_46] : memref<10112x128xf32, #tpu.memory_space<vmem_shared>> -> memref<10112x128xf32, #tpu.memory_space<vmem_shared>>
    tpu.enqueue_indirect_dma source(%arg10 : memref<128x128xf32, #tpu.memory_space<vmem>>) target(%dma_start3A_47 : memref<10112x128xf32, #tpu.memory_space<vmem_shared>>) offsets(%dma_start3A_44 : memref<128xi32, #tpu.memory_space<vmem>>) semaphore(%arg14 : memref<!tpu.dma_semaphore, #tpu.memory_space<semaphore_mem>>) {add = true}
    %dma_wait3A_48 = arith.constant 38 : i32
    %dma_wait3A_49 = arith.constant 0 : i32
    %dma_wait3A_50 = tpu.memref_slice %arg7[%dma_wait3A_48, %dma_wait3A_49] : memref<40x128xi32, #tpu.memory_space<vmem>> -> memref<1x128xi32, #tpu.memory_space<vmem>>
    %dma_wait3A_51 = tpu.memref_squeeze %dma_wait3A_50 : memref<1x128xi32, #tpu.memory_space<vmem>> -> memref<128xi32, #tpu.memory_space<vmem>>
    %dma_wait3A_52 = arith.constant 0 : i32
    %dma_wait3A_53 = arith.constant 0 : i32
    %dma_wait3A_54 = tpu.memref_slice %arg2[%dma_wait3A_52, %dma_wait3A_53] : memref<10000x128xf32, #tpu.memory_space<hbm>> -> memref<10000x128xf32, #tpu.memory_space<hbm>>
    tpu.wait_indirect_dma semaphore(%arg13 : memref<!tpu.dma_semaphore, #tpu.memory_space<semaphore_mem>>) src(%dma_wait3A_54 : memref<10000x128xf32, #tpu.memory_space<hbm>>) dst(%arg9 : memref<128x128xf32, #tpu.memory_space<vmem>>)
    %dma_wait3A_55 = arith.constant 39 : i32
    %dma_wait3A_56 = arith.constant 0 : i32
    %dma_wait3A_57 = tpu.memref_slice %arg7[%dma_wait3A_55, %dma_wait3A_56] : memref<40x128xi32, #tpu.memory_space<vmem>> -> memref<1x128xi32, #tpu.memory_space<vmem>>
    %dma_wait3A_58 = tpu.memref_squeeze %dma_wait3A_57 : memref<1x128xi32, #tpu.memory_space<vmem>> -> memref<128xi32, #tpu.memory_space<vmem>>
    %dma_wait3A_59 = arith.constant 0 : i32
    %dma_wait3A_60 = arith.constant 0 : i32
    %dma_wait3A_61 = tpu.memref_slice %arg2[%dma_wait3A_59, %dma_wait3A_60] : memref<10000x128xf32, #tpu.memory_space<hbm>> -> memref<10000x128xf32, #tpu.memory_space<hbm>>
    tpu.wait_indirect_dma semaphore(%arg14 : memref<!tpu.dma_semaphore, #tpu.memory_space<semaphore_mem>>) src(%dma_wait3A_61 : memref<10000x128xf32, #tpu.memory_space<hbm>>) dst(%arg10 : memref<128x128xf32, #tpu.memory_space<vmem>>)
    "tpu.region"() ({
      %run_scoped3A = tpu.sem_alloc : memref<!tpu.dma_semaphore, #tpu.memory_space<semaphore_mem>>
      %dma_start3A_129 = arith.constant 0 : i32
      %dma_start3A_130 = arith.constant 0 : i32
      %dma_start3A_131 = tpu.memref_slice %arg3[%add3A, %dma_start3A_129, %dma_start3A_130] : memref<32x80x128xi32, #tpu.memory_space<hbm>> -> memref<1x80x128xi32, #tpu.memory_space<hbm>>
      %dma_start3A_132 = tpu.memref_squeeze %dma_start3A_131 : memref<1x80x128xi32, #tpu.memory_space<hbm>> -> memref<80x128xi32, #tpu.memory_space<hbm>>
      %dma_start3A_133 = arith.constant 40 : i32
      %dma_start3A_134 = arith.constant 0 : i32
      %dma_start3A_135 = tpu.memref_slice %dma_start3A_132[%dma_start3A_133, %dma_start3A_134] : memref<80x128xi32, #tpu.memory_space<hbm>> -> memref<40x128xi32, #tpu.memory_space<hbm>>
      %dma_start3A_136 = arith.constant 0 : i32
      %dma_start3A_137 = arith.constant 0 : i32
      %dma_start3A_138 = tpu.memref_slice %arg3[%add3A, %dma_start3A_136, %dma_start3A_137] : memref<32x80x128xi32, #tpu.memory_space<hbm>> -> memref<1x80x128xi32, #tpu.memory_space<hbm>>
      %dma_start3A_139 = tpu.memref_squeeze %dma_start3A_138 : memref<1x80x128xi32, #tpu.memory_space<hbm>> -> memref<80x128xi32, #tpu.memory_space<hbm>>
      %dma_start3A_140 = arith.constant 40 : i32
      %dma_start3A_141 = arith.constant 0 : i32
      %dma_start3A_142 = tpu.memref_slice %dma_start3A_139[%dma_start3A_140, %dma_start3A_141] : memref<80x128xi32, #tpu.memory_space<hbm>> -> memref<40x128xi32, #tpu.memory_space<hbm>>
      tpu.enqueue_dma source(%dma_start3A_142 : memref<40x128xi32, #tpu.memory_space<hbm>>) target(%arg7 : memref<40x128xi32, #tpu.memory_space<vmem>>) target_semaphore(%run_scoped3A : memref<!tpu.dma_semaphore, #tpu.memory_space<semaphore_mem>>)
      %dma_wait3A_143 = arith.constant 0 : i32
      %dma_wait3A_144 = arith.constant 0 : i32
      %dma_wait3A_145 = tpu.memref_slice %arg3[%add3A, %dma_wait3A_143, %dma_wait3A_144] : memref<32x80x128xi32, #tpu.memory_space<hbm>> -> memref<1x80x128xi32, #tpu.memory_space<hbm>>
      %dma_wait3A_146 = tpu.memref_squeeze %dma_wait3A_145 : memref<1x80x128xi32, #tpu.memory_space<hbm>> -> memref<80x128xi32, #tpu.memory_space<hbm>>
      %dma_wait3A_147 = arith.constant 40 : i32
      %dma_wait3A_148 = arith.constant 0 : i32
      %dma_wait3A_149 = tpu.memref_slice %dma_wait3A_146[%dma_wait3A_147, %dma_wait3A_148] : memref<80x128xi32, #tpu.memory_space<hbm>> -> memref<40x128xi32, #tpu.memory_space<hbm>>
      %dma_wait3A_150 = arith.constant 0 : i32
      %dma_wait3A_151 = arith.constant 0 : i32
      %dma_wait3A_152 = tpu.memref_slice %arg3[%add3A, %dma_wait3A_150, %dma_wait3A_151] : memref<32x80x128xi32, #tpu.memory_space<hbm>> -> memref<1x80x128xi32, #tpu.memory_space<hbm>>
      %dma_wait3A_153 = tpu.memref_squeeze %dma_wait3A_152 : memref<1x80x128xi32, #tpu.memory_space<hbm>> -> memref<80x128xi32, #tpu.memory_space<hbm>>
      %dma_wait3A_154 = arith.constant 40 : i32
      %dma_wait3A_155 = arith.constant 0 : i32
      %dma_wait3A_156 = tpu.memref_slice %dma_wait3A_153[%dma_wait3A_154, %dma_wait3A_155] : memref<80x128xi32, #tpu.memory_space<hbm>> -> memref<40x128xi32, #tpu.memory_space<hbm>>
      tpu.wait_dma2 semaphore(%run_scoped3A : memref<!tpu.dma_semaphore, #tpu.memory_space<semaphore_mem>>) src(%dma_wait3A_156 : memref<40x128xi32, #tpu.memory_space<hbm>>) dst(%arg7 : memref<40x128xi32, #tpu.memory_space<vmem>>)
      tpu.yield
    }) : () -> ()
    "tpu.region"() ({
      %run_scoped3A = tpu.sem_alloc : memref<!tpu.dma_semaphore, #tpu.memory_space<semaphore_mem>>
      %dma_start3A_129 = arith.constant 0 : i32
      %dma_start3A_130 = arith.constant 0 : i32
      %dma_start3A_131 = tpu.memref_slice %arg4[%add3A, %dma_start3A_129, %dma_start3A_130] : memref<32x80x128xi32, #tpu.memory_space<hbm>> -> memref<1x80x128xi32, #tpu.memory_space<hbm>>
      %dma_start3A_132 = tpu.memref_squeeze %dma_start3A_131 : memref<1x80x128xi32, #tpu.memory_space<hbm>> -> memref<80x128xi32, #tpu.memory_space<hbm>>
      %dma_start3A_133 = arith.constant 40 : i32
      %dma_start3A_134 = arith.constant 0 : i32
      %dma_start3A_135 = tpu.memref_slice %dma_start3A_132[%dma_start3A_133, %dma_start3A_134] : memref<80x128xi32, #tpu.memory_space<hbm>> -> memref<40x128xi32, #tpu.memory_space<hbm>>
      %dma_start3A_136 = arith.constant 0 : i32
      %dma_start3A_137 = arith.constant 0 : i32
      %dma_start3A_138 = tpu.memref_slice %arg4[%add3A, %dma_start3A_136, %dma_start3A_137] : memref<32x80x128xi32, #tpu.memory_space<hbm>> -> memref<1x80x128xi32, #tpu.memory_space<hbm>>
      %dma_start3A_139 = tpu.memref_squeeze %dma_start3A_138 : memref<1x80x128xi32, #tpu.memory_space<hbm>> -> memref<80x128xi32, #tpu.memory_space<hbm>>
      %dma_start3A_140 = arith.constant 40 : i32
      %dma_start3A_141 = arith.constant 0 : i32
      %dma_start3A_142 = tpu.memref_slice %dma_start3A_139[%dma_start3A_140, %dma_start3A_141] : memref<80x128xi32, #tpu.memory_space<hbm>> -> memref<40x128xi32, #tpu.memory_space<hbm>>
      tpu.enqueue_dma source(%dma_start3A_142 : memref<40x128xi32, #tpu.memory_space<hbm>>) target(%arg8 : memref<40x128xi32, #tpu.memory_space<vmem>>) target_semaphore(%run_scoped3A : memref<!tpu.dma_semaphore, #tpu.memory_space<semaphore_mem>>)
      %dma_wait3A_143 = arith.constant 0 : i32
      %dma_wait3A_144 = arith.constant 0 : i32
      %dma_wait3A_145 = tpu.memref_slice %arg4[%add3A, %dma_wait3A_143, %dma_wait3A_144] : memref<32x80x128xi32, #tpu.memory_space<hbm>> -> memref<1x80x128xi32, #tpu.memory_space<hbm>>
      %dma_wait3A_146 = tpu.memref_squeeze %dma_wait3A_145 : memref<1x80x128xi32, #tpu.memory_space<hbm>> -> memref<80x128xi32, #tpu.memory_space<hbm>>
      %dma_wait3A_147 = arith.constant 40 : i32
      %dma_wait3A_148 = arith.constant 0 : i32
      %dma_wait3A_149 = tpu.memref_slice %dma_wait3A_146[%dma_wait3A_147, %dma_wait3A_148] : memref<80x128xi32, #tpu.memory_space<hbm>> -> memref<40x128xi32, #tpu.memory_space<hbm>>
      %dma_wait3A_150 = arith.constant 0 : i32
      %dma_wait3A_151 = arith.constant 0 : i32
      %dma_wait3A_152 = tpu.memref_slice %arg4[%add3A, %dma_wait3A_150, %dma_wait3A_151] : memref<32x80x128xi32, #tpu.memory_space<hbm>> -> memref<1x80x128xi32, #tpu.memory_space<hbm>>
      %dma_wait3A_153 = tpu.memref_squeeze %dma_wait3A_152 : memref<1x80x128xi32, #tpu.memory_space<hbm>> -> memref<80x128xi32, #tpu.memory_space<hbm>>
      %dma_wait3A_154 = arith.constant 40 : i32
      %dma_wait3A_155 = arith.constant 0 : i32
      %dma_wait3A_156 = tpu.memref_slice %dma_wait3A_153[%dma_wait3A_154, %dma_wait3A_155] : memref<80x128xi32, #tpu.memory_space<hbm>> -> memref<40x128xi32, #tpu.memory_space<hbm>>
      tpu.wait_dma2 semaphore(%run_scoped3A : memref<!tpu.dma_semaphore, #tpu.memory_space<semaphore_mem>>) src(%dma_wait3A_156 : memref<40x128xi32, #tpu.memory_space<hbm>>) dst(%arg8 : memref<40x128xi32, #tpu.memory_space<vmem>>)
      tpu.yield
    }) : () -> ()
    %dma_start3A_62 = arith.constant 0 : i32
    %dma_start3A_63 = arith.constant 0 : i32
    %dma_start3A_64 = tpu.memref_slice %arg7[%dma_start3A_62, %dma_start3A_63] : memref<40x128xi32, #tpu.memory_space<vmem>> -> memref<1x128xi32, #tpu.memory_space<vmem>>
    %dma_start3A_65 = tpu.memref_squeeze %dma_start3A_64 : memref<1x128xi32, #tpu.memory_space<vmem>> -> memref<128xi32, #tpu.memory_space<vmem>>
    %dma_start3A_66 = arith.constant 0 : i32
    %dma_start3A_67 = arith.constant 0 : i32
    %dma_start3A_68 = tpu.memref_slice %arg2[%dma_start3A_66, %dma_start3A_67] : memref<10000x128xf32, #tpu.memory_space<hbm>> -> memref<10000x128xf32, #tpu.memory_space<hbm>>
    tpu.enqueue_indirect_dma source(%dma_start3A_68 : memref<10000x128xf32, #tpu.memory_space<hbm>>) target(%arg9 : memref<128x128xf32, #tpu.memory_space<vmem>>) offsets(%dma_start3A_65 : memref<128xi32, #tpu.memory_space<vmem>>) semaphore(%arg11 : memref<!tpu.dma_semaphore, #tpu.memory_space<semaphore_mem>>)
    %dma_start3A_69 = arith.constant 1 : i32
    %dma_start3A_70 = arith.constant 0 : i32
    %dma_start3A_71 = tpu.memref_slice %arg7[%dma_start3A_69, %dma_start3A_70] : memref<40x128xi32, #tpu.memory_space<vmem>> -> memref<1x128xi32, #tpu.memory_space<vmem>>
    %dma_start3A_72 = tpu.memref_squeeze %dma_start3A_71 : memref<1x128xi32, #tpu.memory_space<vmem>> -> memref<128xi32, #tpu.memory_space<vmem>>
    %dma_start3A_73 = arith.constant 0 : i32
    %dma_start3A_74 = arith.constant 0 : i32
    %dma_start3A_75 = tpu.memref_slice %arg2[%dma_start3A_73, %dma_start3A_74] : memref<10000x128xf32, #tpu.memory_space<hbm>> -> memref<10000x128xf32, #tpu.memory_space<hbm>>
    tpu.enqueue_indirect_dma source(%dma_start3A_75 : memref<10000x128xf32, #tpu.memory_space<hbm>>) target(%arg10 : memref<128x128xf32, #tpu.memory_space<vmem>>) offsets(%dma_start3A_72 : memref<128xi32, #tpu.memory_space<vmem>>) semaphore(%arg12 : memref<!tpu.dma_semaphore, #tpu.memory_space<semaphore_mem>>)
    %scan3A_76 = arith.constant 0 : i32
    %scan3A_77 = arith.constant 0 : i32
    %scan3A_78 = arith.constant 19 : i32
    %scan3A_79 = arith.addi %scan3A_77, %scan3A_78 : i32
    %scan3A_80 = arith.constant 1 : i32
    scf.for %scan3A_129 = %scan3A_77 to %scan3A_79 step %scan3A_80  : i32 {
      %mul3A_130 = arith.constant 2 : i32
      %mul3A_131 = arith.muli %mul3A_130, %scan3A_129 : i32
      %dma_wait3A_132 = arith.constant 0 : i32
      %dma_wait3A_133 = tpu.memref_slice %arg7[%mul3A_131, %dma_wait3A_132] : memref<40x128xi32, #tpu.memory_space<vmem>> -> memref<1x128xi32, #tpu.memory_space<vmem>>
      %dma_wait3A_134 = tpu.memref_squeeze %dma_wait3A_133 : memref<1x128xi32, #tpu.memory_space<vmem>> -> memref<128xi32, #tpu.memory_space<vmem>>
      %dma_wait3A_135 = arith.constant 0 : i32
      %dma_wait3A_136 = arith.constant 0 : i32
      %dma_wait3A_137 = tpu.memref_slice %arg2[%dma_wait3A_135, %dma_wait3A_136] : memref<10000x128xf32, #tpu.memory_space<hbm>> -> memref<10000x128xf32, #tpu.memory_space<hbm>>
      tpu.wait_indirect_dma semaphore(%arg11 : memref<!tpu.dma_semaphore, #tpu.memory_space<semaphore_mem>>) src(%dma_wait3A_137 : memref<10000x128xf32, #tpu.memory_space<hbm>>) dst(%arg9 : memref<128x128xf32, #tpu.memory_space<vmem>>)
      %mul3A_138 = arith.constant 2 : i32
      %mul3A_139 = arith.muli %mul3A_138, %scan3A_129 : i32
      %dma_start3A_140 = arith.constant 0 : i32
      %dma_start3A_141 = tpu.memref_slice %arg8[%mul3A_139, %dma_start3A_140] : memref<40x128xi32, #tpu.memory_space<vmem>> -> memref<1x128xi32, #tpu.memory_space<vmem>>
      %dma_start3A_142 = tpu.memref_squeeze %dma_start3A_141 : memref<1x128xi32, #tpu.memory_space<vmem>> -> memref<128xi32, #tpu.memory_space<vmem>>
      %dma_start3A_143 = arith.constant 0 : i32
      %dma_start3A_144 = arith.constant 0 : i32
      %dma_start3A_145 = tpu.memref_slice %arg15[%dma_start3A_143, %dma_start3A_144] : memref<10112x128xf32, #tpu.memory_space<vmem_shared>> -> memref<10112x128xf32, #tpu.memory_space<vmem_shared>>
      tpu.enqueue_indirect_dma source(%arg9 : memref<128x128xf32, #tpu.memory_space<vmem>>) target(%dma_start3A_145 : memref<10112x128xf32, #tpu.memory_space<vmem_shared>>) offsets(%dma_start3A_142 : memref<128xi32, #tpu.memory_space<vmem>>) semaphore(%arg13 : memref<!tpu.dma_semaphore, #tpu.memory_space<semaphore_mem>>) {add = true}
      %mul3A_146 = arith.constant 2 : i32
      %mul3A_147 = arith.muli %mul3A_146, %scan3A_129 : i32
      %add3A_148 = arith.constant 1 : i32
      %add3A_149 = arith.addi %mul3A_147, %add3A_148 : i32
      %dma_wait3A_150 = arith.constant 0 : i32
      %dma_wait3A_151 = tpu.memref_slice %arg7[%add3A_149, %dma_wait3A_150] : memref<40x128xi32, #tpu.memory_space<vmem>> -> memref<1x128xi32, #tpu.memory_space<vmem>>
      %dma_wait3A_152 = tpu.memref_squeeze %dma_wait3A_151 : memref<1x128xi32, #tpu.memory_space<vmem>> -> memref<128xi32, #tpu.memory_space<vmem>>
      %dma_wait3A_153 = arith.constant 0 : i32
      %dma_wait3A_154 = arith.constant 0 : i32
      %dma_wait3A_155 = tpu.memref_slice %arg2[%dma_wait3A_153, %dma_wait3A_154] : memref<10000x128xf32, #tpu.memory_space<hbm>> -> memref<10000x128xf32, #tpu.memory_space<hbm>>
      tpu.wait_indirect_dma semaphore(%arg12 : memref<!tpu.dma_semaphore, #tpu.memory_space<semaphore_mem>>) src(%dma_wait3A_155 : memref<10000x128xf32, #tpu.memory_space<hbm>>) dst(%arg10 : memref<128x128xf32, #tpu.memory_space<vmem>>)
      %mul3A_156 = arith.constant 2 : i32
      %mul3A_157 = arith.muli %mul3A_156, %scan3A_129 : i32
      %add3A_158 = arith.constant 1 : i32
      %add3A_159 = arith.addi %mul3A_157, %add3A_158 : i32
      %dma_start3A_160 = arith.constant 0 : i32
      %dma_start3A_161 = tpu.memref_slice %arg8[%add3A_159, %dma_start3A_160] : memref<40x128xi32, #tpu.memory_space<vmem>> -> memref<1x128xi32, #tpu.memory_space<vmem>>
      %dma_start3A_162 = tpu.memref_squeeze %dma_start3A_161 : memref<1x128xi32, #tpu.memory_space<vmem>> -> memref<128xi32, #tpu.memory_space<vmem>>
      %dma_start3A_163 = arith.constant 0 : i32
      %dma_start3A_164 = arith.constant 0 : i32
      %dma_start3A_165 = tpu.memref_slice %arg15[%dma_start3A_163, %dma_start3A_164] : memref<10112x128xf32, #tpu.memory_space<vmem_shared>> -> memref<10112x128xf32, #tpu.memory_space<vmem_shared>>
      tpu.enqueue_indirect_dma source(%arg10 : memref<128x128xf32, #tpu.memory_space<vmem>>) target(%dma_start3A_165 : memref<10112x128xf32, #tpu.memory_space<vmem_shared>>) offsets(%dma_start3A_162 : memref<128xi32, #tpu.memory_space<vmem>>) semaphore(%arg14 : memref<!tpu.dma_semaphore, #tpu.memory_space<semaphore_mem>>) {add = true}
      %mul3A_166 = arith.constant 2 : i32
      %mul3A_167 = arith.muli %mul3A_166, %scan3A_129 : i32
      %dma_wait3A_168 = arith.constant 0 : i32
      %dma_wait3A_169 = tpu.memref_slice %arg7[%mul3A_167, %dma_wait3A_168] : memref<40x128xi32, #tpu.memory_space<vmem>> -> memref<1x128xi32, #tpu.memory_space<vmem>>
      %dma_wait3A_170 = tpu.memref_squeeze %dma_wait3A_169 : memref<1x128xi32, #tpu.memory_space<vmem>> -> memref<128xi32, #tpu.memory_space<vmem>>
      %dma_wait3A_171 = arith.constant 0 : i32
      %dma_wait3A_172 = arith.constant 0 : i32
      %dma_wait3A_173 = tpu.memref_slice %arg2[%dma_wait3A_171, %dma_wait3A_172] : memref<10000x128xf32, #tpu.memory_space<hbm>> -> memref<10000x128xf32, #tpu.memory_space<hbm>>
      tpu.wait_indirect_dma semaphore(%arg13 : memref<!tpu.dma_semaphore, #tpu.memory_space<semaphore_mem>>) src(%dma_wait3A_173 : memref<10000x128xf32, #tpu.memory_space<hbm>>) dst(%arg9 : memref<128x128xf32, #tpu.memory_space<vmem>>)
      %mul3A_174 = arith.constant 2 : i32
      %mul3A_175 = arith.muli %mul3A_174, %scan3A_129 : i32
      %add3A_176 = arith.constant 2 : i32
      %add3A_177 = arith.addi %mul3A_175, %add3A_176 : i32
      %dma_start3A_178 = arith.constant 0 : i32
      %dma_start3A_179 = tpu.memref_slice %arg7[%add3A_177, %dma_start3A_178] : memref<40x128xi32, #tpu.memory_space<vmem>> -> memref<1x128xi32, #tpu.memory_space<vmem>>
      %dma_start3A_180 = tpu.memref_squeeze %dma_start3A_179 : memref<1x128xi32, #tpu.memory_space<vmem>> -> memref<128xi32, #tpu.memory_space<vmem>>
      %dma_start3A_181 = arith.constant 0 : i32
      %dma_start3A_182 = arith.constant 0 : i32
      %dma_start3A_183 = tpu.memref_slice %arg2[%dma_start3A_181, %dma_start3A_182] : memref<10000x128xf32, #tpu.memory_space<hbm>> -> memref<10000x128xf32, #tpu.memory_space<hbm>>
      tpu.enqueue_indirect_dma source(%dma_start3A_183 : memref<10000x128xf32, #tpu.memory_space<hbm>>) target(%arg9 : memref<128x128xf32, #tpu.memory_space<vmem>>) offsets(%dma_start3A_180 : memref<128xi32, #tpu.memory_space<vmem>>) semaphore(%arg11 : memref<!tpu.dma_semaphore, #tpu.memory_space<semaphore_mem>>)
      %mul3A_184 = arith.constant 2 : i32
      %mul3A_185 = arith.muli %mul3A_184, %scan3A_129 : i32
      %add3A_186 = arith.constant 1 : i32
      %add3A_187 = arith.addi %mul3A_185, %add3A_186 : i32
      %dma_wait3A_188 = arith.constant 0 : i32
      %dma_wait3A_189 = tpu.memref_slice %arg7[%add3A_187, %dma_wait3A_188] : memref<40x128xi32, #tpu.memory_space<vmem>> -> memref<1x128xi32, #tpu.memory_space<vmem>>
      %dma_wait3A_190 = tpu.memref_squeeze %dma_wait3A_189 : memref<1x128xi32, #tpu.memory_space<vmem>> -> memref<128xi32, #tpu.memory_space<vmem>>
      %dma_wait3A_191 = arith.constant 0 : i32
      %dma_wait3A_192 = arith.constant 0 : i32
      %dma_wait3A_193 = tpu.memref_slice %arg2[%dma_wait3A_191, %dma_wait3A_192] : memref<10000x128xf32, #tpu.memory_space<hbm>> -> memref<10000x128xf32, #tpu.memory_space<hbm>>
      tpu.wait_indirect_dma semaphore(%arg14 : memref<!tpu.dma_semaphore, #tpu.memory_space<semaphore_mem>>) src(%dma_wait3A_193 : memref<10000x128xf32, #tpu.memory_space<hbm>>) dst(%arg10 : memref<128x128xf32, #tpu.memory_space<vmem>>)
      %mul3A_194 = arith.constant 2 : i32
      %mul3A_195 = arith.muli %mul3A_194, %scan3A_129 : i32
      %add3A_196 = arith.constant 3 : i32
      %add3A_197 = arith.addi %mul3A_195, %add3A_196 : i32
      %dma_start3A_198 = arith.constant 0 : i32
      %dma_start3A_199 = tpu.memref_slice %arg7[%add3A_197, %dma_start3A_198] : memref<40x128xi32, #tpu.memory_space<vmem>> -> memref<1x128xi32, #tpu.memory_space<vmem>>
      %dma_start3A_200 = tpu.memref_squeeze %dma_start3A_199 : memref<1x128xi32, #tpu.memory_space<vmem>> -> memref<128xi32, #tpu.memory_space<vmem>>
      %dma_start3A_201 = arith.constant 0 : i32
      %dma_start3A_202 = arith.constant 0 : i32
      %dma_start3A_203 = tpu.memref_slice %arg2[%dma_start3A_201, %dma_start3A_202] : memref<10000x128xf32, #tpu.memory_space<hbm>> -> memref<10000x128xf32, #tpu.memory_space<hbm>>
      tpu.enqueue_indirect_dma source(%dma_start3A_203 : memref<10000x128xf32, #tpu.memory_space<hbm>>) target(%arg10 : memref<128x128xf32, #tpu.memory_space<vmem>>) offsets(%dma_start3A_200 : memref<128xi32, #tpu.memory_space<vmem>>) semaphore(%arg12 : memref<!tpu.dma_semaphore, #tpu.memory_space<semaphore_mem>>)
    }
    %scan3A_81 = arith.constant 19 : i32
    %dma_wait3A_82 = arith.constant 38 : i32
    %dma_wait3A_83 = arith.constant 0 : i32
    %dma_wait3A_84 = tpu.memref_slice %arg7[%dma_wait3A_82, %dma_wait3A_83] : memref<40x128xi32, #tpu.memory_space<vmem>> -> memref<1x128xi32, #tpu.memory_space<vmem>>
    %dma_wait3A_85 = tpu.memref_squeeze %dma_wait3A_84 : memref<1x128xi32, #tpu.memory_space<vmem>> -> memref<128xi32, #tpu.memory_space<vmem>>
    %dma_wait3A_86 = arith.constant 0 : i32
    %dma_wait3A_87 = arith.constant 0 : i32
    %dma_wait3A_88 = tpu.memref_slice %arg2[%dma_wait3A_86, %dma_wait3A_87] : memref<10000x128xf32, #tpu.memory_space<hbm>> -> memref<10000x128xf32, #tpu.memory_space<hbm>>
    tpu.wait_indirect_dma semaphore(%arg11 : memref<!tpu.dma_semaphore, #tpu.memory_space<semaphore_mem>>) src(%dma_wait3A_88 : memref<10000x128xf32, #tpu.memory_space<hbm>>) dst(%arg9 : memref<128x128xf32, #tpu.memory_space<vmem>>)
    %dma_start3A_89 = arith.constant 38 : i32
    %dma_start3A_90 = arith.constant 0 : i32
    %dma_start3A_91 = tpu.memref_slice %arg8[%dma_start3A_89, %dma_start3A_90] : memref<40x128xi32, #tpu.memory_space<vmem>> -> memref<1x128xi32, #tpu.memory_space<vmem>>
    %dma_start3A_92 = tpu.memref_squeeze %dma_start3A_91 : memref<1x128xi32, #tpu.memory_space<vmem>> -> memref<128xi32, #tpu.memory_space<vmem>>
    %dma_start3A_93 = arith.constant 0 : i32
    %dma_start3A_94 = arith.constant 0 : i32
    %dma_start3A_95 = tpu.memref_slice %arg15[%dma_start3A_93, %dma_start3A_94] : memref<10112x128xf32, #tpu.memory_space<vmem_shared>> -> memref<10112x128xf32, #tpu.memory_space<vmem_shared>>
    tpu.enqueue_indirect_dma source(%arg9 : memref<128x128xf32, #tpu.memory_space<vmem>>) target(%dma_start3A_95 : memref<10112x128xf32, #tpu.memory_space<vmem_shared>>) offsets(%dma_start3A_92 : memref<128xi32, #tpu.memory_space<vmem>>) semaphore(%arg13 : memref<!tpu.dma_semaphore, #tpu.memory_space<semaphore_mem>>) {add = true}
    %dma_wait3A_96 = arith.constant 39 : i32
    %dma_wait3A_97 = arith.constant 0 : i32
    %dma_wait3A_98 = tpu.memref_slice %arg7[%dma_wait3A_96, %dma_wait3A_97] : memref<40x128xi32, #tpu.memory_space<vmem>> -> memref<1x128xi32, #tpu.memory_space<vmem>>
    %dma_wait3A_99 = tpu.memref_squeeze %dma_wait3A_98 : memref<1x128xi32, #tpu.memory_space<vmem>> -> memref<128xi32, #tpu.memory_space<vmem>>
    %dma_wait3A_100 = arith.constant 0 : i32
    %dma_wait3A_101 = arith.constant 0 : i32
    %dma_wait3A_102 = tpu.memref_slice %arg2[%dma_wait3A_100, %dma_wait3A_101] : memref<10000x128xf32, #tpu.memory_space<hbm>> -> memref<10000x128xf32, #tpu.memory_space<hbm>>
    tpu.wait_indirect_dma semaphore(%arg12 : memref<!tpu.dma_semaphore, #tpu.memory_space<semaphore_mem>>) src(%dma_wait3A_102 : memref<10000x128xf32, #tpu.memory_space<hbm>>) dst(%arg10 : memref<128x128xf32, #tpu.memory_space<vmem>>)
    %dma_start3A_103 = arith.constant 39 : i32
    %dma_start3A_104 = arith.constant 0 : i32
    %dma_start3A_105 = tpu.memref_slice %arg8[%dma_start3A_103, %dma_start3A_104] : memref<40x128xi32, #tpu.memory_space<vmem>> -> memref<1x128xi32, #tpu.memory_space<vmem>>
    %dma_start3A_106 = tpu.memref_squeeze %dma_start3A_105 : memref<1x128xi32, #tpu.memory_space<vmem>> -> memref<128xi32, #tpu.memory_space<vmem>>
    %dma_start3A_107 = arith.constant 0 : i32
    %dma_start3A_108 = arith.constant 0 : i32
    %dma_start3A_109 = tpu.memref_slice %arg15[%dma_start3A_107, %dma_start3A_108] : memref<10112x128xf32, #tpu.memory_space<vmem_shared>> -> memref<10112x128xf32, #tpu.memory_space<vmem_shared>>
    tpu.enqueue_indirect_dma source(%arg10 : memref<128x128xf32, #tpu.memory_space<vmem>>) target(%dma_start3A_109 : memref<10112x128xf32, #tpu.memory_space<vmem_shared>>) offsets(%dma_start3A_106 : memref<128xi32, #tpu.memory_space<vmem>>) semaphore(%arg14 : memref<!tpu.dma_semaphore, #tpu.memory_space<semaphore_mem>>) {add = true}
    %dma_wait3A_110 = arith.constant 38 : i32
    %dma_wait3A_111 = arith.constant 0 : i32
    %dma_wait3A_112 = tpu.memref_slice %arg7[%dma_wait3A_110, %dma_wait3A_111] : memref<40x128xi32, #tpu.memory_space<vmem>> -> memref<1x128xi32, #tpu.memory_space<vmem>>
    %dma_wait3A_113 = tpu.memref_squeeze %dma_wait3A_112 : memref<1x128xi32, #tpu.memory_space<vmem>> -> memref<128xi32, #tpu.memory_space<vmem>>
    %dma_wait3A_114 = arith.constant 0 : i32
    %dma_wait3A_115 = arith.constant 0 : i32
    %dma_wait3A_116 = tpu.memref_slice %arg2[%dma_wait3A_114, %dma_wait3A_115] : memref<10000x128xf32, #tpu.memory_space<hbm>> -> memref<10000x128xf32, #tpu.memory_space<hbm>>
    tpu.wait_indirect_dma semaphore(%arg13 : memref<!tpu.dma_semaphore, #tpu.memory_space<semaphore_mem>>) src(%dma_wait3A_116 : memref<10000x128xf32, #tpu.memory_space<hbm>>) dst(%arg9 : memref<128x128xf32, #tpu.memory_space<vmem>>)
    %dma_wait3A_117 = arith.constant 39 : i32
    %dma_wait3A_118 = arith.constant 0 : i32
    %dma_wait3A_119 = tpu.memref_slice %arg7[%dma_wait3A_117, %dma_wait3A_118] : memref<40x128xi32, #tpu.memory_space<vmem>> -> memref<1x128xi32, #tpu.memory_space<vmem>>
    %dma_wait3A_120 = tpu.memref_squeeze %dma_wait3A_119 : memref<1x128xi32, #tpu.memory_space<vmem>> -> memref<128xi32, #tpu.memory_space<vmem>>
    %dma_wait3A_121 = arith.constant 0 : i32
    %dma_wait3A_122 = arith.constant 0 : i32
    %dma_wait3A_123 = tpu.memref_slice %arg2[%dma_wait3A_121, %dma_wait3A_122] : memref<10000x128xf32, #tpu.memory_space<hbm>> -> memref<10000x128xf32, #tpu.memory_space<hbm>>
    tpu.wait_indirect_dma semaphore(%arg14 : memref<!tpu.dma_semaphore, #tpu.memory_space<semaphore_mem>>) src(%dma_wait3A_123 : memref<10000x128xf32, #tpu.memory_space<hbm>>) dst(%arg10 : memref<128x128xf32, #tpu.memory_space<vmem>>)
    %barrier3A_124 = arith.constant 0 : index
    tpu.barrier barrier_id(%barrier3A_124)
    %mul3A_125 = arith.constant 632 : i32
    %mul3A_126 = arith.muli %arg1, %mul3A_125 : i32
    %mul3A_127 = arith.constant 632 : i32
    %mul3A_128 = arith.muli %arg1, %mul3A_127 : i32
    "tpu.region"() ({
      %run_scoped3A = tpu.sem_alloc : memref<!tpu.dma_semaphore, #tpu.memory_space<semaphore_mem>>
      %dma_start3A_129 = arith.constant 0 : i32
      %dma_start3A_130 = arith.constant 0 : i32
      %dma_start3A_131 = tpu.memref_slice %arg6[%arg0, %dma_start3A_129, %dma_start3A_130] : memref<2x10112x128xf32, #tpu.memory_space<hbm>> -> memref<1x10112x128xf32, #tpu.memory_space<hbm>>
      %dma_start3A_132 = tpu.memref_squeeze %dma_start3A_131 : memref<1x10112x128xf32, #tpu.memory_space<hbm>> -> memref<10112x128xf32, #tpu.memory_space<hbm>>
      %dma_start3A_133 = arith.constant 0 : i32
      %dma_start3A_134 = tpu.memref_slice %dma_start3A_132[%mul3A_128, %dma_start3A_133] : memref<10112x128xf32, #tpu.memory_space<hbm>> -> memref<632x128xf32, #tpu.memory_space<hbm>>
      %dma_start3A_135 = arith.constant 0 : i32
      %dma_start3A_136 = tpu.memref_slice %arg15[%mul3A_126, %dma_start3A_135] : memref<10112x128xf32, #tpu.memory_space<vmem_shared>> -> memref<632x128xf32, #tpu.memory_space<vmem_shared>>
      tpu.enqueue_dma source(%dma_start3A_136 : memref<632x128xf32, #tpu.memory_space<vmem_shared>>) target(%dma_start3A_134 : memref<632x128xf32, #tpu.memory_space<hbm>>) target_semaphore(%run_scoped3A : memref<!tpu.dma_semaphore, #tpu.memory_space<semaphore_mem>>)
      %dma_wait3A_137 = arith.constant 0 : i32
      %dma_wait3A_138 = arith.constant 0 : i32
      %dma_wait3A_139 = tpu.memref_slice %arg6[%arg0, %dma_wait3A_137, %dma_wait3A_138] : memref<2x10112x128xf32, #tpu.memory_space<hbm>> -> memref<1x10112x128xf32, #tpu.memory_space<hbm>>
      %dma_wait3A_140 = tpu.memref_squeeze %dma_wait3A_139 : memref<1x10112x128xf32, #tpu.memory_space<hbm>> -> memref<10112x128xf32, #tpu.memory_space<hbm>>
      %dma_wait3A_141 = arith.constant 0 : i32
      %dma_wait3A_142 = tpu.memref_slice %dma_wait3A_140[%mul3A_128, %dma_wait3A_141] : memref<10112x128xf32, #tpu.memory_space<hbm>> -> memref<632x128xf32, #tpu.memory_space<hbm>>
      %dma_wait3A_143 = arith.constant 0 : i32
      %dma_wait3A_144 = tpu.memref_slice %arg15[%mul3A_126, %dma_wait3A_143] : memref<10112x128xf32, #tpu.memory_space<vmem_shared>> -> memref<632x128xf32, #tpu.memory_space<vmem_shared>>
      tpu.wait_dma2 semaphore(%run_scoped3A : memref<!tpu.dma_semaphore, #tpu.memory_space<semaphore_mem>>) src(%dma_wait3A_144 : memref<632x128xf32, #tpu.memory_space<vmem_shared>>) dst(%dma_wait3A_142 : memref<632x128xf32, #tpu.memory_space<hbm>>)
      tpu.yield
    }) : () -> ()
    return
  }
}

module attributes {stable_mosaic.version = 14 : i64} {
  func.func @_tc0_body(%arg0: i32, %arg1: memref<2000x128xf32, #tpu.memory_space<vmem>>, %arg2: memref<128x128xf32, #tpu.memory_space<vmem>>, %arg3: memref<2x2000x128xf32, #tpu.memory_space<vmem>>, %arg4: memref<2000x128xf32, #tpu.memory_space<vmem>>, %arg5: memref<2000x128xf32, #tpu.memory_space<vmem>>) attributes {dimension_semantics = [#tpu.dimension_semantics<arbitrary>], iteration_bounds = array<i64: 5>, scalar_prefetch = 0 : i64, scratch_operands = 0 : i64, tpu.core_type = #tpu.core_type<tc>, window_params = [{transform_indices = @transform_0, window_bounds = array<i64: 2000, 128>}, {pipeline_mode = #tpu.pipeline_mode<synchronous>, transform_indices = @transform_1, window_bounds = array<i64: 128, 128>}, {transform_indices = @transform_2, window_bounds = array<i64: 2, 2000, 128>}, {transform_indices = @transform_3, window_bounds = array<i64: 2000, 128>}, {transform_indices = @transform_4, window_bounds = array<i64: 2000, 128>}]} {
    %get3A = arith.constant 0 : index
    %get3A_0 = arith.constant 0 : index
    %get3A_1 = arith.constant 0 : index
    %get3A_2 = vector.load %arg3[%get3A, %get3A_0, %get3A_1] : memref<2x2000x128xf32, #tpu.memory_space<vmem>>, vector<1x2000x1xf32>
    %get3A_3 = vector.shape_cast %get3A_2 : vector<1x2000x1xf32> to vector<2000x1xf32>
    %add3A = arith.constant 1.000000e+00 : f32
    %add3A_4 = vector.broadcast %add3A : f32 to vector<2000x1xf32>
    %add3A_5 = arith.addf %add3A_4, %get3A_3 : vector<2000x1xf32>
    %get3A_6 = arith.constant 1 : index
    %get3A_7 = arith.constant 0 : index
    %get3A_8 = arith.constant 0 : index
    %get3A_9 = vector.load %arg3[%get3A_6, %get3A_7, %get3A_8] : memref<2x2000x128xf32, #tpu.memory_space<vmem>>, vector<1x2000x1xf32>
    %get3A_10 = vector.shape_cast %get3A_9 : vector<1x2000x1xf32> to vector<2000x1xf32>
    %add3A_11 = arith.addf %add3A_5, %get3A_10 : vector<2000x1xf32>
    %rsqrt3A = math.rsqrt %add3A_11 : vector<2000x1xf32>
    %broadcast_in_dim3A = vector.shape_cast %rsqrt3A : vector<2000x1xf32> to vector<2000x1xf32>
    %broadcast_in_dim3A_12 = vector.broadcast %broadcast_in_dim3A : vector<2000x1xf32> to vector<2000x128xf32>
    %get3A_13 = arith.constant 0 : index
    %get3A_14 = arith.constant 0 : index
    %get3A_15 = vector.load %arg1[%get3A_13, %get3A_14] : memref<2000x128xf32, #tpu.memory_space<vmem>>, vector<2000x128xf32>
    %get3A_16 = arith.constant 0 : index
    %get3A_17 = arith.constant 0 : index
    %get3A_18 = vector.load %arg2[%get3A_16, %get3A_17] : memref<128x128xf32, #tpu.memory_space<vmem>>, vector<128x128xf32>
    %dot_general3A = arith.constant dense<0.000000e+00> : vector<2000x128xf32>
    %dot_general3A_19 = tpu.matmul %get3A_15, %get3A_18, %dot_general3A {dimension_numbers = #tpu.dot_dimension_numbers<[1], [0], [0], [1], [0, 0, 1, 1], [], []>, transpose_lhs_hint = false} : vector<2000x128xf32>, vector<128x128xf32>, vector<2000x128xf32> -> vector<2000x128xf32>
    %mul3A = arith.mulf %dot_general3A_19, %broadcast_in_dim3A_12 : vector<2000x128xf32>
    %swap3A = arith.constant 0 : index
    %swap3A_20 = arith.constant 0 : index
    %swap3A_21 = vector.load %arg4[%swap3A, %swap3A_20] : memref<2000x128xf32, #tpu.memory_space<vmem>>, vector<2000x128xf32>
    tpu.vector_store %arg4[%swap3A, %swap3A_20], %mul3A {strides = array<i32>} : memref<2000x128xf32, #tpu.memory_space<vmem>>, vector<2000x128xf32>,
    %swap3A_22 = arith.constant 0 : index
    %swap3A_23 = arith.constant 0 : index
    %swap3A_24 = vector.load %arg5[%swap3A_22, %swap3A_23] : memref<2000x128xf32, #tpu.memory_space<vmem>>, vector<2000x128xf32>
    tpu.vector_store %arg5[%swap3A_22, %swap3A_23], %broadcast_in_dim3A_12 {strides = array<i32>} : memref<2000x128xf32, #tpu.memory_space<vmem>>, vector<2000x128xf32>,
    return
  }
  func.func @transform_0(%arg0: i32) -> (i32, i32) {
    %c0_i32 = arith.constant 0 : i32
    %c0_i32_0 = arith.constant 0 : i32
    return %arg0, %c0_i32 : i32, i32
  }
  func.func @transform_1(%arg0: i32) -> (i32, i32) {
    %c0_i32 = arith.constant 0 : i32
    %c0_i32_0 = arith.constant 0 : i32
    %c0_i32_1 = arith.constant 0 : i32
    return %c0_i32, %c0_i32_0 : i32, i32
  }
  func.func @transform_2(%arg0: i32) -> (i32, i32, i32) {
    %c0_i32 = arith.constant 0 : i32
    %c0_i32_0 = arith.constant 0 : i32
    %c0_i32_1 = arith.constant 0 : i32
    return %c0_i32, %arg0, %c0_i32_0 : i32, i32, i32
  }
  func.func @transform_3(%arg0: i32) -> (i32, i32) {
    %c0_i32 = arith.constant 0 : i32
    %c0_i32_0 = arith.constant 0 : i32
    return %arg0, %c0_i32 : i32, i32
  }
  func.func @transform_4(%arg0: i32) -> (i32, i32) {
    %c0_i32 = arith.constant 0 : i32
    %c0_i32_0 = arith.constant 0 : i32
    return %arg0, %c0_i32 : i32, i32
  }
}

module attributes {stable_mosaic.version = 14 : i64} {
  func.func @_tcmid_body(%arg0: i32, %arg1: memref<2x2000x128xf32, #tpu.memory_space<vmem>>, %arg2: memref<2000x128xf32, #tpu.memory_space<vmem>>, %arg3: memref<2000x128xf32, #tpu.memory_space<vmem>>, %arg4: memref<1x128xf32, #tpu.memory_space<vmem>>, %arg5: memref<128x128xf32, #tpu.memory_space<vmem>>, %arg6: memref<2000x128xf32, #tpu.memory_space<vmem>>) attributes {dimension_semantics = [#tpu.dimension_semantics<arbitrary>], iteration_bounds = array<i64: 5>, scalar_prefetch = 0 : i64, scratch_operands = 0 : i64, tpu.core_type = #tpu.core_type<tc>, window_params = [{transform_indices = @transform_0, window_bounds = array<i64: 2, 2000, 128>}, {transform_indices = @transform_1, window_bounds = array<i64: 2000, 128>}, {transform_indices = @transform_2, window_bounds = array<i64: 2000, 128>}, {pipeline_mode = #tpu.pipeline_mode<synchronous>, transform_indices = @transform_3, window_bounds = array<i64: 1, 128>}, {pipeline_mode = #tpu.pipeline_mode<synchronous>, transform_indices = @transform_4, window_bounds = array<i64: 128, 128>}, {transform_indices = @transform_5, window_bounds = array<i64: 2000, 128>}]} {
    %get3A = arith.constant 0 : index
    %get3A_0 = arith.constant 0 : index
    %get3A_1 = vector.load %arg3[%get3A, %get3A_0] : memref<2000x128xf32, #tpu.memory_space<vmem>>, vector<2000x128xf32>
    %get3A_2 = arith.constant 0 : index
    %get3A_3 = arith.constant 0 : index
    %get3A_4 = arith.constant 0 : index
    %get3A_5 = vector.load %arg1[%get3A_2, %get3A_3, %get3A_4] : memref<2x2000x128xf32, #tpu.memory_space<vmem>>, vector<1x2000x128xf32>
    %get3A_6 = vector.shape_cast %get3A_5 : vector<1x2000x128xf32> to vector<2000x128xf32>
    %get3A_7 = arith.constant 1 : index
    %get3A_8 = arith.constant 0 : index
    %get3A_9 = arith.constant 0 : index
    %get3A_10 = vector.load %arg1[%get3A_7, %get3A_8, %get3A_9] : memref<2x2000x128xf32, #tpu.memory_space<vmem>>, vector<1x2000x128xf32>
    %get3A_11 = vector.shape_cast %get3A_10 : vector<1x2000x128xf32> to vector<2000x128xf32>
    %add3A = arith.addf %get3A_6, %get3A_11 : vector<2000x128xf32>
    %get3A_12 = arith.constant 0 : index
    %get3A_13 = arith.constant 0 : index
    %get3A_14 = vector.load %arg2[%get3A_12, %get3A_13] : memref<2000x128xf32, #tpu.memory_space<vmem>>, vector<2000x128xf32>
    %add3A_15 = arith.addf %add3A, %get3A_14 : vector<2000x128xf32>
    %mul3A = arith.mulf %get3A_1, %add3A_15 : vector<2000x128xf32>
    %get3A_16 = arith.constant 0 : index
    %get3A_17 = arith.constant 0 : index
    %get3A_18 = vector.load %arg4[%get3A_16, %get3A_17] : memref<1x128xf32, #tpu.memory_space<vmem>>, vector<1x128xf32>
    %add3A_19 = vector.broadcast %get3A_18 : vector<1x128xf32> to vector<2000x128xf32>
    %add3A_20 = arith.addf %mul3A, %add3A_19 : vector<2000x128xf32>
    %max3A = arith.constant 0.000000e+00 : f32
    %max3A_21 = vector.broadcast %max3A : f32 to vector<2000x128xf32>
    %max3A_22 = arith.maximumf %add3A_20, %max3A_21 : vector<2000x128xf32>
    %get3A_23 = arith.constant 0 : index
    %get3A_24 = arith.constant 0 : index
    %get3A_25 = vector.load %arg5[%get3A_23, %get3A_24] : memref<128x128xf32, #tpu.memory_space<vmem>>, vector<128x128xf32>
    %dot_general3A = arith.constant dense<0.000000e+00> : vector<2000x128xf32>
    %dot_general3A_26 = tpu.matmul %max3A_22, %get3A_25, %dot_general3A {dimension_numbers = #tpu.dot_dimension_numbers<[1], [0], [0], [1], [0, 0, 1, 1], [], []>, transpose_lhs_hint = false} : vector<2000x128xf32>, vector<128x128xf32>, vector<2000x128xf32> -> vector<2000x128xf32>
    %mul3A_27 = arith.mulf %dot_general3A_26, %get3A_1 : vector<2000x128xf32>
    %swap3A = arith.constant 0 : index
    %swap3A_28 = arith.constant 0 : index
    %swap3A_29 = vector.load %arg6[%swap3A, %swap3A_28] : memref<2000x128xf32, #tpu.memory_space<vmem>>, vector<2000x128xf32>
    tpu.vector_store %arg6[%swap3A, %swap3A_28], %mul3A_27 {strides = array<i32>} : memref<2000x128xf32, #tpu.memory_space<vmem>>, vector<2000x128xf32>,
    return
  }
  func.func @transform_0(%arg0: i32) -> (i32, i32, i32) {
    %c0_i32 = arith.constant 0 : i32
    %c0_i32_0 = arith.constant 0 : i32
    %c0_i32_1 = arith.constant 0 : i32
    return %c0_i32, %arg0, %c0_i32_0 : i32, i32, i32
  }
  func.func @transform_1(%arg0: i32) -> (i32, i32) {
    %c0_i32 = arith.constant 0 : i32
    %c0_i32_0 = arith.constant 0 : i32
    return %arg0, %c0_i32 : i32, i32
  }
  func.func @transform_2(%arg0: i32) -> (i32, i32) {
    %c0_i32 = arith.constant 0 : i32
    %c0_i32_0 = arith.constant 0 : i32
    return %arg0, %c0_i32 : i32, i32
  }
  func.func @transform_3(%arg0: i32) -> (i32, i32) {
    %c0_i32 = arith.constant 0 : i32
    %c0_i32_0 = arith.constant 0 : i32
    %c0_i32_1 = arith.constant 0 : i32
    return %c0_i32, %c0_i32_0 : i32, i32
  }
  func.func @transform_4(%arg0: i32) -> (i32, i32) {
    %c0_i32 = arith.constant 0 : i32
    %c0_i32_0 = arith.constant 0 : i32
    %c0_i32_1 = arith.constant 0 : i32
    return %c0_i32, %c0_i32_0 : i32, i32
  }
  func.func @transform_5(%arg0: i32) -> (i32, i32) {
    %c0_i32 = arith.constant 0 : i32
    %c0_i32_0 = arith.constant 0 : i32
    return %arg0, %c0_i32 : i32, i32
  }
}

module attributes {stable_mosaic.version = 14 : i64} {
  func.func @_tclast_body(%arg0: i32, %arg1: memref<2x2000x128xf32, #tpu.memory_space<vmem>>, %arg2: memref<2000x128xf32, #tpu.memory_space<vmem>>, %arg3: memref<2000x128xf32, #tpu.memory_space<vmem>>, %arg4: memref<1x128xf32, #tpu.memory_space<vmem>>, %arg5: memref<8x64xf32, #tpu.memory_space<vmem>>, %arg6: memref<64x128xf32, #tpu.memory_space<vmem>>) attributes {dimension_semantics = [#tpu.dimension_semantics<arbitrary>], iteration_bounds = array<i64: 5>, scalar_prefetch = 0 : i64, scratch_operands = 0 : i64, tpu.core_type = #tpu.core_type<tc>, window_params = [{transform_indices = @transform_0, window_bounds = array<i64: 2, 2000, 128>}, {transform_indices = @transform_1, window_bounds = array<i64: 2000, 128>}, {transform_indices = @transform_2, window_bounds = array<i64: 2000, 128>}, {pipeline_mode = #tpu.pipeline_mode<synchronous>, transform_indices = @transform_3, window_bounds = array<i64: 1, 128>}, {pipeline_mode = #tpu.pipeline_mode<synchronous>, transform_indices = @transform_4, window_bounds = array<i64: 8, 64>}, {pipeline_mode = #tpu.pipeline_mode<synchronous>, transform_indices = @transform_5, window_bounds = array<i64: 64, 128>}]} {
    %get3A = arith.constant 0 : index
    %get3A_0 = arith.constant 0 : index
    %get3A_1 = vector.load %arg3[%get3A, %get3A_0] : memref<2000x128xf32, #tpu.memory_space<vmem>>, vector<2000x128xf32>
    %get3A_2 = arith.constant 0 : index
    %get3A_3 = arith.constant 0 : index
    %get3A_4 = arith.constant 0 : index
    %get3A_5 = vector.load %arg1[%get3A_2, %get3A_3, %get3A_4] : memref<2x2000x128xf32, #tpu.memory_space<vmem>>, vector<1x2000x128xf32>
    %get3A_6 = vector.shape_cast %get3A_5 : vector<1x2000x128xf32> to vector<2000x128xf32>
    %get3A_7 = arith.constant 1 : index
    %get3A_8 = arith.constant 0 : index
    %get3A_9 = arith.constant 0 : index
    %get3A_10 = vector.load %arg1[%get3A_7, %get3A_8, %get3A_9] : memref<2x2000x128xf32, #tpu.memory_space<vmem>>, vector<1x2000x128xf32>
    %get3A_11 = vector.shape_cast %get3A_10 : vector<1x2000x128xf32> to vector<2000x128xf32>
    %add3A = arith.addf %get3A_6, %get3A_11 : vector<2000x128xf32>
    %get3A_12 = arith.constant 0 : index
    %get3A_13 = arith.constant 0 : index
    %get3A_14 = vector.load %arg2[%get3A_12, %get3A_13] : memref<2000x128xf32, #tpu.memory_space<vmem>>, vector<2000x128xf32>
    %add3A_15 = arith.addf %add3A, %get3A_14 : vector<2000x128xf32>
    %mul3A = arith.mulf %get3A_1, %add3A_15 : vector<2000x128xf32>
    %get3A_16 = arith.constant 0 : index
    %get3A_17 = arith.constant 0 : index
    %get3A_18 = vector.load %arg4[%get3A_16, %get3A_17] : memref<1x128xf32, #tpu.memory_space<vmem>>, vector<1x128xf32>
    %add3A_19 = vector.broadcast %get3A_18 : vector<1x128xf32> to vector<2000x128xf32>
    %add3A_20 = arith.addf %mul3A, %add3A_19 : vector<2000x128xf32>
    %max3A = arith.constant 0.000000e+00 : f32
    %max3A_21 = vector.broadcast %max3A : f32 to vector<2000x128xf32>
    %max3A_22 = arith.maximumf %add3A_20, %max3A_21 : vector<2000x128xf32>
    %get3A_23 = arith.constant 0 : index
    %get3A_24 = arith.constant 0 : index
    %get3A_25 = vector.load %arg5[%get3A_23, %get3A_24] : memref<8x64xf32, #tpu.memory_space<vmem>>, vector<1x64xf32>
    %get3A_26 = arith.constant 1 : index
    %get3A_27 = arith.constant 0 : index
    %get3A_28 = vector.load %arg5[%get3A_26, %get3A_27] : memref<8x64xf32, #tpu.memory_space<vmem>>, vector<1x64xf32>
    %sub3A = arith.subf %get3A_28, %get3A_25 : vector<1x64xf32>
    %max3A_29 = arith.constant 1.000000e+00 : f32
    %max3A_30 = vector.broadcast %max3A_29 : f32 to vector<1x64xf32>
    %max3A_31 = arith.maximumf %sub3A, %max3A_30 : vector<1x64xf32>
    %div3A = arith.constant 1.000000e+00 : f32
    %div3A_32 = vector.broadcast %div3A : f32 to vector<1x64xf32>
    %div3A_33 = arith.divf %div3A_32, %max3A_31 : vector<1x64xf32>
    %iota3A = tpu.iota {dimensions = array<i32: 0>} : vector<2000x64xi32>
    %mul3A_34 = arith.constant 2000 : i32
    %mul3A_35 = arith.muli %arg0, %mul3A_34 : i32
    %add3A_36 = vector.broadcast %mul3A_35 : i32 to vector<2000x64xi32>
    %add3A_37 = arith.addi %iota3A, %add3A_36 : vector<2000x64xi32>
    %convert_element_type3A = arith.sitofp %add3A_37 : vector<2000x64xi32> to vector<2000x64xf32>
    %ge3A = vector.broadcast %get3A_25 : vector<1x64xf32> to vector<2000x64xf32>
    %ge3A_38 = arith.cmpf oge, %convert_element_type3A, %ge3A : vector<2000x64xf32>
    %lt3A = vector.broadcast %get3A_28 : vector<1x64xf32> to vector<2000x64xf32>
    %lt3A_39 = arith.cmpf olt, %convert_element_type3A, %lt3A : vector<2000x64xf32>
    %and3A = arith.andi %ge3A_38, %lt3A_39 : vector<2000x64xi1>
    %broadcast_in_dim3A = arith.constant 0.000000e+00 : f32
    %broadcast_in_dim3A_40 = vector.broadcast %broadcast_in_dim3A : f32 to vector<2000x64xf32>
    %broadcast_in_dim3A_41 = vector.shape_cast %div3A_33 : vector<1x64xf32> to vector<1x64xf32>
    %broadcast_in_dim3A_42 = vector.broadcast %broadcast_in_dim3A_41 : vector<1x64xf32> to vector<2000x64xf32>
    %select_n3A = arith.select %and3A, %broadcast_in_dim3A_42, %broadcast_in_dim3A_40 : vector<2000x64xi1>, vector<2000x64xf32>
    %dot_general3A = arith.constant dense<0.000000e+00> : vector<64x128xf32>
    %dot_general3A_43 = tpu.matmul %select_n3A, %max3A_22, %dot_general3A {dimension_numbers = #tpu.dot_dimension_numbers<[0], [0], [1], [1], [0, 1, 1, 1], [], []>, transpose_lhs_hint = false} : vector<2000x64xf32>, vector<2000x128xf32>, vector<64x128xf32> -> vector<64x128xf32>
    %eq3A = arith.constant 0 : i32
    %eq3A_44 = arith.cmpi eq, %arg0, %eq3A : i32
    %convert_element_type3A_45 = arith.extui %eq3A_44 : i1 to i32
    %cond3A = arith.constant 0 : i32
    %cond3A_46 = arith.cmpi ne, %convert_element_type3A_45, %cond3A : i32
    scf.if %cond3A_46 {
      %swap3A = arith.constant 0 : index
      %swap3A_51 = arith.constant 0 : index
      %swap3A_52 = vector.load %arg6[%swap3A, %swap3A_51] : memref<64x128xf32, #tpu.memory_space<vmem>>, vector<64x128xf32>
      tpu.vector_store %arg6[%swap3A, %swap3A_51], %dot_general3A_43 {strides = array<i32>} : memref<64x128xf32, #tpu.memory_space<vmem>>, vector<64x128xf32>,
    } else {
    }
    %gt3A = arith.constant 0 : i32
    %gt3A_47 = arith.cmpi sgt, %arg0, %gt3A : i32
    %convert_element_type3A_48 = arith.extui %gt3A_47 : i1 to i32
    %cond3A_49 = arith.constant 0 : i32
    %cond3A_50 = arith.cmpi ne, %convert_element_type3A_48, %cond3A_49 : i32
    scf.if %cond3A_50 {
      %get3A_51 = arith.constant 0 : index
      %get3A_52 = arith.constant 0 : index
      %get3A_53 = vector.load %arg6[%get3A_51, %get3A_52] : memref<64x128xf32, #tpu.memory_space<vmem>>, vector<64x128xf32>
      %add3A_54 = arith.addf %get3A_53, %dot_general3A_43 : vector<64x128xf32>
      %swap3A = arith.constant 0 : index
      %swap3A_55 = arith.constant 0 : index
      %swap3A_56 = vector.load %arg6[%swap3A, %swap3A_55] : memref<64x128xf32, #tpu.memory_space<vmem>>, vector<64x128xf32>
      tpu.vector_store %arg6[%swap3A, %swap3A_55], %add3A_54 {strides = array<i32>} : memref<64x128xf32, #tpu.memory_space<vmem>>, vector<64x128xf32>,
    } else {
    }
    return
  }
  func.func @transform_0(%arg0: i32) -> (i32, i32, i32) {
    %c0_i32 = arith.constant 0 : i32
    %c0_i32_0 = arith.constant 0 : i32
    %c0_i32_1 = arith.constant 0 : i32
    return %c0_i32, %arg0, %c0_i32_0 : i32, i32, i32
  }
  func.func @transform_1(%arg0: i32) -> (i32, i32) {
    %c0_i32 = arith.constant 0 : i32
    %c0_i32_0 = arith.constant 0 : i32
    return %arg0, %c0_i32 : i32, i32
  }
  func.func @transform_2(%arg0: i32) -> (i32, i32) {
    %c0_i32 = arith.constant 0 : i32
    %c0_i32_0 = arith.constant 0 : i32
    return %arg0, %c0_i32 : i32, i32
  }
  func.func @transform_3(%arg0: i32) -> (i32, i32) {
    %c0_i32 = arith.constant 0 : i32
    %c0_i32_0 = arith.constant 0 : i32
    %c0_i32_1 = arith.constant 0 : i32
    return %c0_i32, %c0_i32_0 : i32, i32
  }
  func.func @transform_4(%arg0: i32) -> (i32, i32) {
    %c0_i32 = arith.constant 0 : i32
    %c0_i32_0 = arith.constant 0 : i32
    %c0_i32_1 = arith.constant 0 : i32
    return %c0_i32, %c0_i32_0 : i32, i32
  }
  func.func @transform_5(%arg0: i32) -> (i32, i32) {
    %c0_i32 = arith.constant 0 : i32
    %c0_i32_0 = arith.constant 0 : i32
    %c0_i32_1 = arith.constant 0 : i32
    return %c0_i32, %c0_i32_0 : i32, i32
  }
}

</mosaic_0001>

<sc_bundles>
// kernel: kernel.10.cloned.1.call-start
scs
__scs_entry_jumppad:
0x0: {  	(pc) =	sbr.rel $0x88, $3  }
0x1: {  	(tag) =	ssettag $0x0;
	lr =	simm.s32 $0x1  }
0x2: {  	[smem:$0x3F98] =	sst lr;
	_ =	strace $0xD0000000  }
0x3: {  	_ = 	snop  }
0x4: {  	_ = 	snop  }
0x5: {  	_ = 	snop  }
0x6: {  	_ = 	snop  }
0x7: {  	_ = 	snop  }
__scs_overlays_trampoline_lowered:
0x8: {  	[smem:$0x3FA7] =	sst s0  }
0x9: {  	[smem:$0x3FA8] =	sst s1  }
0xa: {  	[smem:$0x3FA9] =	sst s2  }
0xb: {  	[smem:$0x3FAA] =	sst s3  }
0xc: {  	[smem:$0x3FAB] =	sst s4  }
0xd: {  	[smem:$0x3FAC] =	sst s5  }
0xe: {  	[smem:$0x3FAD] =	sst s6  }
0xf: {  	[smem:$0x3FAE] =	sst s7  }
0x10: {  	[smem:$0x3FAF] =	sst s8  }
0x11: {  	[smem:$0x3FB0] =	sst s9;
	s0 =	simm.s32 @!p0 $0x0  }
0x12: {  	s1 =	sld [smem:$0x3F96];
	s0 =	simm.s32 @p0 $0x1  }
0x13: {  	[smem:$0x3FB1] =	sst s0;
	s0 =	simm.s32 @!p1 $0x0  }
0x14: {  	s2 =	sld [smem:$0x3F95];
	s0 =	simm.s32 @p1 $0x1  }
0x15: {  	[smem:$0x3FB2] =	sst s0;
	s0 =	simm.s32 @!p2 $0x0  }
0x16: {  	s3 =	sld [smem:$0x3FDB];
	s0 =	simm.s32 @p2 $0x1  }
0x17: {  	s4 =	simm.s32 $0x1BF5;
	[smem:$0x3FB4] =	sst s0  }
0x18: {  	s0 =	sld [smem:$0x3F97];
	_ =	swait.ge [sflag:s4], $0x0  }
0x19: {  	s7 =	sld [smem:$0x3F98]  }
0x1a: {  	s8 =	sadd.s32 $0xFFFFE003, lr  }
0x1b: {  	s9 =	sadd.s32 $0xFFFFFEF7, lr;
	s5 =	simm.s32 $0xFFFFFFFF;
	p2 =	slt.u32 s8, $0xFFFFF086  }
0x1c: {  	p1 =	slt.u32 s9, $0xF7A;
	s5 =	simm.s32 @!p2 $0x0  }
0x1d: {  	s5 =	simm.s32 @p1 $0x1;
	p0 =	seq.s32 s7, s2  }
0x1e: {  	s7 =	smul.u32 @!p0 $0xF7A, s2;
	p2 =	seq.s32 @!p0 s5, $0x0  }
0x1f: {  	s9 =	smul.u32 $0xF7A, s1;
	s8 =	simm.s32 @!p0 $0x1BF5;
	p2 =	por !p2, p0  }
0x20: {  	[sflag:s8] =	ssyncset.s32 @!p0 $0xFFFFF086;
	s6 =	sadd.s32 @!p0 s3, s7;
	s7 =	simm.s32 @!p0 $0x108  }
0x21: {  	s3 =	sadd.s32 s3, s9;
	s6 =	sadd.s32 @!p0 $0x88, s6;
	s7 =	simm.s32 @p2 $0x1082  }
0x22: {  	[simem:s7], [sflag:s8] =	dma.local @!p0 [hbm:s6], $0xF7A  }
0x23: {  	s9 =	sor.u32 $0xD0000000, s2;
	s6 =	simm.s32 $0x108;
	_ =	swait.ge @!p0 [sflag:s8], $0x0  }
0x24: {  	s3 =	sadd.s32 $0x88, s3;
	s6 =	simm.s32 @!p1 $0x1082;
	[sflag:s4] =	ssyncset.s32 $0xFFFFF086  }
0x25: {  	[simem:s6], [sflag:s4] =	dma.local [hbm:s3], $0xF7A  }
0x26: {  	[smem:$0x3F98] =	sst s1;
	(tag) =	ssettag s2;
	_ =	strace s9  }
0x27: {  	s1 =	sld [smem:$0x3FA8]  }
0x28: {  	s2 =	sld [smem:$0x3FA9]  }
0x29: {  	s4 =	sld [smem:$0x3FAB]  }
0x2a: {  	p0 =	seq.s32 s5, $0x0;
	s5 =	sld [smem:$0x3FAC]  }
0x2b: {  	s6 =	sld [smem:$0x3FAD]  }
0x2c: {  	s7 =	sld [smem:$0x3FAE]  }
0x2d: {  	s3 =	simm.s32 $0x108;
	s8 =	sld [smem:$0x3FAF]  }
0x2e: {  	s3 =	simm.s32 @!p0 $0x1082;
	s9 =	sld [smem:$0x3FB0]  }
0x2f: {  	lr =	sadd.s32 s0, s3;
	s0 =	sld [smem:$0x3FA7]  }
0x30: {  	s3 =	sld [smem:$0x3FAA]  }
0x31: {  	[smem:$0x3FB3] =	sst s10  }
0x32: {  	s10 =	sld [smem:$0x3FB1];
	_ =	sdelay $0x3  }
0x33: {  	p0 =	seq.s32 s10, $0x1;
	s10 =	sld [smem:$0x3FB3];
	_ =	sdelay $0x3  }
0x34: {  	[smem:$0x3FB3] =	sst s10  }
0x35: {  	s10 =	sld [smem:$0x3FB2];
	_ =	sdelay $0x3  }
0x36: {  	p1 =	seq.s32 s10, $0x1;
	s10 =	sld [smem:$0x3FB3];
	_ =	sdelay $0x3  }
0x37: {  	[smem:$0x3FB3] =	sst s10  }
0x38: {  	s10 =	sld [smem:$0x3FB4]  }
0x39: {  	_ = 	snop;
	(pc) =	sbr.ind lr, $3  }
0x3a: {  	_ = 	snop  }
0x3b: {  	_ = 	snop  }
0x3c: {  	p2 =	seq.s32 s10, $0x1;
	s10 =	sld [smem:$0x3FB3]  }
0x3d: {  	_ =	shalt  }
0x3e: {  	_ =	shalt  }
0x3f: {  	_ =	shalt  }
0x40: {  	_ =	shalt  }
0x41: {  	_ =	shalt  }
0x42: {  	_ =	shalt  }
0x43: {  	_ =	shalt  }
0x44: {  	_ =	shalt  }
0x45: {  	_ =	shalt  }
0x46: {  	_ =	shalt  }
0x47: {  	_ =	shalt  }
0x48: {  	_ =	shalt  }
0x49: {  	_ =	shalt  }
0x4a: {  	_ =	shalt  }
0x4b: {  	_ =	shalt  }
0x4c: {  	_ =	shalt  }
0x4d: {  	_ =	shalt  }
0x4e: {  	_ =	shalt  }
0x4f: {  	_ =	shalt  }
0x50: {  	_ =	shalt  }
0x51: {  	_ =	shalt  }
0x52: {  	_ =	shalt  }
0x53: {  	_ =	shalt  }
0x54: {  	_ =	shalt  }
0x55: {  	_ =	shalt  }
0x56: {  	_ =	shalt  }
0x57: {  	_ =	shalt  }
0x58: {  	_ =	shalt  }
0x59: {  	_ =	shalt  }
0x5a: {  	_ =	shalt  }
0x5b: {  	_ =	shalt  }
0x5c: {  	_ =	shalt  }
0x5d: {  	_ =	shalt  }
0x5e: {  	_ =	shalt  }
0x5f: {  	_ =	shalt  }
0x60: {  	_ =	shalt  }
0x61: {  	_ =	shalt  }
0x62: {  	_ =	shalt  }
0x63: {  	_ =	shalt  }
0x64: {  	_ =	shalt  }
0x65: {  	_ =	shalt  }
0x66: {  	_ =	shalt  }
0x67: {  	_ =	shalt  }
0x68: {  	_ =	shalt  }
0x69: {  	_ =	shalt  }
0x6a: {  	_ =	shalt  }
0x6b: {  	_ =	shalt  }
0x6c: {  	_ =	shalt  }
0x6d: {  	_ =	shalt  }
0x6e: {  	_ =	shalt  }
0x6f: {  	_ =	shalt  }
0x70: {  	_ =	shalt  }
0x71: {  	_ =	shalt  }
0x72: {  	_ =	shalt  }
0x73: {  	_ =	shalt  }
0x74: {  	_ =	shalt  }
0x75: {  	_ =	shalt  }
0x76: {  	_ =	shalt  }
0x77: {  	_ =	shalt  }
0x78: {  	_ =	shalt  }
0x79: {  	_ =	shalt  }
0x7a: {  	_ =	shalt  }
0x7b: {  	_ =	shalt  }
0x7c: {  	_ =	shalt  }
0x7d: {  	_ =	shalt  }
0x7e: {  	_ =	shalt  }
0x7f: {  	_ =	shalt  }
0x80: {  	_ =	shalt  }
0x81: {  	_ =	shalt  }
0x82: {  	_ =	shalt  }
0x83: {  	_ =	shalt  }
0x84: {  	_ =	shalt  }
0x85: {  	_ =	shalt  }
0x86: {  	_ =	shalt  }
0x87: {  	_ =	shalt  }
.Lfunc_end0:
.L_simem_size_0:
called_computation_lowered:
.L_overlay_start_0:
0x88: {  	s2 =	sld [smem:$0x3FD9]  }
0x89: {  	s3 =	sld [smem:$0x3FFE];
	_ =	sdelay $0x1  }
0x8a: {  	s1 =	srdreg.scid  }
0x8b: {  	s0 =	sand.u32 $0x1, s1  }
0x8c: {  	s16 =	sshll.u32 s0, $0xA;
	s2 =	sadd.s32 s3, s2  }
0x8d: {  	s2 =	sadd.s32 s2, s16  }
0x8e: {  	[smem:$0x3FBF] =	sst s2  }
0x8f: {  	_ = 	snop  }
0x90: {  	(tm) =	ssettm $0x1  }
0x91: {  	s17 =	sld [smem:$0x3FFB];
	_ =	sdelay $0x3  }
0x92: {  	_ =	strace s17  }
0x93: {  	s2 =	sld [smem:$0x3FFC];
	_ =	sdelay $0x3  }
0x94: {  	_ =	strace s2  }
0x95: {  	s2 =	sld [smem:$0x3FFD];
	_ =	sdelay $0x3  }
0x96: {  	_ =	strace s2  }
0x97: {  	_ =	strace $0x8FFFFFFF  }
0x98: {  	s18 =	sld [smem:$0x3FDB];
	_ =	sdelay $0x1  }
0x99: {  	s19 =	simm.s32 $_scs_section_size  }
0x9a: {  	s4 =	simm.s32 $_size__tile_overlayer_lowered;
	s5 =	simm.s32 $_tile_overlayer_lowered  }
0x9b: {  	s22 =	simm.s32 $0x1BFF;
	s21 =	sshll.u32 s5, $0x1;
	s2 =	sadd.s32 s19, s18  }
0x9c: {  	s6 =	simm.s32 $0x0;
	s20 =	sshll.u32 s4, $0x1;
	s4 =	sadd.s32 s21, s2  }
0x9d: {  	[timem:s6], [sflag:s22] =	dma.local [hbm:s4], s20  }
0x9e: {  	_ =	swait.ge [sflag:s22], s20  }
0x9f: {  	s3 =	ssub.s32 $0x0, s20;
	[sflag:s22] =	ssyncset.done $0x0  }
0xa0: {  	[sflag:s22] =	ssyncadd.s32 s3;
	_ =	sdelay $0x1  }
0xa1: {  	s23 =	simm.s32 $0x1B8B  }
0xa2: {  	_ =	swait.ge [sflag:s23], $0x1  }
0xa3: {  	[sflag:s23] =	ssyncset.done $0x0  }
0xa4: {  	s25 =	simm.s32 $0x1B8E;
	s24 =	sld [smem:$0x3FFE];
	[sflag:s23] =	ssyncadd.s32 $0xFFFFFFFF  }
0xa5: {  	s26 =	simm.s32 $execute0_lowered;
	[smem:$0x3FD2] =	sst s25  }
0xa6: {  	s4 =	sshll.u32 s26, $0x1;
	_ =	strace $0x80000046;
	[dreg:$0x1] =	wrdreg $0xFFFFFFFF  }
0xa7: {  	s28 =	simm.s32 $_size_execute0_lowered;
	s2 =	sadd.s32 s2, s4;
	[dreg:$0x0] =	wrdreg $0x0  }
0xa8: {  	s4 =	sshll.u32 s28, $0x1;
	[dreg:$0x2] =	wrdreg s2  }
0xa9: {  	[dreg:$0x3] =	wrdreg s4  }
0xaa: {  	[dreg:$0x4] =	wrdreg $0xC0  }
0xab: {  	_ =	task [dreg:s6], $0x5FFFF  }
0xac: {  	[dreg:$0x1] =	wrdreg $0xFFFFFFFF  }
0xad: {  	[dreg:$0x0] =	wrdreg $0x60  }
0xae: {  	[dreg:$0x2] =	wrdreg s24  }
0xaf: {  	[dreg:$0x3] =	wrdreg $0x68000  }
0xb0: {  	[dreg:$0x4] =	wrdreg $0x9  }
0xb1: {  	_ =	task.clear_ibuf [dreg:s6], $0x5FFFF;
	_ =	strace $0x90000046  }
0xb2: {  	s29 =	simm.s32 $0x9;
	_ =	strace $0x80000048  }
0xb3: {  	_ =	swait.ge [sflag:s29], $0x1  }
0xb4: {  	[sflag:s29] =	ssyncadd.s32 $0xFFFFFFFF  }
0xb5: {  	_ =	strace $0x90000048  }
0xb6: {  	_ =	sfence  }
0xb7: {  	s30 =	sld [smem:$0x0];
	_ =	sdelay $0x2  }
0xb8: {  	s31 =	sshll.u32 s1, $0xD;
	s1 =	sshrl.u32 s1, $0x2  }
0xb9: {  	s3 =	sand.u32 $0x4000, s31;
	s1 =	sadd.s32 s1, s30  }
0xba: {  	s0 =	sor.u32 s3, s0;
	s1 =	sshll.u32 s1, $0x11  }
0xbb: {  	s0 =	sor.u32 s1, s0  }
0xbc: {  	s0 =	sadd.s32 $0x8F2B, s0  }
0xbd: {  	[sflag:s0] =	ssyncadd.remote.s32 $0x1  }
0xbe: {  	_ =	sfence.sel $0xFFFF  }
0xbf: {  	[dreg:$0x0] =	wrdreg $0xFFFFFFFF;
	(pc) =	sbr.abs _section_cstart, $3  }
0xc0: {  	[dreg:$0x1] =	wrdreg $0xFFFFFFFF  }
0xc1: {  	_ =	task.clear_ibuf [dreg:s6], $0x2FFFF;
	_ =	strace $0x9FFFFFFF  }
0xc2: {  	(tm) =	ssettm $0x7FFFFFFF  }
0xc3: {  	_ =	shalt  }
tec
execute0_lowered:
.L_overlay_start_1:
0x0: {  	(tag) =	ssettag $0x1  }
0x1: {  	s0 =	srdreg.scid;
	s6 =	rddreg [dreg:$0x0]  }
0x2: {  	s2 =	rddreg [dreg:$0x1];
	s3 =	simm.s32 $0x0;
	s12 =	simm.s32 $0x80  }
0x3: {  	s5 =	sand.u32 $0x1, s0;
	s0 =	stileid.u32;
	[smem:$0x7FF] =	sst s3  }
0x4: {  	s1 =	sshll.u32 s5, $0x4;
	s8 =	smul.u32 $0x27800, s5;
	s9 =	ssub.s32 $0x2, s5  }
0x5: {  	s10 =	smul.u32 $0x4F000, s0;
	s5 =	sadd.s32 $0xD600, s6;
	s31 =	sshll.u32 s0, $0x6  }
0x6: {  	s14 =	smul.u32 $0x2780, s0;
	s4 =	sor.u32 s0, s1;
	s1 =	rddreg [dreg:$0x2]  }
0x7: {  	_ =	strace $0x80000047;
	s29 =	sshrl.u32 s9, $0x1;
	s4 =	smul.u32 $0x500, s4  }
0x8: {  	s8 =	sadd.s32 s8, s6;
	s9 =	ssub.s32 s9, s29;
	s30 =	sshrl.u32 s10, $0x2  }
0x9: {  	s10 =	simm.s32 $0x1;
	s11 =	sadd.s32 s30, s2;
	s13 =	sadd.s32 $0x10600, s8  }
0xa: {  	s8 =	smax.u32 s9, $0x1;
	s7 =	sadd.s32 s4, s6;
	s4 =	sadd.s32 $0xFE00, s6  }
0xb: {  	s6 =	sor.u32 $0x1C01, s31;
	s9 =	sshrl.u32 s11, $0x3;
	s11 =	simm.s32 $0x2800  }
0xc: {  	s13 =	sadd.s32 s14, s13;
	s14 =	simm.s32 $0x0;
	s7 =	sadd.s32 $0x3600, s7  }
.LBB2_1:
0xd: {  	[spmem:s9], [sflag:s6] =	dma.local [hbm:s5], $0x2780  }
0xe: {  	_ =	swait.ge [sflag:s10], $0x2780  }
0xf: {  	[sflag:s10] =	ssyncset.done $0x0  }
0x10: {  	[sflag:s10] =	ssyncadd.s32 $0xFFFFD880  }
0x11: {  	[tilespmem:s3], [sflag:$0x1] =	stream.linear.gather [hbm4b:s7+s3], $0x2800, $0x38;
	[tilespmem:$0x1A400] =	vst v63  }
0x12: {  	_ =	swait.ge [sflag:s10], $0x2800  }
0x13: {  	[sflag:s10] =	ssyncset.done $0x0  }
0x14: {  	[sflag:s10] =	ssyncadd.s32 $0xFFFFD800  }
0x15: {  	[tilespmem:s11], [sflag:$0x1] =	stream.linear.gather [hbm4b:s4+s3], $0x4000, $0x38;
	[tilespmem:$0x1A400] =	vst v63  }
0x16: {  	_ =	swait.ge [sflag:s10], $0x4000  }
0x17: {  	[sflag:s10] =	ssyncset.done $0x0  }
0x18: {  	[sflag:s10] =	ssyncadd.s32 $0xFFFFC000  }
0x19: {  	s15 =	simm.s32 $0x0;
	[bflag:$0x0] =	sbarrier.arrive $0xFFFF  }
0x1a: {  	[spmem:s2] =	stream.indirect.scatter.add.f32 [tilespmem:s11], [sflag:$0x1], $0x80, s15, s12, $0xb8;
	[tilespmem:$0x1A400] =	vst v63  }
0x1b: {  	_ =	swait.ge [sflag:s10], $0x4000  }
0x1c: {  	s15 =	simm.s32 $0x200;
	[sflag:s10] =	ssyncset.done $0x0  }
.LBB2_2:
0x1d: {  	s16 =	sshra.s32 s15, $0x2;
	[sflag:s10] =	ssyncadd.s32 $0xFFFFC000;
	p0 =	sne.s32 s15, $0x9E00  }
0x1e: {  	[spmem:s2] =	stream.indirect.scatter.add.f32 [tilespmem:s11], [sflag:$0x1], $0x80, s16, s12, $0xb8;
	[tilespmem:$0x1A400] =	vst v63  }
.Ltmp0:
0x1f: {  	_ = 	snop;
	(pc) =	sbr.rel @p0 .LBB2_2-.Ltmp0, $4  }
0x20: {  	_ = 	snop  }
0x21: {  	s15 =	sadd.s32 $0x200, s15  }
0x22: {  	_ =	swait.ge [sflag:s10], $0x4000  }
0x23: {  	[sflag:s10] =	ssyncset.done $0x0  }
0x24: {  	s14 =	sadd.s32 $0x1, s14  }
0x25: {  	[sflag:s10] =	ssyncadd.s32 $0xFFFFC000;
	p0 =	sne.s32 s14, s8  }
.Ltmp1:
0x26: {  	[bflag:$0x0] =	sbarrier.arrive $0xFFFF;
	(pc) =	sbr.rel @p0 .LBB2_1-.Ltmp1, $4  }
0x27: {  	[hbm:s13], [sflag:s6] =	dma.local [spmem:s9], $0x2780  }
0x28: {  	_ =	swait.ge [sflag:s10], $0x2780  }
0x29: {  	[sflag:s10] =	ssyncset.done $0x0  }
0x2a: {  	[sflag:s10] =	ssyncadd.s32 $0xFFFFD880  }
0x2b: {  	_ =	sfence.sel $0x180000  }
0x2c: {  	[bflag:$0x0] =	sbarrier.arrive $0xFFFF  }
0x2d: {  	p0 =	sne.s32 s0, $0x0;
	_ =	strace $0x90000047  }
0x2e: {  	s0 =	sadd.s32 @!p0 $0x100000, s1;
	[bflag:$0x2] =	sbarrier.arrive $0xFFFF  }
0x2f: {  	[sflag:s0] =	ssyncadd.tile.s32 @!p0 $0x1;
	_ =	shalt  }
.Lfunc_end2:
_tile_overlayer_lowered:
.L_overlay_start_2:
0x30: {  	(tag) =	ssettag $0x2  }
0x31: {  	s0 =	rddreg [dreg:$0x0];
	s2 =	stileid.u32  }
0x32: {  	s1 =	rddreg [dreg:$0x1];
	p0 =	sne.s32 s2, $0x0  }
0x33: {  	s3 =	rddreg [dreg:$0x2];
	[bflag:$0x3] =	sbarrier.arrive $0xFFFF;
	s2 =	simm.s32 @!p0 $0x1C01  }
0x34: {  	[timem:s3], [sflag:s2] =	dma.local @!p0 [hbm:s0], s1  }
0x35: {  	s0 =	simm.s32 @!p0 $0x1  }
0x36: {  	_ =	swait.ge @!p0 [sflag:s0], s1  }
0x37: {  	s1 =	ssub.s32 @!p0 $0x0, s1;
	[sflag:s0] =	ssyncset.done @!p0 $0x0  }
0x38: {  	[sflag:s0] =	ssyncadd.s32 @!p0 s1  }
0x39: {  	[bflag:$0x3] =	sbarrier.arrive $0xFFFF  }
0x3a: {  	_ =	shalt  }

// kernel: kernel.13.cloned.1.call-start
scs
__scs_entry_jumppad:
0x0: {  	(pc) =	sbr.rel $0x88, $3  }
0x1: {  	(tag) =	ssettag $0x0;
	lr =	simm.s32 $0x1  }
0x2: {  	[smem:$0x3F98] =	sst lr;
	_ =	strace $0xD0000000  }
0x3: {  	_ = 	snop  }
0x4: {  	_ = 	snop  }
0x5: {  	_ = 	snop  }
0x6: {  	_ = 	snop  }
0x7: {  	_ = 	snop  }
__scs_overlays_trampoline_lowered:
0x8: {  	[smem:$0x3FA7] =	sst s0  }
0x9: {  	[smem:$0x3FA8] =	sst s1  }
0xa: {  	[smem:$0x3FA9] =	sst s2  }
0xb: {  	[smem:$0x3FAA] =	sst s3  }
0xc: {  	[smem:$0x3FAB] =	sst s4  }
0xd: {  	[smem:$0x3FAC] =	sst s5  }
0xe: {  	[smem:$0x3FAD] =	sst s6  }
0xf: {  	[smem:$0x3FAE] =	sst s7  }
0x10: {  	[smem:$0x3FAF] =	sst s8  }
0x11: {  	[smem:$0x3FB0] =	sst s9;
	s0 =	simm.s32 @!p0 $0x0  }
0x12: {  	s1 =	sld [smem:$0x3F96];
	s0 =	simm.s32 @p0 $0x1  }
0x13: {  	[smem:$0x3FB1] =	sst s0;
	s0 =	simm.s32 @!p1 $0x0  }
0x14: {  	s2 =	sld [smem:$0x3F95];
	s0 =	simm.s32 @p1 $0x1  }
0x15: {  	[smem:$0x3FB2] =	sst s0;
	s0 =	simm.s32 @!p2 $0x0  }
0x16: {  	s3 =	sld [smem:$0x3FDB];
	s0 =	simm.s32 @p2 $0x1  }
0x17: {  	s4 =	simm.s32 $0x1BF5;
	[smem:$0x3FB4] =	sst s0  }
0x18: {  	s0 =	sld [smem:$0x3F97];
	_ =	swait.ge [sflag:s4], $0x0  }
0x19: {  	s7 =	sld [smem:$0x3F98]  }
0x1a: {  	s8 =	sadd.s32 $0xFFFFE003, lr  }
0x1b: {  	s9 =	sadd.s32 $0xFFFFFEF7, lr;
	s5 =	simm.s32 $0xFFFFFFFF;
	p2 =	slt.u32 s8, $0xFFFFF086  }
0x1c: {  	p1 =	slt.u32 s9, $0xF7A;
	s5 =	simm.s32 @!p2 $0x0  }
0x1d: {  	s5 =	simm.s32 @p1 $0x1;
	p0 =	seq.s32 s7, s2  }
0x1e: {  	s7 =	smul.u32 @!p0 $0xF7A, s2;
	p2 =	seq.s32 @!p0 s5, $0x0  }
0x1f: {  	s9 =	smul.u32 $0xF7A, s1;
	s8 =	simm.s32 @!p0 $0x1BF5;
	p2 =	por !p2, p0  }
0x20: {  	[sflag:s8] =	ssyncset.s32 @!p0 $0xFFFFF086;
	s6 =	sadd.s32 @!p0 s3, s7;
	s7 =	simm.s32 @!p0 $0x108  }
0x21: {  	s3 =	sadd.s32 s3, s9;
	s6 =	sadd.s32 @!p0 $0x88, s6;
	s7 =	simm.s32 @p2 $0x1082  }
0x22: {  	[simem:s7], [sflag:s8] =	dma.local @!p0 [hbm:s6], $0xF7A  }
0x23: {  	s9 =	sor.u32 $0xD0000000, s2;
	s6 =	simm.s32 $0x108;
	_ =	swait.ge @!p0 [sflag:s8], $0x0  }
0x24: {  	s3 =	sadd.s32 $0x88, s3;
	s6 =	simm.s32 @!p1 $0x1082;
	[sflag:s4] =	ssyncset.s32 $0xFFFFF086  }
0x25: {  	[simem:s6], [sflag:s4] =	dma.local [hbm:s3], $0xF7A  }
0x26: {  	[smem:$0x3F98] =	sst s1;
	(tag) =	ssettag s2;
	_ =	strace s9  }
0x27: {  	s1 =	sld [smem:$0x3FA8]  }
0x28: {  	s2 =	sld [smem:$0x3FA9]  }
0x29: {  	s4 =	sld [smem:$0x3FAB]  }
0x2a: {  	p0 =	seq.s32 s5, $0x0;
	s5 =	sld [smem:$0x3FAC]  }
0x2b: {  	s6 =	sld [smem:$0x3FAD]  }
0x2c: {  	s7 =	sld [smem:$0x3FAE]  }
0x2d: {  	s3 =	simm.s32 $0x108;
	s8 =	sld [smem:$0x3FAF]  }
0x2e: {  	s3 =	simm.s32 @!p0 $0x1082;
	s9 =	sld [smem:$0x3FB0]  }
0x2f: {  	lr =	sadd.s32 s0, s3;
	s0 =	sld [smem:$0x3FA7]  }
0x30: {  	s3 =	sld [smem:$0x3FAA]  }
0x31: {  	[smem:$0x3FB3] =	sst s10  }
0x32: {  	s10 =	sld [smem:$0x3FB1];
	_ =	sdelay $0x3  }
0x33: {  	p0 =	seq.s32 s10, $0x1;
	s10 =	sld [smem:$0x3FB3];
	_ =	sdelay $0x3  }
0x34: {  	[smem:$0x3FB3] =	sst s10  }
0x35: {  	s10 =	sld [smem:$0x3FB2];
	_ =	sdelay $0x3  }
0x36: {  	p1 =	seq.s32 s10, $0x1;
	s10 =	sld [smem:$0x3FB3];
	_ =	sdelay $0x3  }
0x37: {  	[smem:$0x3FB3] =	sst s10  }
0x38: {  	s10 =	sld [smem:$0x3FB4]  }
0x39: {  	_ = 	snop;
	(pc) =	sbr.ind lr, $3  }
0x3a: {  	_ = 	snop  }
0x3b: {  	_ = 	snop  }
0x3c: {  	p2 =	seq.s32 s10, $0x1;
	s10 =	sld [smem:$0x3FB3]  }
0x3d: {  	_ =	shalt  }
0x3e: {  	_ =	shalt  }
0x3f: {  	_ =	shalt  }
0x40: {  	_ =	shalt  }
0x41: {  	_ =	shalt  }
0x42: {  	_ =	shalt  }
0x43: {  	_ =	shalt  }
0x44: {  	_ =	shalt  }
0x45: {  	_ =	shalt  }
0x46: {  	_ =	shalt  }
0x47: {  	_ =	shalt  }
0x48: {  	_ =	shalt  }
0x49: {  	_ =	shalt  }
0x4a: {  	_ =	shalt  }
0x4b: {  	_ =	shalt  }
0x4c: {  	_ =	shalt  }
0x4d: {  	_ =	shalt  }
0x4e: {  	_ =	shalt  }
0x4f: {  	_ =	shalt  }
0x50: {  	_ =	shalt  }
0x51: {  	_ =	shalt  }
0x52: {  	_ =	shalt  }
0x53: {  	_ =	shalt  }
0x54: {  	_ =	shalt  }
0x55: {  	_ =	shalt  }
0x56: {  	_ =	shalt  }
0x57: {  	_ =	shalt  }
0x58: {  	_ =	shalt  }
0x59: {  	_ =	shalt  }
0x5a: {  	_ =	shalt  }
0x5b: {  	_ =	shalt  }
0x5c: {  	_ =	shalt  }
0x5d: {  	_ =	shalt  }
0x5e: {  	_ =	shalt  }
0x5f: {  	_ =	shalt  }
0x60: {  	_ =	shalt  }
0x61: {  	_ =	shalt  }
0x62: {  	_ =	shalt  }
0x63: {  	_ =	shalt  }
0x64: {  	_ =	shalt  }
0x65: {  	_ =	shalt  }
0x66: {  	_ =	shalt  }
0x67: {  	_ =	shalt  }
0x68: {  	_ =	shalt  }
0x69: {  	_ =	shalt  }
0x6a: {  	_ =	shalt  }
0x6b: {  	_ =	shalt  }
0x6c: {  	_ =	shalt  }
0x6d: {  	_ =	shalt  }
0x6e: {  	_ =	shalt  }
0x6f: {  	_ =	shalt  }
0x70: {  	_ =	shalt  }
0x71: {  	_ =	shalt  }
0x72: {  	_ =	shalt  }
0x73: {  	_ =	shalt  }
0x74: {  	_ =	shalt  }
0x75: {  	_ =	shalt  }
0x76: {  	_ =	shalt  }
0x77: {  	_ =	shalt  }
0x78: {  	_ =	shalt  }
0x79: {  	_ =	shalt  }
0x7a: {  	_ =	shalt  }
0x7b: {  	_ =	shalt  }
0x7c: {  	_ =	shalt  }
0x7d: {  	_ =	shalt  }
0x7e: {  	_ =	shalt  }
0x7f: {  	_ =	shalt  }
0x80: {  	_ =	shalt  }
0x81: {  	_ =	shalt  }
0x82: {  	_ =	shalt  }
0x83: {  	_ =	shalt  }
0x84: {  	_ =	shalt  }
0x85: {  	_ =	shalt  }
0x86: {  	_ =	shalt  }
0x87: {  	_ =	shalt  }
.Lfunc_end0:
.L_simem_size_0:
called_computation.1_lowered:
.L_overlay_start_0:
0x88: {  	s2 =	sld [smem:$0x3FD9]  }
0x89: {  	s3 =	sld [smem:$0x3FFE];
	_ =	sdelay $0x1  }
0x8a: {  	s1 =	srdreg.scid  }
0x8b: {  	s0 =	sand.u32 $0x1, s1  }
0x8c: {  	s16 =	sshll.u32 s0, $0xA;
	s2 =	sadd.s32 s3, s2  }
0x8d: {  	s2 =	sadd.s32 s2, s16  }
0x8e: {  	[smem:$0x3FBF] =	sst s2  }
0x8f: {  	_ = 	snop  }
0x90: {  	(tm) =	ssettm $0x1  }
0x91: {  	s17 =	sld [smem:$0x3FFB];
	_ =	sdelay $0x3  }
0x92: {  	_ =	strace s17  }
0x93: {  	s2 =	sld [smem:$0x3FFC];
	_ =	sdelay $0x3  }
0x94: {  	_ =	strace s2  }
0x95: {  	s2 =	sld [smem:$0x3FFD];
	_ =	sdelay $0x3  }
0x96: {  	_ =	strace s2  }
0x97: {  	_ =	strace $0x8FFFFFFF  }
0x98: {  	s18 =	sld [smem:$0x3FDB];
	_ =	sdelay $0x1  }
0x99: {  	s19 =	simm.s32 $_scs_section_size  }
0x9a: {  	s4 =	simm.s32 $_size__tile_overlayer_lowered;
	s5 =	simm.s32 $_tile_overlayer_lowered  }
0x9b: {  	s22 =	simm.s32 $0x1BFF;
	s21 =	sshll.u32 s5, $0x1;
	s2 =	sadd.s32 s19, s18  }
0x9c: {  	s6 =	simm.s32 $0x0;
	s20 =	sshll.u32 s4, $0x1;
	s4 =	sadd.s32 s21, s2  }
0x9d: {  	[timem:s6], [sflag:s22] =	dma.local [hbm:s4], s20  }
0x9e: {  	_ =	swait.ge [sflag:s22], s20  }
0x9f: {  	s3 =	ssub.s32 $0x0, s20;
	[sflag:s22] =	ssyncset.done $0x0  }
0xa0: {  	[sflag:s22] =	ssyncadd.s32 s3;
	_ =	sdelay $0x1  }
0xa1: {  	s23 =	simm.s32 $0x1B8B  }
0xa2: {  	_ =	swait.ge [sflag:s23], $0x1  }
0xa3: {  	[sflag:s23] =	ssyncset.done $0x0  }
0xa4: {  	s25 =	simm.s32 $0x1B8E;
	s24 =	sld [smem:$0x3FFE];
	[sflag:s23] =	ssyncadd.s32 $0xFFFFFFFF  }
0xa5: {  	s26 =	simm.s32 $execute0_lowered;
	[smem:$0x3FD2] =	sst s25  }
0xa6: {  	s4 =	sshll.u32 s26, $0x1;
	_ =	strace $0x80000049;
	[dreg:$0x1] =	wrdreg $0xFFFFFFFF  }
0xa7: {  	s28 =	simm.s32 $_size_execute0_lowered;
	s2 =	sadd.s32 s2, s4;
	[dreg:$0x0] =	wrdreg $0x0  }
0xa8: {  	s4 =	sshll.u32 s28, $0x1;
	[dreg:$0x2] =	wrdreg s2  }
0xa9: {  	[dreg:$0x3] =	wrdreg s4  }
0xaa: {  	[dreg:$0x4] =	wrdreg $0xC0  }
0xab: {  	_ =	task [dreg:s6], $0x5FFFF  }
0xac: {  	[dreg:$0x1] =	wrdreg $0xFFFFFFFF  }
0xad: {  	[dreg:$0x0] =	wrdreg $0x60  }
0xae: {  	[dreg:$0x2] =	wrdreg s24  }
0xaf: {  	[dreg:$0x3] =	wrdreg $0xA8000  }
0xb0: {  	[dreg:$0x4] =	wrdreg $0x9  }
0xb1: {  	_ =	task.clear_ibuf [dreg:s6], $0x5FFFF;
	_ =	strace $0x90000049  }
0xb2: {  	s29 =	simm.s32 $0x9;
	_ =	strace $0x8000004B  }
0xb3: {  	_ =	swait.ge [sflag:s29], $0x1  }
0xb4: {  	[sflag:s29] =	ssyncadd.s32 $0xFFFFFFFF  }
0xb5: {  	_ =	strace $0x9000004B  }
0xb6: {  	_ =	sfence  }
0xb7: {  	s30 =	sld [smem:$0x0];
	_ =	sdelay $0x2  }
0xb8: {  	s31 =	sshll.u32 s1, $0xD;
	s1 =	sshrl.u32 s1, $0x2  }
0xb9: {  	s3 =	sand.u32 $0x4000, s31;
	s1 =	sadd.s32 s1, s30  }
0xba: {  	s0 =	sor.u32 s3, s0;
	s1 =	sshll.u32 s1, $0x11  }
0xbb: {  	s0 =	sor.u32 s1, s0  }
0xbc: {  	s0 =	sadd.s32 $0x8F2B, s0  }
0xbd: {  	[sflag:s0] =	ssyncadd.remote.s32 $0x1  }
0xbe: {  	_ =	sfence.sel $0xFFFF  }
0xbf: {  	[dreg:$0x0] =	wrdreg $0xFFFFFFFF;
	(pc) =	sbr.abs _section_cstart, $3  }
0xc0: {  	[dreg:$0x1] =	wrdreg $0xFFFFFFFF  }
0xc1: {  	_ =	task.clear_ibuf [dreg:s6], $0x2FFFF;
	_ =	strace $0x9FFFFFFF  }
0xc2: {  	(tm) =	ssettm $0x7FFFFFFF  }
0xc3: {  	_ =	shalt  }
tec
execute0_lowered:
.L_overlay_start_1:
0x0: {  	(tag) =	ssettag $0x1  }
0x1: {  	s0 =	srdreg.scid;
	s6 =	rddreg [dreg:$0x0]  }
0x2: {  	s2 =	rddreg [dreg:$0x1];
	s1 =	stileid.u32  }
0x3: {  	s3 =	simm.s32 $0x0;
	s14 =	simm.s32 $0x2800;
	s15 =	simm.s32 $0x6800  }
0x4: {  	s16 =	simm.s32 $0x1;
	s17 =	simm.s32 $0x2;
	s18 =	simm.s32 $0x3  }
0x5: {  	s19 =	simm.s32 $0x4;
	s20 =	simm.s32 $0x2700;
	s21 =	simm.s32 $0x2780  }
0x6: {  	s7 =	sand.u32 $0x1, s0;
	s0 =	rddreg [dreg:$0x2];
	s10 =	smul.u32 $0x4F000, s1  }
0x7: {  	[smem:$0x7FF] =	sst s3;
	s31 =	sshll.u32 s1, $0x6;
	s25 =	smul.u32 $0x2780, s1  }
0x8: {  	s4 =	sshll.u32 s7, $0x4;
	_ =	strace $0x8000004A;
	s29 =	ssub.s32 $0x2, s7  }
0x9: {  	s8 =	smul.u32 $0x27800, s7;
	s4 =	sor.u32 s1, s4;
	s7 =	sshrl.u32 s29, $0x1  }
0xa: {  	s30 =	sshrl.u32 s10, $0x2;
	s5 =	smul.u32 $0x500, s4;
	s4 =	sadd.s32 $0xFE00, s6  }
0xb: {  	s11 =	sadd.s32 s8, s6;
	s12 =	ssub.s32 s29, s7;
	s13 =	sadd.s32 s30, s2  }
0xc: {  	s24 =	sadd.s32 $0x69600, s11;
	s10 =	sshrl.u32 s13, $0x3;
	s11 =	simm.s32 $0x5  }
0xd: {  	s13 =	simm.s32 $0x80;
	s9 =	sadd.s32 s5, s6;
	s5 =	sadd.s32 $0xD600, s6  }
0xe: {  	s6 =	sor.u32 $0x1C05, s31;
	s24 =	sadd.s32 s25, s24;
	s25 =	simm.s32 $0x0  }
0xf: {  	s7 =	sadd.s32 $0x5F600, s9;
	s8 =	sadd.s32 $0x3600, s9;
	s9 =	smax.u32 s12, $0x1  }
0x10: {  	s12 =	simm.s32 $0x1400;
	s22 =	sadd.s32 $0x280, s7;
	s23 =	sadd.s32 $0x280, s8  }
.LBB2_1:
0x11: {  	[spmem:s10], [sflag:s6] =	dma.local [hbm:s5], $0x2780  }
0x12: {  	_ =	swait.ge [sflag:s11], $0x2780  }
0x13: {  	[sflag:s11] =	ssyncset.done $0x0  }
0x14: {  	[sflag:s11] =	ssyncadd.s32 $0xFFFFD880  }
0x15: {  	[bflag:$0x0] =	sbarrier.arrive $0xFFFF  }
0x16: {  	[tilespmem:s3], [sflag:$0x5] =	stream.linear.gather [hbm4b:s7+s3], $0x1400, $0x38;
	[tilespmem:$0x1E400] =	vst v63  }
0x17: {  	_ =	swait.ge [sflag:s11], $0x1400  }
0x18: {  	[sflag:s11] =	ssyncset.done $0x0  }
0x19: {  	[sflag:s11] =	ssyncadd.s32 $0xFFFFEC00  }
0x1a: {  	[tilespmem:s12], [sflag:$0x5] =	stream.linear.gather [hbm4b:s8+s3], $0x1400, $0x38;
	[tilespmem:$0x1E400] =	vst v63  }
0x1b: {  	_ =	swait.ge [sflag:s11], $0x1400  }
0x1c: {  	[sflag:s11] =	ssyncset.done $0x0  }
0x1d: {  	[sflag:s11] =	ssyncadd.s32 $0xFFFFEC00  }
0x1e: {  	[tilespmem:s14], [sflag:$0x1] =	stream.indirect.gather [hbm4b:s4+s13], $0x80, s3, s13, $0xb8;
	[tilespmem:$0x1E400] =	vst v63  }
0x1f: {  	_ = 	snop  }
0x20: {  	[tilespmem:s15], [sflag:$0x2] =	stream.indirect.gather [hbm4b:s4+s13], $0x80, s13, s13, $0xb8;
	[tilespmem:$0x1E400] =	vst v63  }
0x21: {  	_ =	swait.ge [sflag:s16], $0x4000  }
0x22: {  	[sflag:s16] =	ssyncset.done $0x0  }
0x23: {  	s26 =	simm.s32 $0x1400;
	[sflag:s16] =	ssyncadd.s32 $0xFFFFC000  }
0x24: {  	[spmem:s2] =	stream.indirect.scatter.add.f32 [tilespmem:s14], [sflag:$0x3], $0x80, s26, s13, $0xb8;
	[tilespmem:$0x1E400] =	vst v63  }
0x25: {  	_ =	swait.ge [sflag:s17], $0x4000  }
0x26: {  	[sflag:s17] =	ssyncset.done $0x0  }
0x27: {  	s30 =	simm.s32 $0x1480;
	[sflag:s17] =	ssyncadd.s32 $0xFFFFC000  }
0x28: {  	[spmem:s2] =	stream.indirect.scatter.add.f32 [tilespmem:s15], [sflag:$0x4], $0x80, s30, s13, $0xb8;
	[tilespmem:$0x1E400] =	vst v63  }
0x29: {  	_ =	swait.ge [sflag:s18], $0x4000  }
0x2a: {  	[sflag:s18] =	ssyncset.done $0x0  }
0x2b: {  	s31 =	simm.s32 $0x100;
	[sflag:s18] =	ssyncadd.s32 $0xFFFFC000  }
0x2c: {  	[tilespmem:s14], [sflag:$0x1] =	stream.indirect.gather [hbm4b:s4+s13], $0x80, s31, s13, $0xb8;
	[tilespmem:$0x1E400] =	vst v63  }
0x2d: {  	_ =	swait.ge [sflag:s19], $0x4000  }
0x2e: {  	[sflag:s19] =	ssyncset.done $0x0  }
0x2f: {  	s28 =	simm.s32 $0x180;
	s26 =	simm.s32 $0x400;
	[sflag:s19] =	ssyncadd.s32 $0xFFFFC000  }
.LBB2_2:
0x30: {  	[tilespmem:s15], [sflag:$0x2] =	stream.indirect.gather [hbm4b:s4+s13], $0x80, s28, s13, $0xb8;
	[tilespmem:$0x1E400] =	vst v63  }
0x31: {  	s28 =	smov.u32 s26  }
0x32: {  	p0 =	sne.s32 s26, $0x4800;
	s26 =	sadd.s32 $0x400, s26;
	_ =	swait.ge [sflag:s16], $0x4000  }
0x33: {  	s28 =	sshra.s32 s28, $0x2;
	[sflag:s16] =	ssyncset.done $0x0  }
0x34: {  	s29 =	sadd.s32 $0x1400, s28;
	[sflag:s16] =	ssyncadd.s32 $0xFFFFC000  }
0x35: {  	[spmem:s2] =	stream.indirect.scatter.add.f32 [tilespmem:s14], [sflag:$0x3], $0x80, s29, s13, $0xb8;
	[tilespmem:$0x1E400] =	vst v63  }
0x36: {  	_ =	swait.ge [sflag:s17], $0x4000  }
0x37: {  	[sflag:s17] =	ssyncset.done $0x0  }
0x38: {  	s29 =	sadd.s32 $0x1480, s28;
	[sflag:s17] =	ssyncadd.s32 $0xFFFFC000  }
0x39: {  	[spmem:s2] =	stream.indirect.scatter.add.f32 [tilespmem:s15], [sflag:$0x4], $0x80, s29, s13, $0xb8;
	[tilespmem:$0x1E400] =	vst v63  }
0x3a: {  	_ =	swait.ge [sflag:s18], $0x4000  }
0x3b: {  	[sflag:s18] =	ssyncset.done $0x0  }
.Ltmp0:
0x3c: {  	s29 =	sadd.s32 $0x100, s28;
	[sflag:s18] =	ssyncadd.s32 $0xFFFFC000;
	(pc) =	sbr.rel @p0 .LBB2_2-.Ltmp0, $4  }
0x3d: {  	[tilespmem:s14], [sflag:$0x1] =	stream.indirect.gather [hbm4b:s4+s13], $0x80, s29, s13, $0xb8;
	[tilespmem:$0x1E400] =	vst v63  }
0x3e: {  	_ =	swait.ge [sflag:s19], $0x4000  }
0x3f: {  	[sflag:s19] =	ssyncset.done $0x0  }
0x40: {  	s28 =	sadd.s32 $0x180, s28;
	[sflag:s19] =	ssyncadd.s32 $0xFFFFC000  }
0x41: {  	[tilespmem:s15], [sflag:$0x2] =	stream.indirect.gather [hbm4b:s4+s13], $0x80, s28, s13, $0xb8;
	[tilespmem:$0x1E400] =	vst v63  }
0x42: {  	_ =	swait.ge [sflag:s16], $0x4000  }
0x43: {  	[sflag:s16] =	ssyncset.done $0x0  }
0x44: {  	[sflag:s16] =	ssyncadd.s32 $0xFFFFC000  }
0x45: {  	[spmem:s2] =	stream.indirect.scatter.add.f32 [tilespmem:s14], [sflag:$0x3], $0x80, s20, s13, $0xb8;
	[tilespmem:$0x1E400] =	vst v63  }
0x46: {  	_ =	swait.ge [sflag:s17], $0x4000  }
0x47: {  	[sflag:s17] =	ssyncset.done $0x0  }
0x48: {  	[sflag:s17] =	ssyncadd.s32 $0xFFFFC000  }
0x49: {  	[spmem:s2] =	stream.indirect.scatter.add.f32 [tilespmem:s15], [sflag:$0x4], $0x80, s21, s13, $0xb8;
	[tilespmem:$0x1E400] =	vst v63  }
0x4a: {  	_ =	swait.ge [sflag:s18], $0x4000  }
0x4b: {  	[sflag:s18] =	ssyncset.done $0x0  }
0x4c: {  	[sflag:s18] =	ssyncadd.s32 $0xFFFFC000  }
0x4d: {  	_ =	swait.ge [sflag:s19], $0x4000  }
0x4e: {  	[sflag:s19] =	ssyncset.done $0x0  }
0x4f: {  	s26 =	simm.s32 $0x0;
	[sflag:s19] =	ssyncadd.s32 $0xFFFFC000  }
0x50: {  	[tilespmem:s26], [sflag:$0x5] =	stream.linear.gather [hbm4b:s22+s26], $0x1400, $0x38;
	[tilespmem:$0x1E400] =	vst v63  }
0x51: {  	_ =	swait.ge [sflag:s11], $0x1400  }
0x52: {  	[sflag:s11] =	ssyncset.done $0x0  }
0x53: {  	[sflag:s11] =	ssyncadd.s32 $0xFFFFEC00  }
0x54: {  	[tilespmem:s12], [sflag:$0x5] =	stream.linear.gather [hbm4b:s23+s26], $0x1400, $0x38;
	[tilespmem:$0x1E400] =	vst v63  }
0x55: {  	_ =	swait.ge [sflag:s11], $0x1400  }
0x56: {  	[sflag:s11] =	ssyncset.done $0x0  }
0x57: {  	[sflag:s11] =	ssyncadd.s32 $0xFFFFEC00  }
0x58: {  	[tilespmem:s14], [sflag:$0x1] =	stream.indirect.gather [hbm4b:s4+s13], $0x80, s26, s13, $0xb8;
	[tilespmem:$0x1E400] =	vst v63  }
0x59: {  	_ = 	snop  }
0x5a: {  	[tilespmem:s15], [sflag:$0x2] =	stream.indirect.gather [hbm4b:s4+s13], $0x80, s13, s13, $0xb8;
	[tilespmem:$0x1E400] =	vst v63  }
0x5b: {  	_ =	swait.ge [sflag:s16], $0x4000  }
0x5c: {  	[sflag:s16] =	ssyncset.done $0x0  }
0x5d: {  	s29 =	simm.s32 $0x1400;
	[sflag:s16] =	ssyncadd.s32 $0xFFFFC000  }
0x5e: {  	[spmem:s2] =	stream.indirect.scatter.add.f32 [tilespmem:s14], [sflag:$0x3], $0x80, s29, s13, $0xb8;
	[tilespmem:$0x1E400] =	vst v63  }
0x5f: {  	_ =	swait.ge [sflag:s17], $0x4000  }
0x60: {  	[sflag:s17] =	ssyncset.done $0x0  }
0x61: {  	s30 =	simm.s32 $0x1480;
	[sflag:s17] =	ssyncadd.s32 $0xFFFFC000  }
0x62: {  	[spmem:s2] =	stream.indirect.scatter.add.f32 [tilespmem:s15], [sflag:$0x4], $0x80, s30, s13, $0xb8;
	[tilespmem:$0x1E400] =	vst v63  }
0x63: {  	_ =	swait.ge [sflag:s18], $0x4000  }
0x64: {  	[sflag:s18] =	ssyncset.done $0x0  }
0x65: {  	s31 =	simm.s32 $0x100;
	[sflag:s18] =	ssyncadd.s32 $0xFFFFC000  }
0x66: {  	[tilespmem:s14], [sflag:$0x1] =	stream.indirect.gather [hbm4b:s4+s13], $0x80, s31, s13, $0xb8;
	[tilespmem:$0x1E400] =	vst v63  }
0x67: {  	_ =	swait.ge [sflag:s19], $0x4000  }
0x68: {  	[sflag:s19] =	ssyncset.done $0x0  }
0x69: {  	s28 =	simm.s32 $0x180;
	s26 =	simm.s32 $0x400;
	[sflag:s19] =	ssyncadd.s32 $0xFFFFC000  }
.LBB2_4:
0x6a: {  	[tilespmem:s15], [sflag:$0x2] =	stream.indirect.gather [hbm4b:s4+s13], $0x80, s28, s13, $0xb8;
	[tilespmem:$0x1E400] =	vst v63  }
0x6b: {  	s28 =	smov.u32 s26  }
0x6c: {  	p0 =	sne.s32 s26, $0x4800;
	s26 =	sadd.s32 $0x400, s26;
	_ =	swait.ge [sflag:s16], $0x4000  }
0x6d: {  	s28 =	sshra.s32 s28, $0x2;
	[sflag:s16] =	ssyncset.done $0x0  }
0x6e: {  	s29 =	sadd.s32 $0x1400, s28;
	[sflag:s16] =	ssyncadd.s32 $0xFFFFC000  }
0x6f: {  	[spmem:s2] =	stream.indirect.scatter.add.f32 [tilespmem:s14], [sflag:$0x3], $0x80, s29, s13, $0xb8;
	[tilespmem:$0x1E400] =	vst v63  }
0x70: {  	_ =	swait.ge [sflag:s17], $0x4000  }
0x71: {  	[sflag:s17] =	ssyncset.done $0x0  }
0x72: {  	s29 =	sadd.s32 $0x1480, s28;
	[sflag:s17] =	ssyncadd.s32 $0xFFFFC000  }
0x73: {  	[spmem:s2] =	stream.indirect.scatter.add.f32 [tilespmem:s15], [sflag:$0x4], $0x80, s29, s13, $0xb8;
	[tilespmem:$0x1E400] =	vst v63  }
0x74: {  	_ =	swait.ge [sflag:s18], $0x4000  }
0x75: {  	[sflag:s18] =	ssyncset.done $0x0  }
.Ltmp1:
0x76: {  	s29 =	sadd.s32 $0x100, s28;
	[sflag:s18] =	ssyncadd.s32 $0xFFFFC000;
	(pc) =	sbr.rel @p0 .LBB2_4-.Ltmp1, $4  }
0x77: {  	[tilespmem:s14], [sflag:$0x1] =	stream.indirect.gather [hbm4b:s4+s13], $0x80, s29, s13, $0xb8;
	[tilespmem:$0x1E400] =	vst v63  }
0x78: {  	_ =	swait.ge [sflag:s19], $0x4000  }
0x79: {  	[sflag:s19] =	ssyncset.done $0x0  }
0x7a: {  	s28 =	sadd.s32 $0x180, s28;
	[sflag:s19] =	ssyncadd.s32 $0xFFFFC000  }
0x7b: {  	[tilespmem:s15], [sflag:$0x2] =	stream.indirect.gather [hbm4b:s4+s13], $0x80, s28, s13, $0xb8;
	[tilespmem:$0x1E400] =	vst v63  }
0x7c: {  	_ =	swait.ge [sflag:s16], $0x4000  }
0x7d: {  	[sflag:s16] =	ssyncset.done $0x0  }
0x7e: {  	[sflag:s16] =	ssyncadd.s32 $0xFFFFC000  }
0x7f: {  	[spmem:s2] =	stream.indirect.scatter.add.f32 [tilespmem:s14], [sflag:$0x3], $0x80, s20, s13, $0xb8;
	[tilespmem:$0x1E400] =	vst v63  }
0x80: {  	_ =	swait.ge [sflag:s17], $0x4000  }
0x81: {  	[sflag:s17] =	ssyncset.done $0x0  }
0x82: {  	[sflag:s17] =	ssyncadd.s32 $0xFFFFC000  }
0x83: {  	[spmem:s2] =	stream.indirect.scatter.add.f32 [tilespmem:s15], [sflag:$0x4], $0x80, s21, s13, $0xb8;
	[tilespmem:$0x1E400] =	vst v63  }
0x84: {  	_ =	swait.ge [sflag:s18], $0x4000  }
0x85: {  	[sflag:s18] =	ssyncset.done $0x0  }
0x86: {  	[sflag:s18] =	ssyncadd.s32 $0xFFFFC000  }
0x87: {  	_ =	swait.ge [sflag:s19], $0x4000  }
0x88: {  	s25 =	sadd.s32 $0x1, s25;
	[sflag:s19] =	ssyncset.done $0x0  }
0x89: {  	p0 =	sne.s32 s25, s9;
	[sflag:s19] =	ssyncadd.s32 $0xFFFFC000  }
.Ltmp2:
0x8a: {  	[bflag:$0x0] =	sbarrier.arrive $0xFFFF;
	(pc) =	sbr.rel @p0 .LBB2_1-.Ltmp2, $4  }
0x8b: {  	[hbm:s24], [sflag:s6] =	dma.local [spmem:s10], $0x2780  }
0x8c: {  	_ =	swait.ge [sflag:s11], $0x2780  }
0x8d: {  	[sflag:s11] =	ssyncset.done $0x0  }
0x8e: {  	[sflag:s11] =	ssyncadd.s32 $0xFFFFD880  }
0x8f: {  	_ =	sfence.sel $0x180000  }
0x90: {  	[bflag:$0x0] =	sbarrier.arrive $0xFFFF  }
0x91: {  	p0 =	sne.s32 s1, $0x0;
	_ =	strace $0x9000004A  }
0x92: {  	s0 =	sadd.s32 @!p0 $0x100000, s0;
	[bflag:$0x2] =	sbarrier.arrive $0xFFFF  }
0x93: {  	[sflag:s0] =	ssyncadd.tile.s32 @!p0 $0x1;
	_ =	shalt  }
.Lfunc_end2:
_tile_overlayer_lowered:
.L_overlay_start_2:
0x94: {  	(tag) =	ssettag $0x2  }
0x95: {  	s0 =	rddreg [dreg:$0x0];
	s2 =	stileid.u32  }
0x96: {  	s1 =	rddreg [dreg:$0x1];
	p0 =	sne.s32 s2, $0x0  }
0x97: {  	s3 =	rddreg [dreg:$0x2];
	[bflag:$0x3] =	sbarrier.arrive $0xFFFF;
	s2 =	simm.s32 @!p0 $0x1C05  }
0x98: {  	[timem:s3], [sflag:s2] =	dma.local @!p0 [hbm:s0], s1  }
0x99: {  	s0 =	simm.s32 @!p0 $0x5  }
0x9a: {  	_ =	swait.ge @!p0 [sflag:s0], s1  }
0x9b: {  	s1 =	ssub.s32 @!p0 $0x0, s1;
	[sflag:s0] =	ssyncset.done @!p0 $0x0  }
0x9c: {  	[sflag:s0] =	ssyncadd.s32 @!p0 s1  }
0x9d: {  	[bflag:$0x3] =	sbarrier.arrive $0xFFFF  }
0x9e: {  	_ =	shalt  }

// kernel: kernel.16.cloned.1.call-start
scs
__scs_entry_jumppad:
0x0: {  	(pc) =	sbr.rel $0x88, $3  }
0x1: {  	(tag) =	ssettag $0x0;
	lr =	simm.s32 $0x1  }
0x2: {  	[smem:$0x3F98] =	sst lr;
	_ =	strace $0xD0000000  }
0x3: {  	_ = 	snop  }
0x4: {  	_ = 	snop  }
0x5: {  	_ = 	snop  }
0x6: {  	_ = 	snop  }
0x7: {  	_ = 	snop  }
__scs_overlays_trampoline_lowered:
0x8: {  	[smem:$0x3FA7] =	sst s0  }
0x9: {  	[smem:$0x3FA8] =	sst s1  }
0xa: {  	[smem:$0x3FA9] =	sst s2  }
0xb: {  	[smem:$0x3FAA] =	sst s3  }
0xc: {  	[smem:$0x3FAB] =	sst s4  }
0xd: {  	[smem:$0x3FAC] =	sst s5  }
0xe: {  	[smem:$0x3FAD] =	sst s6  }
0xf: {  	[smem:$0x3FAE] =	sst s7  }
0x10: {  	[smem:$0x3FAF] =	sst s8  }
0x11: {  	[smem:$0x3FB0] =	sst s9;
	s0 =	simm.s32 @!p0 $0x0  }
0x12: {  	s1 =	sld [smem:$0x3F96];
	s0 =	simm.s32 @p0 $0x1  }
0x13: {  	[smem:$0x3FB1] =	sst s0;
	s0 =	simm.s32 @!p1 $0x0  }
0x14: {  	s2 =	sld [smem:$0x3F95];
	s0 =	simm.s32 @p1 $0x1  }
0x15: {  	[smem:$0x3FB2] =	sst s0;
	s0 =	simm.s32 @!p2 $0x0  }
0x16: {  	s3 =	sld [smem:$0x3FDB];
	s0 =	simm.s32 @p2 $0x1  }
0x17: {  	s4 =	simm.s32 $0x1BF5;
	[smem:$0x3FB4] =	sst s0  }
0x18: {  	s0 =	sld [smem:$0x3F97];
	_ =	swait.ge [sflag:s4], $0x0  }
0x19: {  	s7 =	sld [smem:$0x3F98]  }
0x1a: {  	s8 =	sadd.s32 $0xFFFFE003, lr  }
0x1b: {  	s9 =	sadd.s32 $0xFFFFFEF7, lr;
	s5 =	simm.s32 $0xFFFFFFFF;
	p2 =	slt.u32 s8, $0xFFFFF086  }
0x1c: {  	p1 =	slt.u32 s9, $0xF7A;
	s5 =	simm.s32 @!p2 $0x0  }
0x1d: {  	s5 =	simm.s32 @p1 $0x1;
	p0 =	seq.s32 s7, s2  }
0x1e: {  	s7 =	smul.u32 @!p0 $0xF7A, s2;
	p2 =	seq.s32 @!p0 s5, $0x0  }
0x1f: {  	s9 =	smul.u32 $0xF7A, s1;
	s8 =	simm.s32 @!p0 $0x1BF5;
	p2 =	por !p2, p0  }
0x20: {  	[sflag:s8] =	ssyncset.s32 @!p0 $0xFFFFF086;
	s6 =	sadd.s32 @!p0 s3, s7;
	s7 =	simm.s32 @!p0 $0x108  }
0x21: {  	s3 =	sadd.s32 s3, s9;
	s6 =	sadd.s32 @!p0 $0x88, s6;
	s7 =	simm.s32 @p2 $0x1082  }
0x22: {  	[simem:s7], [sflag:s8] =	dma.local @!p0 [hbm:s6], $0xF7A  }
0x23: {  	s9 =	sor.u32 $0xD0000000, s2;
	s6 =	simm.s32 $0x108;
	_ =	swait.ge @!p0 [sflag:s8], $0x0  }
0x24: {  	s3 =	sadd.s32 $0x88, s3;
	s6 =	simm.s32 @!p1 $0x1082;
	[sflag:s4] =	ssyncset.s32 $0xFFFFF086  }
0x25: {  	[simem:s6], [sflag:s4] =	dma.local [hbm:s3], $0xF7A  }
0x26: {  	[smem:$0x3F98] =	sst s1;
	(tag) =	ssettag s2;
	_ =	strace s9  }
0x27: {  	s1 =	sld [smem:$0x3FA8]  }
0x28: {  	s2 =	sld [smem:$0x3FA9]  }
0x29: {  	s4 =	sld [smem:$0x3FAB]  }
0x2a: {  	p0 =	seq.s32 s5, $0x0;
	s5 =	sld [smem:$0x3FAC]  }
0x2b: {  	s6 =	sld [smem:$0x3FAD]  }
0x2c: {  	s7 =	sld [smem:$0x3FAE]  }
0x2d: {  	s3 =	simm.s32 $0x108;
	s8 =	sld [smem:$0x3FAF]  }
0x2e: {  	s3 =	simm.s32 @!p0 $0x1082;
	s9 =	sld [smem:$0x3FB0]  }
0x2f: {  	lr =	sadd.s32 s0, s3;
	s0 =	sld [smem:$0x3FA7]  }
0x30: {  	s3 =	sld [smem:$0x3FAA]  }
0x31: {  	[smem:$0x3FB3] =	sst s10  }
0x32: {  	s10 =	sld [smem:$0x3FB1];
	_ =	sdelay $0x3  }
0x33: {  	p0 =	seq.s32 s10, $0x1;
	s10 =	sld [smem:$0x3FB3];
	_ =	sdelay $0x3  }
0x34: {  	[smem:$0x3FB3] =	sst s10  }
0x35: {  	s10 =	sld [smem:$0x3FB2];
	_ =	sdelay $0x3  }
0x36: {  	p1 =	seq.s32 s10, $0x1;
	s10 =	sld [smem:$0x3FB3];
	_ =	sdelay $0x3  }
0x37: {  	[smem:$0x3FB3] =	sst s10  }
0x38: {  	s10 =	sld [smem:$0x3FB4]  }
0x39: {  	_ = 	snop;
	(pc) =	sbr.ind lr, $3  }
0x3a: {  	_ = 	snop  }
0x3b: {  	_ = 	snop  }
0x3c: {  	p2 =	seq.s32 s10, $0x1;
	s10 =	sld [smem:$0x3FB3]  }
0x3d: {  	_ =	shalt  }
0x3e: {  	_ =	shalt  }
0x3f: {  	_ =	shalt  }
0x40: {  	_ =	shalt  }
0x41: {  	_ =	shalt  }
0x42: {  	_ =	shalt  }
0x43: {  	_ =	shalt  }
0x44: {  	_ =	shalt  }
0x45: {  	_ =	shalt  }
0x46: {  	_ =	shalt  }
0x47: {  	_ =	shalt  }
0x48: {  	_ =	shalt  }
0x49: {  	_ =	shalt  }
0x4a: {  	_ =	shalt  }
0x4b: {  	_ =	shalt  }
0x4c: {  	_ =	shalt  }
0x4d: {  	_ =	shalt  }
0x4e: {  	_ =	shalt  }
0x4f: {  	_ =	shalt  }
0x50: {  	_ =	shalt  }
0x51: {  	_ =	shalt  }
0x52: {  	_ =	shalt  }
0x53: {  	_ =	shalt  }
0x54: {  	_ =	shalt  }
0x55: {  	_ =	shalt  }
0x56: {  	_ =	shalt  }
0x57: {  	_ =	shalt  }
0x58: {  	_ =	shalt  }
0x59: {  	_ =	shalt  }
0x5a: {  	_ =	shalt  }
0x5b: {  	_ =	shalt  }
0x5c: {  	_ =	shalt  }
0x5d: {  	_ =	shalt  }
0x5e: {  	_ =	shalt  }
0x5f: {  	_ =	shalt  }
0x60: {  	_ =	shalt  }
0x61: {  	_ =	shalt  }
0x62: {  	_ =	shalt  }
0x63: {  	_ =	shalt  }
0x64: {  	_ =	shalt  }
0x65: {  	_ =	shalt  }
0x66: {  	_ =	shalt  }
0x67: {  	_ =	shalt  }
0x68: {  	_ =	shalt  }
0x69: {  	_ =	shalt  }
0x6a: {  	_ =	shalt  }
0x6b: {  	_ =	shalt  }
0x6c: {  	_ =	shalt  }
0x6d: {  	_ =	shalt  }
0x6e: {  	_ =	shalt  }
0x6f: {  	_ =	shalt  }
0x70: {  	_ =	shalt  }
0x71: {  	_ =	shalt  }
0x72: {  	_ =	shalt  }
0x73: {  	_ =	shalt  }
0x74: {  	_ =	shalt  }
0x75: {  	_ =	shalt  }
0x76: {  	_ =	shalt  }
0x77: {  	_ =	shalt  }
0x78: {  	_ =	shalt  }
0x79: {  	_ =	shalt  }
0x7a: {  	_ =	shalt  }
0x7b: {  	_ =	shalt  }
0x7c: {  	_ =	shalt  }
0x7d: {  	_ =	shalt  }
0x7e: {  	_ =	shalt  }
0x7f: {  	_ =	shalt  }
0x80: {  	_ =	shalt  }
0x81: {  	_ =	shalt  }
0x82: {  	_ =	shalt  }
0x83: {  	_ =	shalt  }
0x84: {  	_ =	shalt  }
0x85: {  	_ =	shalt  }
0x86: {  	_ =	shalt  }
0x87: {  	_ =	shalt  }
.Lfunc_end0:
.L_simem_size_0:
called_computation.2_lowered:
.L_overlay_start_0:
0x88: {  	s2 =	sld [smem:$0x3FD9]  }
0x89: {  	s3 =	sld [smem:$0x3FFE];
	_ =	sdelay $0x1  }
0x8a: {  	s1 =	srdreg.scid  }
0x8b: {  	s0 =	sand.u32 $0x1, s1  }
0x8c: {  	s16 =	sshll.u32 s0, $0xA;
	s2 =	sadd.s32 s3, s2  }
0x8d: {  	s2 =	sadd.s32 s2, s16  }
0x8e: {  	[smem:$0x3FBF] =	sst s2  }
0x8f: {  	_ = 	snop  }
0x90: {  	(tm) =	ssettm $0x1  }
0x91: {  	s17 =	sld [smem:$0x3FFB];
	_ =	sdelay $0x3  }
0x92: {  	_ =	strace s17  }
0x93: {  	s2 =	sld [smem:$0x3FFC];
	_ =	sdelay $0x3  }
0x94: {  	_ =	strace s2  }
0x95: {  	s2 =	sld [smem:$0x3FFD];
	_ =	sdelay $0x3  }
0x96: {  	_ =	strace s2  }
0x97: {  	_ =	strace $0x8FFFFFFF  }
0x98: {  	s18 =	sld [smem:$0x3FDB];
	_ =	sdelay $0x1  }
0x99: {  	s19 =	simm.s32 $_scs_section_size  }
0x9a: {  	s4 =	simm.s32 $_size__tile_overlayer_lowered;
	s5 =	simm.s32 $_tile_overlayer_lowered  }
0x9b: {  	s22 =	simm.s32 $0x1BFF;
	s21 =	sshll.u32 s5, $0x1;
	s2 =	sadd.s32 s19, s18  }
0x9c: {  	s6 =	simm.s32 $0x0;
	s20 =	sshll.u32 s4, $0x1;
	s4 =	sadd.s32 s21, s2  }
0x9d: {  	[timem:s6], [sflag:s22] =	dma.local [hbm:s4], s20  }
0x9e: {  	_ =	swait.ge [sflag:s22], s20  }
0x9f: {  	s3 =	ssub.s32 $0x0, s20;
	[sflag:s22] =	ssyncset.done $0x0  }
0xa0: {  	[sflag:s22] =	ssyncadd.s32 s3;
	_ =	sdelay $0x1  }
0xa1: {  	s23 =	simm.s32 $0x1B8B  }
0xa2: {  	_ =	swait.ge [sflag:s23], $0x1  }
0xa3: {  	[sflag:s23] =	ssyncset.done $0x0  }
0xa4: {  	s25 =	simm.s32 $0x1B8E;
	s24 =	sld [smem:$0x3FFE];
	[sflag:s23] =	ssyncadd.s32 $0xFFFFFFFF  }
0xa5: {  	s26 =	simm.s32 $execute0_lowered;
	[smem:$0x3FD2] =	sst s25  }
0xa6: {  	s4 =	sshll.u32 s26, $0x1;
	_ =	strace $0x8000004C;
	[dreg:$0x1] =	wrdreg $0xFFFFFFFF  }
0xa7: {  	s28 =	simm.s32 $_size_execute0_lowered;
	s2 =	sadd.s32 s2, s4;
	[dreg:$0x0] =	wrdreg $0x0  }
0xa8: {  	s4 =	sshll.u32 s28, $0x1;
	[dreg:$0x2] =	wrdreg s2  }
0xa9: {  	[dreg:$0x3] =	wrdreg s4  }
0xaa: {  	[dreg:$0x4] =	wrdreg $0xC0  }
0xab: {  	_ =	task [dreg:s6], $0x5FFFF  }
0xac: {  	[dreg:$0x1] =	wrdreg $0xFFFFFFFF  }
0xad: {  	[dreg:$0x0] =	wrdreg $0x60  }
0xae: {  	[dreg:$0x2] =	wrdreg s24  }
0xaf: {  	[dreg:$0x3] =	wrdreg $0xA8000  }
0xb0: {  	[dreg:$0x4] =	wrdreg $0x9  }
0xb1: {  	_ =	task.clear_ibuf [dreg:s6], $0x5FFFF;
	_ =	strace $0x9000004C  }
0xb2: {  	s29 =	simm.s32 $0x9;
	_ =	strace $0x8000004E  }
0xb3: {  	_ =	swait.ge [sflag:s29], $0x1  }
0xb4: {  	[sflag:s29] =	ssyncadd.s32 $0xFFFFFFFF  }
0xb5: {  	_ =	strace $0x9000004E  }
0xb6: {  	_ =	sfence  }
0xb7: {  	s30 =	sld [smem:$0x0];
	_ =	sdelay $0x2  }
0xb8: {  	s31 =	sshll.u32 s1, $0xD;
	s1 =	sshrl.u32 s1, $0x2  }
0xb9: {  	s3 =	sand.u32 $0x4000, s31;
	s1 =	sadd.s32 s1, s30  }
0xba: {  	s0 =	sor.u32 s3, s0;
	s1 =	sshll.u32 s1, $0x11  }
0xbb: {  	s0 =	sor.u32 s1, s0  }
0xbc: {  	s0 =	sadd.s32 $0x8F2B, s0  }
0xbd: {  	[sflag:s0] =	ssyncadd.remote.s32 $0x1  }
0xbe: {  	_ =	sfence.sel $0xFFFF  }
0xbf: {  	[dreg:$0x0] =	wrdreg $0xFFFFFFFF;
	(pc) =	sbr.abs _section_cstart, $3  }
0xc0: {  	[dreg:$0x1] =	wrdreg $0xFFFFFFFF  }
0xc1: {  	_ =	task.clear_ibuf [dreg:s6], $0x2FFFF;
	_ =	strace $0x9FFFFFFF  }
0xc2: {  	(tm) =	ssettm $0x7FFFFFFF  }
0xc3: {  	_ =	shalt  }
tec
execute0_lowered:
.L_overlay_start_1:
0x0: {  	(tag) =	ssettag $0x1  }
0x1: {  	s0 =	srdreg.scid;
	s6 =	rddreg [dreg:$0x0]  }
0x2: {  	s2 =	rddreg [dreg:$0x1];
	s1 =	stileid.u32  }
0x3: {  	s3 =	simm.s32 $0x0;
	s14 =	simm.s32 $0x2800;
	s15 =	simm.s32 $0x6800  }
0x4: {  	s16 =	simm.s32 $0x1;
	s17 =	simm.s32 $0x2;
	s18 =	simm.s32 $0x3  }
0x5: {  	s19 =	simm.s32 $0x4;
	s20 =	simm.s32 $0x2700;
	s21 =	simm.s32 $0x2780  }
0x6: {  	s7 =	sand.u32 $0x1, s0;
	s0 =	rddreg [dreg:$0x2];
	s10 =	smul.u32 $0x4F000, s1  }
0x7: {  	[smem:$0x7FF] =	sst s3;
	s31 =	sshll.u32 s1, $0x6;
	s25 =	smul.u32 $0x2780, s1  }
0x8: {  	s4 =	sshll.u32 s7, $0x4;
	_ =	strace $0x8000004D;
	s29 =	ssub.s32 $0x2, s7  }
0x9: {  	s8 =	smul.u32 $0x27800, s7;
	s4 =	sor.u32 s1, s4;
	s7 =	sshrl.u32 s29, $0x1  }
0xa: {  	s30 =	sshrl.u32 s10, $0x2;
	s5 =	smul.u32 $0x500, s4;
	s4 =	sadd.s32 $0xFE00, s6  }
0xb: {  	s11 =	sadd.s32 s8, s6;
	s12 =	ssub.s32 s29, s7;
	s13 =	sadd.s32 s30, s2  }
0xc: {  	s24 =	sadd.s32 $0x69600, s11;
	s10 =	sshrl.u32 s13, $0x3;
	s11 =	simm.s32 $0x5  }
0xd: {  	s13 =	simm.s32 $0x80;
	s9 =	sadd.s32 s5, s6;
	s5 =	sadd.s32 $0xD600, s6  }
0xe: {  	s6 =	sor.u32 $0x1C05, s31;
	s24 =	sadd.s32 s25, s24;
	s25 =	simm.s32 $0x0  }
0xf: {  	s7 =	sadd.s32 $0x5F600, s9;
	s8 =	sadd.s32 $0x3600, s9;
	s9 =	smax.u32 s12, $0x1  }
0x10: {  	s12 =	simm.s32 $0x1400;
	s22 =	sadd.s32 $0x280, s7;
	s23 =	sadd.s32 $0x280, s8  }
.LBB2_1:
0x11: {  	[spmem:s10], [sflag:s6] =	dma.local [hbm:s5], $0x2780  }
0x12: {  	_ =	swait.ge [sflag:s11], $0x2780  }
0x13: {  	[sflag:s11] =	ssyncset.done $0x0  }
0x14: {  	[sflag:s11] =	ssyncadd.s32 $0xFFFFD880  }
0x15: {  	[bflag:$0x0] =	sbarrier.arrive $0xFFFF  }
0x16: {  	[tilespmem:s3], [sflag:$0x5] =	stream.linear.gather [hbm4b:s7+s3], $0x1400, $0x38;
	[tilespmem:$0x1E400] =	vst v63  }
0x17: {  	_ =	swait.ge [sflag:s11], $0x1400  }
0x18: {  	[sflag:s11] =	ssyncset.done $0x0  }
0x19: {  	[sflag:s11] =	ssyncadd.s32 $0xFFFFEC00  }
0x1a: {  	[tilespmem:s12], [sflag:$0x5] =	stream.linear.gather [hbm4b:s8+s3], $0x1400, $0x38;
	[tilespmem:$0x1E400] =	vst v63  }
0x1b: {  	_ =	swait.ge [sflag:s11], $0x1400  }
0x1c: {  	[sflag:s11] =	ssyncset.done $0x0  }
0x1d: {  	[sflag:s11] =	ssyncadd.s32 $0xFFFFEC00  }
0x1e: {  	[tilespmem:s14], [sflag:$0x1] =	stream.indirect.gather [hbm4b:s4+s13], $0x80, s3, s13, $0xb8;
	[tilespmem:$0x1E400] =	vst v63  }
0x1f: {  	_ = 	snop  }
0x20: {  	[tilespmem:s15], [sflag:$0x2] =	stream.indirect.gather [hbm4b:s4+s13], $0x80, s13, s13, $0xb8;
	[tilespmem:$0x1E400] =	vst v63  }
0x21: {  	_ =	swait.ge [sflag:s16], $0x4000  }
0x22: {  	[sflag:s16] =	ssyncset.done $0x0  }
0x23: {  	s26 =	simm.s32 $0x1400;
	[sflag:s16] =	ssyncadd.s32 $0xFFFFC000  }
0x24: {  	[spmem:s2] =	stream.indirect.scatter.add.f32 [tilespmem:s14], [sflag:$0x3], $0x80, s26, s13, $0xb8;
	[tilespmem:$0x1E400] =	vst v63  }
0x25: {  	_ =	swait.ge [sflag:s17], $0x4000  }
0x26: {  	[sflag:s17] =	ssyncset.done $0x0  }
0x27: {  	s30 =	simm.s32 $0x1480;
	[sflag:s17] =	ssyncadd.s32 $0xFFFFC000  }
0x28: {  	[spmem:s2] =	stream.indirect.scatter.add.f32 [tilespmem:s15], [sflag:$0x4], $0x80, s30, s13, $0xb8;
	[tilespmem:$0x1E400] =	vst v63  }
0x29: {  	_ =	swait.ge [sflag:s18], $0x4000  }
0x2a: {  	[sflag:s18] =	ssyncset.done $0x0  }
0x2b: {  	s31 =	simm.s32 $0x100;
	[sflag:s18] =	ssyncadd.s32 $0xFFFFC000  }
0x2c: {  	[tilespmem:s14], [sflag:$0x1] =	stream.indirect.gather [hbm4b:s4+s13], $0x80, s31, s13, $0xb8;
	[tilespmem:$0x1E400] =	vst v63  }
0x2d: {  	_ =	swait.ge [sflag:s19], $0x4000  }
0x2e: {  	[sflag:s19] =	ssyncset.done $0x0  }
0x2f: {  	s28 =	simm.s32 $0x180;
	s26 =	simm.s32 $0x400;
	[sflag:s19] =	ssyncadd.s32 $0xFFFFC000  }
.LBB2_2:
0x30: {  	[tilespmem:s15], [sflag:$0x2] =	stream.indirect.gather [hbm4b:s4+s13], $0x80, s28, s13, $0xb8;
	[tilespmem:$0x1E400] =	vst v63  }
0x31: {  	s28 =	smov.u32 s26  }
0x32: {  	p0 =	sne.s32 s26, $0x4800;
	s26 =	sadd.s32 $0x400, s26;
	_ =	swait.ge [sflag:s16], $0x4000  }
0x33: {  	s28 =	sshra.s32 s28, $0x2;
	[sflag:s16] =	ssyncset.done $0x0  }
0x34: {  	s29 =	sadd.s32 $0x1400, s28;
	[sflag:s16] =	ssyncadd.s32 $0xFFFFC000  }
0x35: {  	[spmem:s2] =	stream.indirect.scatter.add.f32 [tilespmem:s14], [sflag:$0x3], $0x80, s29, s13, $0xb8;
	[tilespmem:$0x1E400] =	vst v63  }
0x36: {  	_ =	swait.ge [sflag:s17], $0x4000  }
0x37: {  	[sflag:s17] =	ssyncset.done $0x0  }
0x38: {  	s29 =	sadd.s32 $0x1480, s28;
	[sflag:s17] =	ssyncadd.s32 $0xFFFFC000  }
0x39: {  	[spmem:s2] =	stream.indirect.scatter.add.f32 [tilespmem:s15], [sflag:$0x4], $0x80, s29, s13, $0xb8;
	[tilespmem:$0x1E400] =	vst v63  }
0x3a: {  	_ =	swait.ge [sflag:s18], $0x4000  }
0x3b: {  	[sflag:s18] =	ssyncset.done $0x0  }
.Ltmp0:
0x3c: {  	s29 =	sadd.s32 $0x100, s28;
	[sflag:s18] =	ssyncadd.s32 $0xFFFFC000;
	(pc) =	sbr.rel @p0 .LBB2_2-.Ltmp0, $4  }
0x3d: {  	[tilespmem:s14], [sflag:$0x1] =	stream.indirect.gather [hbm4b:s4+s13], $0x80, s29, s13, $0xb8;
	[tilespmem:$0x1E400] =	vst v63  }
0x3e: {  	_ =	swait.ge [sflag:s19], $0x4000  }
0x3f: {  	[sflag:s19] =	ssyncset.done $0x0  }
0x40: {  	s28 =	sadd.s32 $0x180, s28;
	[sflag:s19] =	ssyncadd.s32 $0xFFFFC000  }
0x41: {  	[tilespmem:s15], [sflag:$0x2] =	stream.indirect.gather [hbm4b:s4+s13], $0x80, s28, s13, $0xb8;
	[tilespmem:$0x1E400] =	vst v63  }
0x42: {  	_ =	swait.ge [sflag:s16], $0x4000  }
0x43: {  	[sflag:s16] =	ssyncset.done $0x0  }
0x44: {  	[sflag:s16] =	ssyncadd.s32 $0xFFFFC000  }
0x45: {  	[spmem:s2] =	stream.indirect.scatter.add.f32 [tilespmem:s14], [sflag:$0x3], $0x80, s20, s13, $0xb8;
	[tilespmem:$0x1E400] =	vst v63  }
0x46: {  	_ =	swait.ge [sflag:s17], $0x4000  }
0x47: {  	[sflag:s17] =	ssyncset.done $0x0  }
0x48: {  	[sflag:s17] =	ssyncadd.s32 $0xFFFFC000  }
0x49: {  	[spmem:s2] =	stream.indirect.scatter.add.f32 [tilespmem:s15], [sflag:$0x4], $0x80, s21, s13, $0xb8;
	[tilespmem:$0x1E400] =	vst v63  }
0x4a: {  	_ =	swait.ge [sflag:s18], $0x4000  }
0x4b: {  	[sflag:s18] =	ssyncset.done $0x0  }
0x4c: {  	[sflag:s18] =	ssyncadd.s32 $0xFFFFC000  }
0x4d: {  	_ =	swait.ge [sflag:s19], $0x4000  }
0x4e: {  	[sflag:s19] =	ssyncset.done $0x0  }
0x4f: {  	s26 =	simm.s32 $0x0;
	[sflag:s19] =	ssyncadd.s32 $0xFFFFC000  }
0x50: {  	[tilespmem:s26], [sflag:$0x5] =	stream.linear.gather [hbm4b:s22+s26], $0x1400, $0x38;
	[tilespmem:$0x1E400] =	vst v63  }
0x51: {  	_ =	swait.ge [sflag:s11], $0x1400  }
0x52: {  	[sflag:s11] =	ssyncset.done $0x0  }
0x53: {  	[sflag:s11] =	ssyncadd.s32 $0xFFFFEC00  }
0x54: {  	[tilespmem:s12], [sflag:$0x5] =	stream.linear.gather [hbm4b:s23+s26], $0x1400, $0x38;
	[tilespmem:$0x1E400] =	vst v63  }
0x55: {  	_ =	swait.ge [sflag:s11], $0x1400  }
0x56: {  	[sflag:s11] =	ssyncset.done $0x0  }
0x57: {  	[sflag:s11] =	ssyncadd.s32 $0xFFFFEC00  }
0x58: {  	[tilespmem:s14], [sflag:$0x1] =	stream.indirect.gather [hbm4b:s4+s13], $0x80, s26, s13, $0xb8;
	[tilespmem:$0x1E400] =	vst v63  }
0x59: {  	_ = 	snop  }
0x5a: {  	[tilespmem:s15], [sflag:$0x2] =	stream.indirect.gather [hbm4b:s4+s13], $0x80, s13, s13, $0xb8;
	[tilespmem:$0x1E400] =	vst v63  }
0x5b: {  	_ =	swait.ge [sflag:s16], $0x4000  }
0x5c: {  	[sflag:s16] =	ssyncset.done $0x0  }
0x5d: {  	s29 =	simm.s32 $0x1400;
	[sflag:s16] =	ssyncadd.s32 $0xFFFFC000  }
0x5e: {  	[spmem:s2] =	stream.indirect.scatter.add.f32 [tilespmem:s14], [sflag:$0x3], $0x80, s29, s13, $0xb8;
	[tilespmem:$0x1E400] =	vst v63  }
0x5f: {  	_ =	swait.ge [sflag:s17], $0x4000  }
0x60: {  	[sflag:s17] =	ssyncset.done $0x0  }
0x61: {  	s30 =	simm.s32 $0x1480;
	[sflag:s17] =	ssyncadd.s32 $0xFFFFC000  }
0x62: {  	[spmem:s2] =	stream.indirect.scatter.add.f32 [tilespmem:s15], [sflag:$0x4], $0x80, s30, s13, $0xb8;
	[tilespmem:$0x1E400] =	vst v63  }
0x63: {  	_ =	swait.ge [sflag:s18], $0x4000  }
0x64: {  	[sflag:s18] =	ssyncset.done $0x0  }
0x65: {  	s31 =	simm.s32 $0x100;
	[sflag:s18] =	ssyncadd.s32 $0xFFFFC000  }
0x66: {  	[tilespmem:s14], [sflag:$0x1] =	stream.indirect.gather [hbm4b:s4+s13], $0x80, s31, s13, $0xb8;
	[tilespmem:$0x1E400] =	vst v63  }
0x67: {  	_ =	swait.ge [sflag:s19], $0x4000  }
0x68: {  	[sflag:s19] =	ssyncset.done $0x0  }
0x69: {  	s28 =	simm.s32 $0x180;
	s26 =	simm.s32 $0x400;
	[sflag:s19] =	ssyncadd.s32 $0xFFFFC000  }
.LBB2_4:
0x6a: {  	[tilespmem:s15], [sflag:$0x2] =	stream.indirect.gather [hbm4b:s4+s13], $0x80, s28, s13, $0xb8;
	[tilespmem:$0x1E400] =	vst v63  }
0x6b: {  	s28 =	smov.u32 s26  }
0x6c: {  	p0 =	sne.s32 s26, $0x4800;
	s26 =	sadd.s32 $0x400, s26;
	_ =	swait.ge [sflag:s16], $0x4000  }
0x6d: {  	s28 =	sshra.s32 s28, $0x2;
	[sflag:s16] =	ssyncset.done $0x0  }
0x6e: {  	s29 =	sadd.s32 $0x1400, s28;
	[sflag:s16] =	ssyncadd.s32 $0xFFFFC000  }
0x6f: {  	[spmem:s2] =	stream.indirect.scatter.add.f32 [tilespmem:s14], [sflag:$0x3], $0x80, s29, s13, $0xb8;
	[tilespmem:$0x1E400] =	vst v63  }
0x70: {  	_ =	swait.ge [sflag:s17], $0x4000  }
0x71: {  	[sflag:s17] =	ssyncset.done $0x0  }
0x72: {  	s29 =	sadd.s32 $0x1480, s28;
	[sflag:s17] =	ssyncadd.s32 $0xFFFFC000  }
0x73: {  	[spmem:s2] =	stream.indirect.scatter.add.f32 [tilespmem:s15], [sflag:$0x4], $0x80, s29, s13, $0xb8;
	[tilespmem:$0x1E400] =	vst v63  }
0x74: {  	_ =	swait.ge [sflag:s18], $0x4000  }
0x75: {  	[sflag:s18] =	ssyncset.done $0x0  }
.Ltmp1:
0x76: {  	s29 =	sadd.s32 $0x100, s28;
	[sflag:s18] =	ssyncadd.s32 $0xFFFFC000;
	(pc) =	sbr.rel @p0 .LBB2_4-.Ltmp1, $4  }
0x77: {  	[tilespmem:s14], [sflag:$0x1] =	stream.indirect.gather [hbm4b:s4+s13], $0x80, s29, s13, $0xb8;
	[tilespmem:$0x1E400] =	vst v63  }
0x78: {  	_ =	swait.ge [sflag:s19], $0x4000  }
0x79: {  	[sflag:s19] =	ssyncset.done $0x0  }
0x7a: {  	s28 =	sadd.s32 $0x180, s28;
	[sflag:s19] =	ssyncadd.s32 $0xFFFFC000  }
0x7b: {  	[tilespmem:s15], [sflag:$0x2] =	stream.indirect.gather [hbm4b:s4+s13], $0x80, s28, s13, $0xb8;
	[tilespmem:$0x1E400] =	vst v63  }
0x7c: {  	_ =	swait.ge [sflag:s16], $0x4000  }
0x7d: {  	[sflag:s16] =	ssyncset.done $0x0  }
0x7e: {  	[sflag:s16] =	ssyncadd.s32 $0xFFFFC000  }
0x7f: {  	[spmem:s2] =	stream.indirect.scatter.add.f32 [tilespmem:s14], [sflag:$0x3], $0x80, s20, s13, $0xb8;
	[tilespmem:$0x1E400] =	vst v63  }
0x80: {  	_ =	swait.ge [sflag:s17], $0x4000  }
0x81: {  	[sflag:s17] =	ssyncset.done $0x0  }
0x82: {  	[sflag:s17] =	ssyncadd.s32 $0xFFFFC000  }
0x83: {  	[spmem:s2] =	stream.indirect.scatter.add.f32 [tilespmem:s15], [sflag:$0x4], $0x80, s21, s13, $0xb8;
	[tilespmem:$0x1E400] =	vst v63  }
0x84: {  	_ =	swait.ge [sflag:s18], $0x4000  }
0x85: {  	[sflag:s18] =	ssyncset.done $0x0  }
0x86: {  	[sflag:s18] =	ssyncadd.s32 $0xFFFFC000  }
0x87: {  	_ =	swait.ge [sflag:s19], $0x4000  }
0x88: {  	s25 =	sadd.s32 $0x1, s25;
	[sflag:s19] =	ssyncset.done $0x0  }
0x89: {  	p0 =	sne.s32 s25, s9;
	[sflag:s19] =	ssyncadd.s32 $0xFFFFC000  }
.Ltmp2:
0x8a: {  	[bflag:$0x0] =	sbarrier.arrive $0xFFFF;
	(pc) =	sbr.rel @p0 .LBB2_1-.Ltmp2, $4  }
0x8b: {  	[hbm:s24], [sflag:s6] =	dma.local [spmem:s10], $0x2780  }
0x8c: {  	_ =	swait.ge [sflag:s11], $0x2780  }
0x8d: {  	[sflag:s11] =	ssyncset.done $0x0  }
0x8e: {  	[sflag:s11] =	ssyncadd.s32 $0xFFFFD880  }
0x8f: {  	_ =	sfence.sel $0x180000  }
0x90: {  	[bflag:$0x0] =	sbarrier.arrive $0xFFFF  }
0x91: {  	p0 =	sne.s32 s1, $0x0;
	_ =	strace $0x9000004D  }
0x92: {  	s0 =	sadd.s32 @!p0 $0x100000, s0;
	[bflag:$0x2] =	sbarrier.arrive $0xFFFF  }
0x93: {  	[sflag:s0] =	ssyncadd.tile.s32 @!p0 $0x1;
	_ =	shalt  }
.Lfunc_end2:
_tile_overlayer_lowered:
.L_overlay_start_2:
0x94: {  	(tag) =	ssettag $0x2  }
0x95: {  	s0 =	rddreg [dreg:$0x0];
	s2 =	stileid.u32  }
0x96: {  	s1 =	rddreg [dreg:$0x1];
	p0 =	sne.s32 s2, $0x0  }
0x97: {  	s3 =	rddreg [dreg:$0x2];
	[bflag:$0x3] =	sbarrier.arrive $0xFFFF;
	s2 =	simm.s32 @!p0 $0x1C05  }
0x98: {  	[timem:s3], [sflag:s2] =	dma.local @!p0 [hbm:s0], s1  }
0x99: {  	s0 =	simm.s32 @!p0 $0x5  }
0x9a: {  	_ =	swait.ge @!p0 [sflag:s0], s1  }
0x9b: {  	s1 =	ssub.s32 @!p0 $0x0, s1;
	[sflag:s0] =	ssyncset.done @!p0 $0x0  }
0x9c: {  	[sflag:s0] =	ssyncadd.s32 @!p0 s1  }
0x9d: {  	[bflag:$0x3] =	sbarrier.arrive $0xFFFF  }
0x9e: {  	_ =	shalt  }

// kernel: kernel.19.cloned.1.call-start
scs
__scs_entry_jumppad:
0x0: {  	(pc) =	sbr.rel $0x88, $3  }
0x1: {  	(tag) =	ssettag $0x0;
	lr =	simm.s32 $0x1  }
0x2: {  	[smem:$0x3F98] =	sst lr;
	_ =	strace $0xD0000000  }
0x3: {  	_ = 	snop  }
0x4: {  	_ = 	snop  }
0x5: {  	_ = 	snop  }
0x6: {  	_ = 	snop  }
0x7: {  	_ = 	snop  }
__scs_overlays_trampoline_lowered:
0x8: {  	[smem:$0x3FA7] =	sst s0  }
0x9: {  	[smem:$0x3FA8] =	sst s1  }
0xa: {  	[smem:$0x3FA9] =	sst s2  }
0xb: {  	[smem:$0x3FAA] =	sst s3  }
0xc: {  	[smem:$0x3FAB] =	sst s4  }
0xd: {  	[smem:$0x3FAC] =	sst s5  }
0xe: {  	[smem:$0x3FAD] =	sst s6  }
0xf: {  	[smem:$0x3FAE] =	sst s7  }
0x10: {  	[smem:$0x3FAF] =	sst s8  }
0x11: {  	[smem:$0x3FB0] =	sst s9;
	s0 =	simm.s32 @!p0 $0x0  }
0x12: {  	s1 =	sld [smem:$0x3F96];
	s0 =	simm.s32 @p0 $0x1  }
0x13: {  	[smem:$0x3FB1] =	sst s0;
	s0 =	simm.s32 @!p1 $0x0  }
0x14: {  	s2 =	sld [smem:$0x3F95];
	s0 =	simm.s32 @p1 $0x1  }
0x15: {  	[smem:$0x3FB2] =	sst s0;
	s0 =	simm.s32 @!p2 $0x0  }
0x16: {  	s3 =	sld [smem:$0x3FDB];
	s0 =	simm.s32 @p2 $0x1  }
0x17: {  	s4 =	simm.s32 $0x1BF5;
	[smem:$0x3FB4] =	sst s0  }
0x18: {  	s0 =	sld [smem:$0x3F97];
	_ =	swait.ge [sflag:s4], $0x0  }
0x19: {  	s7 =	sld [smem:$0x3F98]  }
0x1a: {  	s8 =	sadd.s32 $0xFFFFE003, lr  }
0x1b: {  	s9 =	sadd.s32 $0xFFFFFEF7, lr;
	s5 =	simm.s32 $0xFFFFFFFF;
	p2 =	slt.u32 s8, $0xFFFFF086  }
0x1c: {  	p1 =	slt.u32 s9, $0xF7A;
	s5 =	simm.s32 @!p2 $0x0  }
0x1d: {  	s5 =	simm.s32 @p1 $0x1;
	p0 =	seq.s32 s7, s2  }
0x1e: {  	s7 =	smul.u32 @!p0 $0xF7A, s2;
	p2 =	seq.s32 @!p0 s5, $0x0  }
0x1f: {  	s9 =	smul.u32 $0xF7A, s1;
	s8 =	simm.s32 @!p0 $0x1BF5;
	p2 =	por !p2, p0  }
0x20: {  	[sflag:s8] =	ssyncset.s32 @!p0 $0xFFFFF086;
	s6 =	sadd.s32 @!p0 s3, s7;
	s7 =	simm.s32 @!p0 $0x108  }
0x21: {  	s3 =	sadd.s32 s3, s9;
	s6 =	sadd.s32 @!p0 $0x88, s6;
	s7 =	simm.s32 @p2 $0x1082  }
0x22: {  	[simem:s7], [sflag:s8] =	dma.local @!p0 [hbm:s6], $0xF7A  }
0x23: {  	s9 =	sor.u32 $0xD0000000, s2;
	s6 =	simm.s32 $0x108;
	_ =	swait.ge @!p0 [sflag:s8], $0x0  }
0x24: {  	s3 =	sadd.s32 $0x88, s3;
	s6 =	simm.s32 @!p1 $0x1082;
	[sflag:s4] =	ssyncset.s32 $0xFFFFF086  }
0x25: {  	[simem:s6], [sflag:s4] =	dma.local [hbm:s3], $0xF7A  }
0x26: {  	[smem:$0x3F98] =	sst s1;
	(tag) =	ssettag s2;
	_ =	strace s9  }
0x27: {  	s1 =	sld [smem:$0x3FA8]  }
0x28: {  	s2 =	sld [smem:$0x3FA9]  }
0x29: {  	s4 =	sld [smem:$0x3FAB]  }
0x2a: {  	p0 =	seq.s32 s5, $0x0;
	s5 =	sld [smem:$0x3FAC]  }
0x2b: {  	s6 =	sld [smem:$0x3FAD]  }
0x2c: {  	s7 =	sld [smem:$0x3FAE]  }
0x2d: {  	s3 =	simm.s32 $0x108;
	s8 =	sld [smem:$0x3FAF]  }
0x2e: {  	s3 =	simm.s32 @!p0 $0x1082;
	s9 =	sld [smem:$0x3FB0]  }
0x2f: {  	lr =	sadd.s32 s0, s3;
	s0 =	sld [smem:$0x3FA7]  }
0x30: {  	s3 =	sld [smem:$0x3FAA]  }
0x31: {  	[smem:$0x3FB3] =	sst s10  }
0x32: {  	s10 =	sld [smem:$0x3FB1];
	_ =	sdelay $0x3  }
0x33: {  	p0 =	seq.s32 s10, $0x1;
	s10 =	sld [smem:$0x3FB3];
	_ =	sdelay $0x3  }
0x34: {  	[smem:$0x3FB3] =	sst s10  }
0x35: {  	s10 =	sld [smem:$0x3FB2];
	_ =	sdelay $0x3  }
0x36: {  	p1 =	seq.s32 s10, $0x1;
	s10 =	sld [smem:$0x3FB3];
	_ =	sdelay $0x3  }
0x37: {  	[smem:$0x3FB3] =	sst s10  }
0x38: {  	s10 =	sld [smem:$0x3FB4]  }
0x39: {  	_ = 	snop;
	(pc) =	sbr.ind lr, $3  }
0x3a: {  	_ = 	snop  }
0x3b: {  	_ = 	snop  }
0x3c: {  	p2 =	seq.s32 s10, $0x1;
	s10 =	sld [smem:$0x3FB3]  }
0x3d: {  	_ =	shalt  }
0x3e: {  	_ =	shalt  }
0x3f: {  	_ =	shalt  }
0x40: {  	_ =	shalt  }
0x41: {  	_ =	shalt  }
0x42: {  	_ =	shalt  }
0x43: {  	_ =	shalt  }
0x44: {  	_ =	shalt  }
0x45: {  	_ =	shalt  }
0x46: {  	_ =	shalt  }
0x47: {  	_ =	shalt  }
0x48: {  	_ =	shalt  }
0x49: {  	_ =	shalt  }
0x4a: {  	_ =	shalt  }
0x4b: {  	_ =	shalt  }
0x4c: {  	_ =	shalt  }
0x4d: {  	_ =	shalt  }
0x4e: {  	_ =	shalt  }
0x4f: {  	_ =	shalt  }
0x50: {  	_ =	shalt  }
0x51: {  	_ =	shalt  }
0x52: {  	_ =	shalt  }
0x53: {  	_ =	shalt  }
0x54: {  	_ =	shalt  }
0x55: {  	_ =	shalt  }
0x56: {  	_ =	shalt  }
0x57: {  	_ =	shalt  }
0x58: {  	_ =	shalt  }
0x59: {  	_ =	shalt  }
0x5a: {  	_ =	shalt  }
0x5b: {  	_ =	shalt  }
0x5c: {  	_ =	shalt  }
0x5d: {  	_ =	shalt  }
0x5e: {  	_ =	shalt  }
0x5f: {  	_ =	shalt  }
0x60: {  	_ =	shalt  }
0x61: {  	_ =	shalt  }
0x62: {  	_ =	shalt  }
0x63: {  	_ =	shalt  }
0x64: {  	_ =	shalt  }
0x65: {  	_ =	shalt  }
0x66: {  	_ =	shalt  }
0x67: {  	_ =	shalt  }
0x68: {  	_ =	shalt  }
0x69: {  	_ =	shalt  }
0x6a: {  	_ =	shalt  }
0x6b: {  	_ =	shalt  }
0x6c: {  	_ =	shalt  }
0x6d: {  	_ =	shalt  }
0x6e: {  	_ =	shalt  }
0x6f: {  	_ =	shalt  }
0x70: {  	_ =	shalt  }
0x71: {  	_ =	shalt  }
0x72: {  	_ =	shalt  }
0x73: {  	_ =	shalt  }
0x74: {  	_ =	shalt  }
0x75: {  	_ =	shalt  }
0x76: {  	_ =	shalt  }
0x77: {  	_ =	shalt  }
0x78: {  	_ =	shalt  }
0x79: {  	_ =	shalt  }
0x7a: {  	_ =	shalt  }
0x7b: {  	_ =	shalt  }
0x7c: {  	_ =	shalt  }
0x7d: {  	_ =	shalt  }
0x7e: {  	_ =	shalt  }
0x7f: {  	_ =	shalt  }
0x80: {  	_ =	shalt  }
0x81: {  	_ =	shalt  }
0x82: {  	_ =	shalt  }
0x83: {  	_ =	shalt  }
0x84: {  	_ =	shalt  }
0x85: {  	_ =	shalt  }
0x86: {  	_ =	shalt  }
0x87: {  	_ =	shalt  }
.Lfunc_end0:
.L_simem_size_0:
called_computation.3_lowered:
.L_overlay_start_0:
0x88: {  	s2 =	sld [smem:$0x3FD9]  }
0x89: {  	s3 =	sld [smem:$0x3FFE];
	_ =	sdelay $0x1  }
0x8a: {  	s1 =	srdreg.scid  }
0x8b: {  	s0 =	sand.u32 $0x1, s1  }
0x8c: {  	s16 =	sshll.u32 s0, $0xA;
	s2 =	sadd.s32 s3, s2  }
0x8d: {  	s2 =	sadd.s32 s2, s16  }
0x8e: {  	[smem:$0x3FBF] =	sst s2  }
0x8f: {  	_ = 	snop  }
0x90: {  	(tm) =	ssettm $0x1  }
0x91: {  	s17 =	sld [smem:$0x3FFB];
	_ =	sdelay $0x3  }
0x92: {  	_ =	strace s17  }
0x93: {  	s2 =	sld [smem:$0x3FFC];
	_ =	sdelay $0x3  }
0x94: {  	_ =	strace s2  }
0x95: {  	s2 =	sld [smem:$0x3FFD];
	_ =	sdelay $0x3  }
0x96: {  	_ =	strace s2  }
0x97: {  	_ =	strace $0x8FFFFFFF  }
0x98: {  	s18 =	sld [smem:$0x3FDB];
	_ =	sdelay $0x1  }
0x99: {  	s19 =	simm.s32 $_scs_section_size  }
0x9a: {  	s4 =	simm.s32 $_size__tile_overlayer_lowered;
	s5 =	simm.s32 $_tile_overlayer_lowered  }
0x9b: {  	s22 =	simm.s32 $0x1BFF;
	s21 =	sshll.u32 s5, $0x1;
	s2 =	sadd.s32 s19, s18  }
0x9c: {  	s6 =	simm.s32 $0x0;
	s20 =	sshll.u32 s4, $0x1;
	s4 =	sadd.s32 s21, s2  }
0x9d: {  	[timem:s6], [sflag:s22] =	dma.local [hbm:s4], s20  }
0x9e: {  	_ =	swait.ge [sflag:s22], s20  }
0x9f: {  	s3 =	ssub.s32 $0x0, s20;
	[sflag:s22] =	ssyncset.done $0x0  }
0xa0: {  	[sflag:s22] =	ssyncadd.s32 s3;
	_ =	sdelay $0x1  }
0xa1: {  	s23 =	simm.s32 $0x1B8B  }
0xa2: {  	_ =	swait.ge [sflag:s23], $0x1  }
0xa3: {  	[sflag:s23] =	ssyncset.done $0x0  }
0xa4: {  	s25 =	simm.s32 $0x1B8E;
	s24 =	sld [smem:$0x3FFE];
	[sflag:s23] =	ssyncadd.s32 $0xFFFFFFFF  }
0xa5: {  	s26 =	simm.s32 $execute0_lowered;
	[smem:$0x3FD2] =	sst s25  }
0xa6: {  	s4 =	sshll.u32 s26, $0x1;
	_ =	strace $0x8000004F;
	[dreg:$0x1] =	wrdreg $0xFFFFFFFF  }
0xa7: {  	s28 =	simm.s32 $_size_execute0_lowered;
	s2 =	sadd.s32 s2, s4;
	[dreg:$0x0] =	wrdreg $0x0  }
0xa8: {  	s4 =	sshll.u32 s28, $0x1;
	[dreg:$0x2] =	wrdreg s2  }
0xa9: {  	[dreg:$0x3] =	wrdreg s4  }
0xaa: {  	[dreg:$0x4] =	wrdreg $0xC0  }
0xab: {  	_ =	task [dreg:s6], $0x5FFFF  }
0xac: {  	[dreg:$0x1] =	wrdreg $0xFFFFFFFF  }
0xad: {  	[dreg:$0x0] =	wrdreg $0x60  }
0xae: {  	[dreg:$0x2] =	wrdreg s24  }
0xaf: {  	[dreg:$0x3] =	wrdreg $0xA8000  }
0xb0: {  	[dreg:$0x4] =	wrdreg $0x9  }
0xb1: {  	_ =	task.clear_ibuf [dreg:s6], $0x5FFFF;
	_ =	strace $0x9000004F  }
0xb2: {  	s29 =	simm.s32 $0x9;
	_ =	strace $0x80000051  }
0xb3: {  	_ =	swait.ge [sflag:s29], $0x1  }
0xb4: {  	[sflag:s29] =	ssyncadd.s32 $0xFFFFFFFF  }
0xb5: {  	_ =	strace $0x90000051  }
0xb6: {  	_ =	sfence  }
0xb7: {  	s30 =	sld [smem:$0x0];
	_ =	sdelay $0x2  }
0xb8: {  	s31 =	sshll.u32 s1, $0xD;
	s1 =	sshrl.u32 s1, $0x2  }
0xb9: {  	s3 =	sand.u32 $0x4000, s31;
	s1 =	sadd.s32 s1, s30  }
0xba: {  	s0 =	sor.u32 s3, s0;
	s1 =	sshll.u32 s1, $0x11  }
0xbb: {  	s0 =	sor.u32 s1, s0  }
0xbc: {  	s0 =	sadd.s32 $0x8F2B, s0  }
0xbd: {  	[sflag:s0] =	ssyncadd.remote.s32 $0x1  }
0xbe: {  	_ =	sfence.sel $0xFFFF  }
0xbf: {  	[dreg:$0x0] =	wrdreg $0xFFFFFFFF;
	(pc) =	sbr.abs _section_cstart, $3  }
0xc0: {  	[dreg:$0x1] =	wrdreg $0xFFFFFFFF  }
0xc1: {  	_ =	task.clear_ibuf [dreg:s6], $0x2FFFF;
	_ =	strace $0x9FFFFFFF  }
0xc2: {  	(tm) =	ssettm $0x7FFFFFFF  }
0xc3: {  	_ =	shalt  }
tec
execute0_lowered:
.L_overlay_start_1:
0x0: {  	(tag) =	ssettag $0x1  }
0x1: {  	s0 =	srdreg.scid;
	s6 =	rddreg [dreg:$0x0]  }
0x2: {  	s2 =	rddreg [dreg:$0x1];
	s1 =	stileid.u32  }
0x3: {  	s3 =	simm.s32 $0x0;
	s14 =	simm.s32 $0x2800;
	s15 =	simm.s32 $0x6800  }
0x4: {  	s16 =	simm.s32 $0x1;
	s17 =	simm.s32 $0x2;
	s18 =	simm.s32 $0x3  }
0x5: {  	s19 =	simm.s32 $0x4;
	s20 =	simm.s32 $0x2700;
	s21 =	simm.s32 $0x2780  }
0x6: {  	s7 =	sand.u32 $0x1, s0;
	s0 =	rddreg [dreg:$0x2];
	s10 =	smul.u32 $0x4F000, s1  }
0x7: {  	[smem:$0x7FF] =	sst s3;
	s31 =	sshll.u32 s1, $0x6;
	s25 =	smul.u32 $0x2780, s1  }
0x8: {  	s4 =	sshll.u32 s7, $0x4;
	_ =	strace $0x80000050;
	s29 =	ssub.s32 $0x2, s7  }
0x9: {  	s8 =	smul.u32 $0x27800, s7;
	s4 =	sor.u32 s1, s4;
	s7 =	sshrl.u32 s29, $0x1  }
0xa: {  	s30 =	sshrl.u32 s10, $0x2;
	s5 =	smul.u32 $0x500, s4;
	s4 =	sadd.s32 $0xFE00, s6  }
0xb: {  	s11 =	sadd.s32 s8, s6;
	s12 =	ssub.s32 s29, s7;
	s13 =	sadd.s32 s30, s2  }
0xc: {  	s24 =	sadd.s32 $0x69600, s11;
	s10 =	sshrl.u32 s13, $0x3;
	s11 =	simm.s32 $0x5  }
0xd: {  	s13 =	simm.s32 $0x80;
	s9 =	sadd.s32 s5, s6;
	s5 =	sadd.s32 $0xD600, s6  }
0xe: {  	s6 =	sor.u32 $0x1C05, s31;
	s24 =	sadd.s32 s25, s24;
	s25 =	simm.s32 $0x0  }
0xf: {  	s7 =	sadd.s32 $0x5F600, s9;
	s8 =	sadd.s32 $0x3600, s9;
	s9 =	smax.u32 s12, $0x1  }
0x10: {  	s12 =	simm.s32 $0x1400;
	s22 =	sadd.s32 $0x280, s7;
	s23 =	sadd.s32 $0x280, s8  }
.LBB2_1:
0x11: {  	[spmem:s10], [sflag:s6] =	dma.local [hbm:s5], $0x2780  }
0x12: {  	_ =	swait.ge [sflag:s11], $0x2780  }
0x13: {  	[sflag:s11] =	ssyncset.done $0x0  }
0x14: {  	[sflag:s11] =	ssyncadd.s32 $0xFFFFD880  }
0x15: {  	[bflag:$0x0] =	sbarrier.arrive $0xFFFF  }
0x16: {  	[tilespmem:s3], [sflag:$0x5] =	stream.linear.gather [hbm4b:s7+s3], $0x1400, $0x38;
	[tilespmem:$0x1E400] =	vst v63  }
0x17: {  	_ =	swait.ge [sflag:s11], $0x1400  }
0x18: {  	[sflag:s11] =	ssyncset.done $0x0  }
0x19: {  	[sflag:s11] =	ssyncadd.s32 $0xFFFFEC00  }
0x1a: {  	[tilespmem:s12], [sflag:$0x5] =	stream.linear.gather [hbm4b:s8+s3], $0x1400, $0x38;
	[tilespmem:$0x1E400] =	vst v63  }
0x1b: {  	_ =	swait.ge [sflag:s11], $0x1400  }
0x1c: {  	[sflag:s11] =	ssyncset.done $0x0  }
0x1d: {  	[sflag:s11] =	ssyncadd.s32 $0xFFFFEC00  }
0x1e: {  	[tilespmem:s14], [sflag:$0x1] =	stream.indirect.gather [hbm4b:s4+s13], $0x80, s3, s13, $0xb8;
	[tilespmem:$0x1E400] =	vst v63  }
0x1f: {  	_ = 	snop  }
0x20: {  	[tilespmem:s15], [sflag:$0x2] =	stream.indirect.gather [hbm4b:s4+s13], $0x80, s13, s13, $0xb8;
	[tilespmem:$0x1E400] =	vst v63  }
0x21: {  	_ =	swait.ge [sflag:s16], $0x4000  }
0x22: {  	[sflag:s16] =	ssyncset.done $0x0  }
0x23: {  	s26 =	simm.s32 $0x1400;
	[sflag:s16] =	ssyncadd.s32 $0xFFFFC000  }
0x24: {  	[spmem:s2] =	stream.indirect.scatter.add.f32 [tilespmem:s14], [sflag:$0x3], $0x80, s26, s13, $0xb8;
	[tilespmem:$0x1E400] =	vst v63  }
0x25: {  	_ =	swait.ge [sflag:s17], $0x4000  }
0x26: {  	[sflag:s17] =	ssyncset.done $0x0  }
0x27: {  	s30 =	simm.s32 $0x1480;
	[sflag:s17] =	ssyncadd.s32 $0xFFFFC000  }
0x28: {  	[spmem:s2] =	stream.indirect.scatter.add.f32 [tilespmem:s15], [sflag:$0x4], $0x80, s30, s13, $0xb8;
	[tilespmem:$0x1E400] =	vst v63  }
0x29: {  	_ =	swait.ge [sflag:s18], $0x4000  }
0x2a: {  	[sflag:s18] =	ssyncset.done $0x0  }
0x2b: {  	s31 =	simm.s32 $0x100;
	[sflag:s18] =	ssyncadd.s32 $0xFFFFC000  }
0x2c: {  	[tilespmem:s14], [sflag:$0x1] =	stream.indirect.gather [hbm4b:s4+s13], $0x80, s31, s13, $0xb8;
	[tilespmem:$0x1E400] =	vst v63  }
0x2d: {  	_ =	swait.ge [sflag:s19], $0x4000  }
0x2e: {  	[sflag:s19] =	ssyncset.done $0x0  }
0x2f: {  	s28 =	simm.s32 $0x180;
	s26 =	simm.s32 $0x400;
	[sflag:s19] =	ssyncadd.s32 $0xFFFFC000  }
.LBB2_2:
0x30: {  	[tilespmem:s15], [sflag:$0x2] =	stream.indirect.gather [hbm4b:s4+s13], $0x80, s28, s13, $0xb8;
	[tilespmem:$0x1E400] =	vst v63  }
0x31: {  	s28 =	smov.u32 s26  }
0x32: {  	p0 =	sne.s32 s26, $0x4800;
	s26 =	sadd.s32 $0x400, s26;
	_ =	swait.ge [sflag:s16], $0x4000  }
0x33: {  	s28 =	sshra.s32 s28, $0x2;
	[sflag:s16] =	ssyncset.done $0x0  }
0x34: {  	s29 =	sadd.s32 $0x1400, s28;
	[sflag:s16] =	ssyncadd.s32 $0xFFFFC000  }
0x35: {  	[spmem:s2] =	stream.indirect.scatter.add.f32 [tilespmem:s14], [sflag:$0x3], $0x80, s29, s13, $0xb8;
	[tilespmem:$0x1E400] =	vst v63  }
0x36: {  	_ =	swait.ge [sflag:s17], $0x4000  }
0x37: {  	[sflag:s17] =	ssyncset.done $0x0  }
0x38: {  	s29 =	sadd.s32 $0x1480, s28;
	[sflag:s17] =	ssyncadd.s32 $0xFFFFC000  }
0x39: {  	[spmem:s2] =	stream.indirect.scatter.add.f32 [tilespmem:s15], [sflag:$0x4], $0x80, s29, s13, $0xb8;
	[tilespmem:$0x1E400] =	vst v63  }
0x3a: {  	_ =	swait.ge [sflag:s18], $0x4000  }
0x3b: {  	[sflag:s18] =	ssyncset.done $0x0  }
.Ltmp0:
0x3c: {  	s29 =	sadd.s32 $0x100, s28;
	[sflag:s18] =	ssyncadd.s32 $0xFFFFC000;
	(pc) =	sbr.rel @p0 .LBB2_2-.Ltmp0, $4  }
0x3d: {  	[tilespmem:s14], [sflag:$0x1] =	stream.indirect.gather [hbm4b:s4+s13], $0x80, s29, s13, $0xb8;
	[tilespmem:$0x1E400] =	vst v63  }
0x3e: {  	_ =	swait.ge [sflag:s19], $0x4000  }
0x3f: {  	[sflag:s19] =	ssyncset.done $0x0  }
0x40: {  	s28 =	sadd.s32 $0x180, s28;
	[sflag:s19] =	ssyncadd.s32 $0xFFFFC000  }
0x41: {  	[tilespmem:s15], [sflag:$0x2] =	stream.indirect.gather [hbm4b:s4+s13], $0x80, s28, s13, $0xb8;
	[tilespmem:$0x1E400] =	vst v63  }
0x42: {  	_ =	swait.ge [sflag:s16], $0x4000  }
0x43: {  	[sflag:s16] =	ssyncset.done $0x0  }
0x44: {  	[sflag:s16] =	ssyncadd.s32 $0xFFFFC000  }
0x45: {  	[spmem:s2] =	stream.indirect.scatter.add.f32 [tilespmem:s14], [sflag:$0x3], $0x80, s20, s13, $0xb8;
	[tilespmem:$0x1E400] =	vst v63  }
0x46: {  	_ =	swait.ge [sflag:s17], $0x4000  }
0x47: {  	[sflag:s17] =	ssyncset.done $0x0  }
0x48: {  	[sflag:s17] =	ssyncadd.s32 $0xFFFFC000  }
0x49: {  	[spmem:s2] =	stream.indirect.scatter.add.f32 [tilespmem:s15], [sflag:$0x4], $0x80, s21, s13, $0xb8;
	[tilespmem:$0x1E400] =	vst v63  }
0x4a: {  	_ =	swait.ge [sflag:s18], $0x4000  }
0x4b: {  	[sflag:s18] =	ssyncset.done $0x0  }
0x4c: {  	[sflag:s18] =	ssyncadd.s32 $0xFFFFC000  }
0x4d: {  	_ =	swait.ge [sflag:s19], $0x4000  }
0x4e: {  	[sflag:s19] =	ssyncset.done $0x0  }
0x4f: {  	s26 =	simm.s32 $0x0;
	[sflag:s19] =	ssyncadd.s32 $0xFFFFC000  }
0x50: {  	[tilespmem:s26], [sflag:$0x5] =	stream.linear.gather [hbm4b:s22+s26], $0x1400, $0x38;
	[tilespmem:$0x1E400] =	vst v63  }
0x51: {  	_ =	swait.ge [sflag:s11], $0x1400  }
0x52: {  	[sflag:s11] =	ssyncset.done $0x0  }
0x53: {  	[sflag:s11] =	ssyncadd.s32 $0xFFFFEC00  }
0x54: {  	[tilespmem:s12], [sflag:$0x5] =	stream.linear.gather [hbm4b:s23+s26], $0x1400, $0x38;
	[tilespmem:$0x1E400] =	vst v63  }
0x55: {  	_ =	swait.ge [sflag:s11], $0x1400  }
0x56: {  	[sflag:s11] =	ssyncset.done $0x0  }
0x57: {  	[sflag:s11] =	ssyncadd.s32 $0xFFFFEC00  }
0x58: {  	[tilespmem:s14], [sflag:$0x1] =	stream.indirect.gather [hbm4b:s4+s13], $0x80, s26, s13, $0xb8;
	[tilespmem:$0x1E400] =	vst v63  }
0x59: {  	_ = 	snop  }
0x5a: {  	[tilespmem:s15], [sflag:$0x2] =	stream.indirect.gather [hbm4b:s4+s13], $0x80, s13, s13, $0xb8;
	[tilespmem:$0x1E400] =	vst v63  }
0x5b: {  	_ =	swait.ge [sflag:s16], $0x4000  }
0x5c: {  	[sflag:s16] =	ssyncset.done $0x0  }
0x5d: {  	s29 =	simm.s32 $0x1400;
	[sflag:s16] =	ssyncadd.s32 $0xFFFFC000  }
0x5e: {  	[spmem:s2] =	stream.indirect.scatter.add.f32 [tilespmem:s14], [sflag:$0x3], $0x80, s29, s13, $0xb8;
	[tilespmem:$0x1E400] =	vst v63  }
0x5f: {  	_ =	swait.ge [sflag:s17], $0x4000  }
0x60: {  	[sflag:s17] =	ssyncset.done $0x0  }
0x61: {  	s30 =	simm.s32 $0x1480;
	[sflag:s17] =	ssyncadd.s32 $0xFFFFC000  }
0x62: {  	[spmem:s2] =	stream.indirect.scatter.add.f32 [tilespmem:s15], [sflag:$0x4], $0x80, s30, s13, $0xb8;
	[tilespmem:$0x1E400] =	vst v63  }
0x63: {  	_ =	swait.ge [sflag:s18], $0x4000  }
0x64: {  	[sflag:s18] =	ssyncset.done $0x0  }
0x65: {  	s31 =	simm.s32 $0x100;
	[sflag:s18] =	ssyncadd.s32 $0xFFFFC000  }
0x66: {  	[tilespmem:s14], [sflag:$0x1] =	stream.indirect.gather [hbm4b:s4+s13], $0x80, s31, s13, $0xb8;
	[tilespmem:$0x1E400] =	vst v63  }
0x67: {  	_ =	swait.ge [sflag:s19], $0x4000  }
0x68: {  	[sflag:s19] =	ssyncset.done $0x0  }
0x69: {  	s28 =	simm.s32 $0x180;
	s26 =	simm.s32 $0x400;
	[sflag:s19] =	ssyncadd.s32 $0xFFFFC000  }
.LBB2_4:
0x6a: {  	[tilespmem:s15], [sflag:$0x2] =	stream.indirect.gather [hbm4b:s4+s13], $0x80, s28, s13, $0xb8;
	[tilespmem:$0x1E400] =	vst v63  }
0x6b: {  	s28 =	smov.u32 s26  }
0x6c: {  	p0 =	sne.s32 s26, $0x4800;
	s26 =	sadd.s32 $0x400, s26;
	_ =	swait.ge [sflag:s16], $0x4000  }
0x6d: {  	s28 =	sshra.s32 s28, $0x2;
	[sflag:s16] =	ssyncset.done $0x0  }
0x6e: {  	s29 =	sadd.s32 $0x1400, s28;
	[sflag:s16] =	ssyncadd.s32 $0xFFFFC000  }
0x6f: {  	[spmem:s2] =	stream.indirect.scatter.add.f32 [tilespmem:s14], [sflag:$0x3], $0x80, s29, s13, $0xb8;
	[tilespmem:$0x1E400] =	vst v63  }
0x70: {  	_ =	swait.ge [sflag:s17], $0x4000  }
0x71: {  	[sflag:s17] =	ssyncset.done $0x0  }
0x72: {  	s29 =	sadd.s32 $0x1480, s28;
	[sflag:s17] =	ssyncadd.s32 $0xFFFFC000  }
0x73: {  	[spmem:s2] =	stream.indirect.scatter.add.f32 [tilespmem:s15], [sflag:$0x4], $0x80, s29, s13, $0xb8;
	[tilespmem:$0x1E400] =	vst v63  }
0x74: {  	_ =	swait.ge [sflag:s18], $0x4000  }
0x75: {  	[sflag:s18] =	ssyncset.done $0x0  }
.Ltmp1:
0x76: {  	s29 =	sadd.s32 $0x100, s28;
	[sflag:s18] =	ssyncadd.s32 $0xFFFFC000;
	(pc) =	sbr.rel @p0 .LBB2_4-.Ltmp1, $4  }
0x77: {  	[tilespmem:s14], [sflag:$0x1] =	stream.indirect.gather [hbm4b:s4+s13], $0x80, s29, s13, $0xb8;
	[tilespmem:$0x1E400] =	vst v63  }
0x78: {  	_ =	swait.ge [sflag:s19], $0x4000  }
0x79: {  	[sflag:s19] =	ssyncset.done $0x0  }
0x7a: {  	s28 =	sadd.s32 $0x180, s28;
	[sflag:s19] =	ssyncadd.s32 $0xFFFFC000  }
0x7b: {  	[tilespmem:s15], [sflag:$0x2] =	stream.indirect.gather [hbm4b:s4+s13], $0x80, s28, s13, $0xb8;
	[tilespmem:$0x1E400] =	vst v63  }
0x7c: {  	_ =	swait.ge [sflag:s16], $0x4000  }
0x7d: {  	[sflag:s16] =	ssyncset.done $0x0  }
0x7e: {  	[sflag:s16] =	ssyncadd.s32 $0xFFFFC000  }
0x7f: {  	[spmem:s2] =	stream.indirect.scatter.add.f32 [tilespmem:s14], [sflag:$0x3], $0x80, s20, s13, $0xb8;
	[tilespmem:$0x1E400] =	vst v63  }
0x80: {  	_ =	swait.ge [sflag:s17], $0x4000  }
0x81: {  	[sflag:s17] =	ssyncset.done $0x0  }
0x82: {  	[sflag:s17] =	ssyncadd.s32 $0xFFFFC000  }
0x83: {  	[spmem:s2] =	stream.indirect.scatter.add.f32 [tilespmem:s15], [sflag:$0x4], $0x80, s21, s13, $0xb8;
	[tilespmem:$0x1E400] =	vst v63  }
0x84: {  	_ =	swait.ge [sflag:s18], $0x4000  }
0x85: {  	[sflag:s18] =	ssyncset.done $0x0  }
0x86: {  	[sflag:s18] =	ssyncadd.s32 $0xFFFFC000  }
0x87: {  	_ =	swait.ge [sflag:s19], $0x4000  }
0x88: {  	s25 =	sadd.s32 $0x1, s25;
	[sflag:s19] =	ssyncset.done $0x0  }
0x89: {  	p0 =	sne.s32 s25, s9;
	[sflag:s19] =	ssyncadd.s32 $0xFFFFC000  }
.Ltmp2:
0x8a: {  	[bflag:$0x0] =	sbarrier.arrive $0xFFFF;
	(pc) =	sbr.rel @p0 .LBB2_1-.Ltmp2, $4  }
0x8b: {  	[hbm:s24], [sflag:s6] =	dma.local [spmem:s10], $0x2780  }
0x8c: {  	_ =	swait.ge [sflag:s11], $0x2780  }
0x8d: {  	[sflag:s11] =	ssyncset.done $0x0  }
0x8e: {  	[sflag:s11] =	ssyncadd.s32 $0xFFFFD880  }
0x8f: {  	_ =	sfence.sel $0x180000  }
0x90: {  	[bflag:$0x0] =	sbarrier.arrive $0xFFFF  }
0x91: {  	p0 =	sne.s32 s1, $0x0;
	_ =	strace $0x90000050  }
0x92: {  	s0 =	sadd.s32 @!p0 $0x100000, s0;
	[bflag:$0x2] =	sbarrier.arrive $0xFFFF  }
0x93: {  	[sflag:s0] =	ssyncadd.tile.s32 @!p0 $0x1;
	_ =	shalt  }
.Lfunc_end2:
_tile_overlayer_lowered:
.L_overlay_start_2:
0x94: {  	(tag) =	ssettag $0x2  }
0x95: {  	s0 =	rddreg [dreg:$0x0];
	s2 =	stileid.u32  }
0x96: {  	s1 =	rddreg [dreg:$0x1];
	p0 =	sne.s32 s2, $0x0  }
0x97: {  	s3 =	rddreg [dreg:$0x2];
	[bflag:$0x3] =	sbarrier.arrive $0xFFFF;
	s2 =	simm.s32 @!p0 $0x1C05  }
0x98: {  	[timem:s3], [sflag:s2] =	dma.local @!p0 [hbm:s0], s1  }
0x99: {  	s0 =	simm.s32 @!p0 $0x5  }
0x9a: {  	_ =	swait.ge @!p0 [sflag:s0], s1  }
0x9b: {  	s1 =	ssub.s32 @!p0 $0x0, s1;
	[sflag:s0] =	ssyncset.done @!p0 $0x0  }
0x9c: {  	[sflag:s0] =	ssyncadd.s32 @!p0 s1  }
0x9d: {  	[bflag:$0x3] =	sbarrier.arrive $0xFFFF  }
0x9e: {  	_ =	shalt  }

</sc_bundles>
